<compile_context>
chip_gen: v7x
topology: tpu7x:2x2x1
jax: 0.10.2.dev20260603
libtpu: 0.0.44.dev20260713+nightly
codegen_flags: <defaults>
</compile_context>

<pallas_src>
import functools

import jax
import jax.numpy as jnp
from jax import lax
from jax.experimental import pallas as pl
from jax.experimental.pallas import tpu as pltpu
from jax.experimental.pallas import tpu_sc as plsc

N = 10000
E = 320000
D_IN = 128
D = 64

NC = 2
NS = 16
NW = NC * NS
CHUNK = 128
CHUNKS = 80
E_PAD = NW * CHUNKS * CHUNK
BIN = N
N_ACC = 10112
RPT = N_ACC // NS

BLK = 400


def _sc_degree(dst3, z16, ones16):
    mesh = plsc.VectorSubcoreMesh(core_axis_name="c", subcore_axis_name="s")

    @functools.partial(
        pl.kernel,
        out_type=jax.ShapeDtypeStruct((NC * N_ACC, 16), jnp.float32),
        mesh=mesh,
        compiler_params=pltpu.CompilerParams(use_tc_tiling_on_sc=False),
        scratch_types=[
            pltpu.VMEM((CHUNKS, CHUNK), jnp.int32),
            pltpu.VMEM((CHUNK, 16), jnp.float32),
            pltpu.VMEM_SHARED((N_ACC, 16), jnp.float32),
            pltpu.SemaphoreType.DMA,
        ],
    )
    def deg_kernel(dst_hbm, z_hbm, ones_hbm, out_hbm, dstv, onesv, acc, sem):
        c = lax.axis_index("c")
        s = lax.axis_index("s")
        wid = s * NC + c
        row0 = s * RPT
        pltpu.sync_copy(z_hbm.at[pl.ds(row0, RPT)], acc.at[pl.ds(row0, RPT)])
        pltpu.sync_copy(ones_hbm, onesv)
        pltpu.sync_copy(dst_hbm.at[wid], dstv)
        plsc.subcore_barrier()

        def fire(j, carry):
            pltpu.async_copy(onesv, acc.at[dstv.at[j]], sem, add=True)
            return carry

        def drain(j, carry):
            pltpu.make_async_copy(onesv, acc.at[dstv.at[j]], sem).wait()
            return carry

        def group(g, carry):
            lax.fori_loop(g * 20, g * 20 + 20, fire, 0)
            lax.fori_loop(g * 20, g * 20 + 20, drain, 0)
            return carry

        lax.fori_loop(0, CHUNKS // 20, group, 0)
        plsc.subcore_barrier()
        pltpu.sync_copy(acc.at[pl.ds(row0, RPT)],
                        out_hbm.at[pl.ds(c * N_ACC + row0, RPT)])

    return deg_kernel(dst3, z16, ones16)


def _sc_message(src3, dst3, u, z64):
    mesh = plsc.VectorSubcoreMesh(core_axis_name="c", subcore_axis_name="s")

    @functools.partial(
        pl.kernel,
        out_type=jax.ShapeDtypeStruct((NC * N_ACC, D), jnp.float32),
        mesh=mesh,
        compiler_params=pltpu.CompilerParams(use_tc_tiling_on_sc=False),
        scratch_types=[
            pltpu.VMEM((CHUNKS + 4, CHUNK), jnp.int32),
            pltpu.VMEM((CHUNKS, CHUNK), jnp.int32),
            pltpu.VMEM((4, CHUNK, D), jnp.float32),
            pltpu.VMEM_SHARED((N_ACC, D), jnp.float32),
            [pltpu.SemaphoreType.DMA] * 4,
            [pltpu.SemaphoreType.DMA] * 4,
        ],
    )
    def msg_kernel(src_hbm, dst_hbm, u_hbm, z_hbm, out_hbm,
                   srcv, dstv, bufs, acc, gsems, ssems):
        c = lax.axis_index("c")
        s = lax.axis_index("s")
        wid = s * NC + c
        row0 = s * RPT
        pltpu.sync_copy(z_hbm.at[pl.ds(row0, RPT)], acc.at[pl.ds(row0, RPT)])
        pltpu.sync_copy(src_hbm.at[wid], srcv)
        pltpu.sync_copy(dst_hbm.at[wid], dstv)
        plsc.subcore_barrier()

        for b in range(4):
            pltpu.async_copy(u_hbm.at[srcv.at[b]], bufs.at[b], gsems[b])

        def group(g, carry):
            j0 = 4 * g
            for b in range(4):
                pltpu.make_async_copy(
                    u_hbm.at[srcv.at[j0 + b]], bufs.at[b], gsems[b]).wait()
                pltpu.async_copy(
                    bufs.at[b], acc.at[dstv.at[j0 + b]], ssems[b], add=True)
            for b in range(4):
                pltpu.make_async_copy(
                    bufs.at[b], acc.at[dstv.at[j0 + b]], ssems[b]).wait()
                pltpu.async_copy(
                    u_hbm.at[srcv.at[j0 + 4 + b]], bufs.at[b], gsems[b])
            return carry

        lax.fori_loop(0, CHUNKS // 4, group, 0)
        for b in range(4):
            pltpu.make_async_copy(
                u_hbm.at[srcv.at[CHUNKS + b]], bufs.at[b], gsems[b]).wait()

        plsc.subcore_barrier()
        pltpu.sync_copy(acc.at[pl.ds(row0, RPT)],
                        out_hbm.at[pl.ds(c * N_ACC + row0, RPT)])

    return msg_kernel(src3, dst3, u, z64)


def _tc_stage1(dp, x, W1):
    def body(dp_ref, x_ref, w_ref, u_ref):
        deg = dp_ref[0] + dp_ref[1] + 1.0
        dinv = lax.rsqrt(deg[:, 0:1])
        h = jnp.dot(x_ref[...], w_ref[...],
                    preferred_element_type=jnp.float32,
                    precision=lax.Precision.HIGHEST)
        u_ref[...] = h * dinv

    return pl.pallas_call(
        body,
        grid=(N // BLK,),
        in_specs=[
            pl.BlockSpec((2, BLK, 16), lambda i: (0, i, 0)),
            pl.BlockSpec((BLK, D_IN), lambda i: (i, 0)),
            pl.BlockSpec((D_IN, D), lambda i: (0, 0)),
        ],
        out_specs=pl.BlockSpec((BLK, D), lambda i: (i, 0)),
        out_shape=jax.ShapeDtypeStruct((N, D), jnp.float32),
    )(dp, x, W1)


def _tc_stage2(Sa, u1, dp, b1):
    def body(sa_ref, u1_ref, dp_ref, b1_ref, u2_ref):
        deg = dp_ref[0] + dp_ref[1] + 1.0
        dinv = lax.rsqrt(deg[:, 0:1])
        ssum = sa_ref[0] + sa_ref[1] + u1_ref[...]
        h = jnp.maximum(dinv * ssum + b1_ref[...], 0.0)
        u2_ref[...] = dinv * h

    return pl.pallas_call(
        body,
        grid=(N // BLK,),
        in_specs=[
            pl.BlockSpec((2, BLK, D), lambda i: (0, i, 0)),
            pl.BlockSpec((BLK, D), lambda i: (i, 0)),
            pl.BlockSpec((2, BLK, 16), lambda i: (0, i, 0)),
            pl.BlockSpec((1, D), lambda i: (0, 0)),
        ],
        out_specs=pl.BlockSpec((BLK, D), lambda i: (i, 0)),
        out_shape=jax.ShapeDtypeStruct((N, D), jnp.float32),
    )(Sa, u1, dp, b1)


def _tc_stage3(Sb, u2, dp, Wmu, bmu, Wlv, blv, Wl, bl):
    def body(sb_ref, u2_ref, dp_ref, wmu_ref, bmu_ref, wlv_ref, blv_ref,
             wl_ref, bl_ref, recon_ref, mu_ref, lv_ref):
        deg = dp_ref[0] + dp_ref[1] + 1.0
        dinv = lax.rsqrt(deg[:, 0:1])
        g = dinv * (sb_ref[0] + sb_ref[1] + u2_ref[...])
        mm = functools.partial(jnp.dot, preferred_element_type=jnp.float32,
                               precision=lax.Precision.HIGHEST)
        mu = mm(g, wmu_ref[...]) + bmu_ref[...]
        lv = mm(g, wlv_ref[...]) + blv_ref[...]
        r = mm(mu, wl_ref[...]) + bl_ref[...]
        recon_ref[...] = 1.0 / (1.0 + jnp.exp(-r))
        mu_ref[...] = mu
        lv_ref[...] = lv

    return pl.pallas_call(
        body,
        grid=(N // BLK,),
        in_specs=[
            pl.BlockSpec((2, BLK, D), lambda i: (0, i, 0)),
            pl.BlockSpec((BLK, D), lambda i: (i, 0)),
            pl.BlockSpec((2, BLK, 16), lambda i: (0, i, 0)),
            pl.BlockSpec((D, D), lambda i: (0, 0)),
            pl.BlockSpec((1, D), lambda i: (0, 0)),
            pl.BlockSpec((D, D), lambda i: (0, 0)),
            pl.BlockSpec((1, D), lambda i: (0, 0)),
            pl.BlockSpec((D, D_IN), lambda i: (0, 0)),
            pl.BlockSpec((1, D_IN), lambda i: (0, 0)),
        ],
        out_specs=[
            pl.BlockSpec((BLK, D_IN), lambda i: (i, 0)),
            pl.BlockSpec((BLK, D), lambda i: (i, 0)),
            pl.BlockSpec((BLK, D), lambda i: (i, 0)),
        ],
        out_shape=[
            jax.ShapeDtypeStruct((N, D_IN), jnp.float32),
            jax.ShapeDtypeStruct((N, D), jnp.float32),
            jax.ShapeDtypeStruct((N, D), jnp.float32),
        ],
    )(Sb, u2, dp, Wmu, bmu, Wlv, blv, Wl, bl)


def kernel(x, edge_index, W1, b1, Wmu, bmu, Wlv, blv, Wl, bl):
    src = edge_index[0].astype(jnp.int32)
    dst = edge_index[1].astype(jnp.int32)
    pad = E_PAD - E
    src_p = jnp.concatenate([src, jnp.zeros((pad,), jnp.int32)])
    dst_p = jnp.concatenate([dst, jnp.full((pad,), BIN, jnp.int32)])
    src3 = jnp.concatenate(
        [src_p.reshape(NW, CHUNKS, CHUNK),
         jnp.zeros((NW, 4, CHUNK), jnp.int32)], axis=1)
    dst3 = dst_p.reshape(NW, CHUNKS, CHUNK)

    z16 = jnp.zeros((N_ACC, 16), jnp.float32)
    z64 = jnp.zeros((N_ACC, D), jnp.float32)
    ones16 = jnp.ones((CHUNK, 16), jnp.float32)

    dp = _sc_degree(dst3, z16, ones16).reshape(NC, N_ACC, 16)[:, :N, :]
    u1 = _tc_stage1(dp, x, W1)
    Sa = _sc_message(src3, dst3, u1, z64).reshape(NC, N_ACC, D)[:, :N, :]
    u2 = _tc_stage2(Sa, u1, dp, b1.reshape(1, D))
    Sb = _sc_message(src3, dst3, u2, z64).reshape(NC, N_ACC, D)[:, :N, :]
    recon, mu, logvar = _tc_stage3(Sb, u2, dp, Wmu, bmu.reshape(1, D),
                                   Wlv, blv.reshape(1, D),
                                   Wl, bl.reshape(1, D_IN))
    return (recon, mu, logvar)

# --- scband reference (transcript-rebuilt; emitter-appended) ---
"""Pipeline reference for scband-graph-vae-23845658427756 (READ-ONLY COPY).

The authoritative reference and input builder live on the scoring server;
editing this copy changes nothing except your own understanding.
"""

import jax, jax.numpy as jnp
import numpy as np

N_NODES = 10000
N_EDGES = 320000
D_IN = 128
D_OUT = 64


def gcn_conv(x, edge_index, W, b):
    # PyG GCNConv: add self-loops, symmetric normalization D^-1/2 (A+I) D^-1/2 X W + b
    n = x.shape[0]
    src = edge_index[0]
    dst = edge_index[1]
    loop = jnp.arange(n, dtype=edge_index.dtype)
    src = jnp.concatenate([src, loop])
    dst = jnp.concatenate([dst, loop])
    deg = jnp.zeros((n,), dtype=x.dtype).at[dst].add(1.0)
    dinv = jax.lax.rsqrt(deg)  # deg >= 1 thanks to self-loops
    norm = dinv[src] * dinv[dst]
    h = x @ W
    msg = h[src] * norm[:, None]
    out = jnp.zeros((n, W.shape[1]), dtype=x.dtype).at[dst].add(msg)
    return out + b


def setup_inputs(seed: int = 0) -> dict:
    key = jax.random.key(seed)
    ks = jax.random.split(key, 12)
    x = jax.random.normal(ks[0], (N_NODES, D_IN), dtype=jnp.float32)
    edge_index = jax.random.randint(ks[1], (2, N_EDGES), 0, N_NODES, dtype=jnp.int64)
    s1 = 1.0 / np.sqrt(D_IN)
    s2 = 1.0 / np.sqrt(D_OUT)
    W1 = jax.random.normal(ks[2], (D_IN, D_OUT), dtype=jnp.float32) * s1
    b1 = jnp.zeros((D_OUT,), dtype=jnp.float32)
    Wmu = jax.random.normal(ks[3], (D_OUT, D_OUT), dtype=jnp.float32) * s2
    bmu = jnp.zeros((D_OUT,), dtype=jnp.float32)
    Wlv = jax.random.normal(ks[4], (D_OUT, D_OUT), dtype=jnp.float32) * s2
    blv = jnp.zeros((D_OUT,), dtype=jnp.float32)
    Wl = jax.random.normal(ks[5], (D_OUT, D_IN), dtype=jnp.float32) * s2
    bl = jnp.zeros((D_IN,), dtype=jnp.float32)
    return {"x": x, "edge_index": edge_index, "W1": W1, "b1": b1,
            "Wmu": Wmu, "bmu": bmu, "Wlv": Wlv, "blv": blv, "Wl": Wl, "bl": bl}


def reference(x, edge_index, W1, b1, Wmu, bmu, Wlv, blv, Wl, bl):
    h = jax.nn.relu(gcn_conv(x, edge_index, W1, b1))
    mu = gcn_conv(h, edge_index, Wmu, bmu)
    logvar = gcn_conv(h, edge_index, Wlv, blv)
    z = mu  # eval-mode reparameterize (deterministic reference)
    recon = jax.nn.sigmoid(z @ Wl + bl)
    return (recon, mu, logvar)

if __name__ == "__main__":
    import jax
    _d = setup_inputs()
    print(jax.jit(kernel)(*tuple(_d.values())))

</pallas_src>

<mosaic_0001>
#map = affine_map<(d0, d1) -> (0, 0, 0)>
#map1 = affine_map<(d0, d1) -> (0, 0)>
module attributes {stable_mosaic.version = 14 : i64} {
  func.func @msg_kernel(%arg0: i32, %arg1: i32, %arg2: memref<32x84x128xi32, #tpu.memory_space<hbm>>, %arg3: memref<32x80x128xi32, #tpu.memory_space<hbm>>, %arg4: memref<10000x64xf32, #tpu.memory_space<hbm>>, %arg5: memref<10112x64xf32, #tpu.memory_space<hbm>>, %arg6: memref<20224x64xf32, #tpu.memory_space<hbm>>, %arg7: memref<84x128xi32, #tpu.memory_space<vmem>>, %arg8: memref<80x128xi32, #tpu.memory_space<vmem>>, %arg9: memref<4x128x64xf32, #tpu.memory_space<vmem>>, %arg10: memref<10112x64xf32, #tpu.memory_space<vmem_shared>>, %arg11: memref<!tpu.dma_semaphore, #tpu.memory_space<semaphore_mem>>, %arg12: memref<!tpu.dma_semaphore, #tpu.memory_space<semaphore_mem>>, %arg13: memref<!tpu.dma_semaphore, #tpu.memory_space<semaphore_mem>>, %arg14: memref<!tpu.dma_semaphore, #tpu.memory_space<semaphore_mem>>, %arg15: memref<!tpu.dma_semaphore, #tpu.memory_space<semaphore_mem>>, %arg16: memref<!tpu.dma_semaphore, #tpu.memory_space<semaphore_mem>>, %arg17: memref<!tpu.dma_semaphore, #tpu.memory_space<semaphore_mem>>, %arg18: memref<!tpu.dma_semaphore, #tpu.memory_space<semaphore_mem>>) attributes {dimension_semantics = [#tpu.dimension_semantics<core_parallel>, #tpu.dimension_semantics<subcore_parallel>], iteration_bounds = array<i64: 2, 16>, scalar_prefetch = 0 : i64, scratch_operands = 12 : i64, tpu.core_type = #tpu.core_type<sc_vector_subcore>, window_params = [{transform_indices = #map}, {transform_indices = #map}, {transform_indices = #map1}, {transform_indices = #map1}, {transform_indices = #map1}]} {
    %mul3A = arith.constant 2 : i32
    %mul3A_0 = arith.muli %arg1, %mul3A : i32
    %add3A = arith.addi %mul3A_0, %arg0 : i32
    %mul3A_1 = arith.constant 632 : i32
    %mul3A_2 = arith.muli %arg1, %mul3A_1 : i32
    "tpu.region"() ({
      %run_scoped3A = tpu.sem_alloc : memref<!tpu.dma_semaphore, #tpu.memory_space<semaphore_mem>>
      %dma_start3A_106 = arith.constant 0 : i32
      %dma_start3A_107 = tpu.memref_slice %arg10[%mul3A_2, %dma_start3A_106] : memref<10112x64xf32, #tpu.memory_space<vmem_shared>> -> memref<632x64xf32, #tpu.memory_space<vmem_shared>>
      %dma_start3A_108 = arith.constant 0 : i32
      %dma_start3A_109 = tpu.memref_slice %arg5[%mul3A_2, %dma_start3A_108] : memref<10112x64xf32, #tpu.memory_space<hbm>> -> memref<632x64xf32, #tpu.memory_space<hbm>>
      tpu.enqueue_dma source(%dma_start3A_109 : memref<632x64xf32, #tpu.memory_space<hbm>>) target(%dma_start3A_107 : memref<632x64xf32, #tpu.memory_space<vmem_shared>>) target_semaphore(%run_scoped3A : memref<!tpu.dma_semaphore, #tpu.memory_space<semaphore_mem>>)
      %dma_wait3A_110 = arith.constant 0 : i32
      %dma_wait3A_111 = tpu.memref_slice %arg10[%mul3A_2, %dma_wait3A_110] : memref<10112x64xf32, #tpu.memory_space<vmem_shared>> -> memref<632x64xf32, #tpu.memory_space<vmem_shared>>
      %dma_wait3A_112 = arith.constant 0 : i32
      %dma_wait3A_113 = tpu.memref_slice %arg5[%mul3A_2, %dma_wait3A_112] : memref<10112x64xf32, #tpu.memory_space<hbm>> -> memref<632x64xf32, #tpu.memory_space<hbm>>
      tpu.wait_dma2 semaphore(%run_scoped3A : memref<!tpu.dma_semaphore, #tpu.memory_space<semaphore_mem>>) src(%dma_wait3A_113 : memref<632x64xf32, #tpu.memory_space<hbm>>) dst(%dma_wait3A_111 : memref<632x64xf32, #tpu.memory_space<vmem_shared>>)
      tpu.yield
    }) : () -> ()
    "tpu.region"() ({
      %run_scoped3A = tpu.sem_alloc : memref<!tpu.dma_semaphore, #tpu.memory_space<semaphore_mem>>
      %dma_start3A_106 = arith.constant 0 : i32
      %dma_start3A_107 = arith.constant 0 : i32
      %dma_start3A_108 = tpu.memref_slice %arg2[%add3A, %dma_start3A_106, %dma_start3A_107] : memref<32x84x128xi32, #tpu.memory_space<hbm>> -> memref<1x84x128xi32, #tpu.memory_space<hbm>>
      %dma_start3A_109 = tpu.memref_squeeze %dma_start3A_108 : memref<1x84x128xi32, #tpu.memory_space<hbm>> -> memref<84x128xi32, #tpu.memory_space<hbm>>
      %dma_start3A_110 = arith.constant 0 : i32
      %dma_start3A_111 = arith.constant 0 : i32
      %dma_start3A_112 = tpu.memref_slice %arg2[%add3A, %dma_start3A_110, %dma_start3A_111] : memref<32x84x128xi32, #tpu.memory_space<hbm>> -> memref<1x84x128xi32, #tpu.memory_space<hbm>>
      %dma_start3A_113 = tpu.memref_squeeze %dma_start3A_112 : memref<1x84x128xi32, #tpu.memory_space<hbm>> -> memref<84x128xi32, #tpu.memory_space<hbm>>
      tpu.enqueue_dma source(%dma_start3A_113 : memref<84x128xi32, #tpu.memory_space<hbm>>) target(%arg7 : memref<84x128xi32, #tpu.memory_space<vmem>>) target_semaphore(%run_scoped3A : memref<!tpu.dma_semaphore, #tpu.memory_space<semaphore_mem>>)
      %dma_wait3A_114 = arith.constant 0 : i32
      %dma_wait3A_115 = arith.constant 0 : i32
      %dma_wait3A_116 = tpu.memref_slice %arg2[%add3A, %dma_wait3A_114, %dma_wait3A_115] : memref<32x84x128xi32, #tpu.memory_space<hbm>> -> memref<1x84x128xi32, #tpu.memory_space<hbm>>
      %dma_wait3A_117 = tpu.memref_squeeze %dma_wait3A_116 : memref<1x84x128xi32, #tpu.memory_space<hbm>> -> memref<84x128xi32, #tpu.memory_space<hbm>>
      %dma_wait3A_118 = arith.constant 0 : i32
      %dma_wait3A_119 = arith.constant 0 : i32
      %dma_wait3A_120 = tpu.memref_slice %arg2[%add3A, %dma_wait3A_118, %dma_wait3A_119] : memref<32x84x128xi32, #tpu.memory_space<hbm>> -> memref<1x84x128xi32, #tpu.memory_space<hbm>>
      %dma_wait3A_121 = tpu.memref_squeeze %dma_wait3A_120 : memref<1x84x128xi32, #tpu.memory_space<hbm>> -> memref<84x128xi32, #tpu.memory_space<hbm>>
      tpu.wait_dma2 semaphore(%run_scoped3A : memref<!tpu.dma_semaphore, #tpu.memory_space<semaphore_mem>>) src(%dma_wait3A_121 : memref<84x128xi32, #tpu.memory_space<hbm>>) dst(%arg7 : memref<84x128xi32, #tpu.memory_space<vmem>>)
      tpu.yield
    }) : () -> ()
    "tpu.region"() ({
      %run_scoped3A = tpu.sem_alloc : memref<!tpu.dma_semaphore, #tpu.memory_space<semaphore_mem>>
      %dma_start3A_106 = arith.constant 0 : i32
      %dma_start3A_107 = arith.constant 0 : i32
      %dma_start3A_108 = tpu.memref_slice %arg3[%add3A, %dma_start3A_106, %dma_start3A_107] : memref<32x80x128xi32, #tpu.memory_space<hbm>> -> memref<1x80x128xi32, #tpu.memory_space<hbm>>
      %dma_start3A_109 = tpu.memref_squeeze %dma_start3A_108 : memref<1x80x128xi32, #tpu.memory_space<hbm>> -> memref<80x128xi32, #tpu.memory_space<hbm>>
      %dma_start3A_110 = arith.constant 0 : i32
      %dma_start3A_111 = arith.constant 0 : i32
      %dma_start3A_112 = tpu.memref_slice %arg3[%add3A, %dma_start3A_110, %dma_start3A_111] : memref<32x80x128xi32, #tpu.memory_space<hbm>> -> memref<1x80x128xi32, #tpu.memory_space<hbm>>
      %dma_start3A_113 = tpu.memref_squeeze %dma_start3A_112 : memref<1x80x128xi32, #tpu.memory_space<hbm>> -> memref<80x128xi32, #tpu.memory_space<hbm>>
      tpu.enqueue_dma source(%dma_start3A_113 : memref<80x128xi32, #tpu.memory_space<hbm>>) target(%arg8 : memref<80x128xi32, #tpu.memory_space<vmem>>) target_semaphore(%run_scoped3A : memref<!tpu.dma_semaphore, #tpu.memory_space<semaphore_mem>>)
      %dma_wait3A_114 = arith.constant 0 : i32
      %dma_wait3A_115 = arith.constant 0 : i32
      %dma_wait3A_116 = tpu.memref_slice %arg3[%add3A, %dma_wait3A_114, %dma_wait3A_115] : memref<32x80x128xi32, #tpu.memory_space<hbm>> -> memref<1x80x128xi32, #tpu.memory_space<hbm>>
      %dma_wait3A_117 = tpu.memref_squeeze %dma_wait3A_116 : memref<1x80x128xi32, #tpu.memory_space<hbm>> -> memref<80x128xi32, #tpu.memory_space<hbm>>
      %dma_wait3A_118 = arith.constant 0 : i32
      %dma_wait3A_119 = arith.constant 0 : i32
      %dma_wait3A_120 = tpu.memref_slice %arg3[%add3A, %dma_wait3A_118, %dma_wait3A_119] : memref<32x80x128xi32, #tpu.memory_space<hbm>> -> memref<1x80x128xi32, #tpu.memory_space<hbm>>
      %dma_wait3A_121 = tpu.memref_squeeze %dma_wait3A_120 : memref<1x80x128xi32, #tpu.memory_space<hbm>> -> memref<80x128xi32, #tpu.memory_space<hbm>>
      tpu.wait_dma2 semaphore(%run_scoped3A : memref<!tpu.dma_semaphore, #tpu.memory_space<semaphore_mem>>) src(%dma_wait3A_121 : memref<80x128xi32, #tpu.memory_space<hbm>>) dst(%arg8 : memref<80x128xi32, #tpu.memory_space<vmem>>)
      tpu.yield
    }) : () -> ()
    %barrier3A = arith.constant 0 : index
    tpu.barrier barrier_id(%barrier3A)
    %dma_start3A = arith.constant 0 : i32
    %dma_start3A_3 = arith.constant 0 : i32
    %dma_start3A_4 = arith.constant 0 : i32
    %dma_start3A_5 = arith.constant 0 : i32
    %dma_start3A_6 = tpu.memref_slice %arg9[%dma_start3A_3, %dma_start3A_4, %dma_start3A_5] : memref<4x128x64xf32, #tpu.memory_space<vmem>> -> memref<1x128x64xf32, #tpu.memory_space<vmem>>
    %dma_start3A_7 = tpu.memref_squeeze %dma_start3A_6 : memref<1x128x64xf32, #tpu.memory_space<vmem>> -> memref<128x64xf32, #tpu.memory_space<vmem>>
    %dma_start3A_8 = arith.constant 0 : i32
    %dma_start3A_9 = tpu.memref_slice %arg7[%dma_start3A, %dma_start3A_8] : memref<84x128xi32, #tpu.memory_space<vmem>> -> memref<1x128xi32, #tpu.memory_space<vmem>>
    %dma_start3A_10 = tpu.memref_squeeze %dma_start3A_9 : memref<1x128xi32, #tpu.memory_space<vmem>> -> memref<128xi32, #tpu.memory_space<vmem>>
    %dma_start3A_11 = arith.constant 0 : i32
    %dma_start3A_12 = arith.constant 0 : i32
    %dma_start3A_13 = tpu.memref_slice %arg4[%dma_start3A_11, %dma_start3A_12] : memref<10000x64xf32, #tpu.memory_space<hbm>> -> memref<10000x64xf32, #tpu.memory_space<hbm>>
    tpu.enqueue_indirect_dma source(%dma_start3A_13 : memref<10000x64xf32, #tpu.memory_space<hbm>>) target(%dma_start3A_7 : memref<128x64xf32, #tpu.memory_space<vmem>>) offsets(%dma_start3A_10 : memref<128xi32, #tpu.memory_space<vmem>>) semaphore(%arg11 : memref<!tpu.dma_semaphore, #tpu.memory_space<semaphore_mem>>)
    %dma_start3A_14 = arith.constant 1 : i32
    %dma_start3A_15 = arith.constant 1 : i32
    %dma_start3A_16 = arith.constant 0 : i32
    %dma_start3A_17 = arith.constant 0 : i32
    %dma_start3A_18 = tpu.memref_slice %arg9[%dma_start3A_15, %dma_start3A_16, %dma_start3A_17] : memref<4x128x64xf32, #tpu.memory_space<vmem>> -> memref<1x128x64xf32, #tpu.memory_space<vmem>>
    %dma_start3A_19 = tpu.memref_squeeze %dma_start3A_18 : memref<1x128x64xf32, #tpu.memory_space<vmem>> -> memref<128x64xf32, #tpu.memory_space<vmem>>
    %dma_start3A_20 = arith.constant 0 : i32
    %dma_start3A_21 = tpu.memref_slice %arg7[%dma_start3A_14, %dma_start3A_20] : memref<84x128xi32, #tpu.memory_space<vmem>> -> memref<1x128xi32, #tpu.memory_space<vmem>>
    %dma_start3A_22 = tpu.memref_squeeze %dma_start3A_21 : memref<1x128xi32, #tpu.memory_space<vmem>> -> memref<128xi32, #tpu.memory_space<vmem>>
    %dma_start3A_23 = arith.constant 0 : i32
    %dma_start3A_24 = arith.constant 0 : i32
    %dma_start3A_25 = tpu.memref_slice %arg4[%dma_start3A_23, %dma_start3A_24] : memref<10000x64xf32, #tpu.memory_space<hbm>> -> memref<10000x64xf32, #tpu.memory_space<hbm>>
    tpu.enqueue_indirect_dma source(%dma_start3A_25 : memref<10000x64xf32, #tpu.memory_space<hbm>>) target(%dma_start3A_19 : memref<128x64xf32, #tpu.memory_space<vmem>>) offsets(%dma_start3A_22 : memref<128xi32, #tpu.memory_space<vmem>>) semaphore(%arg12 : memref<!tpu.dma_semaphore, #tpu.memory_space<semaphore_mem>>)
    %dma_start3A_26 = arith.constant 2 : i32
    %dma_start3A_27 = arith.constant 2 : i32
    %dma_start3A_28 = arith.constant 0 : i32
    %dma_start3A_29 = arith.constant 0 : i32
    %dma_start3A_30 = tpu.memref_slice %arg9[%dma_start3A_27, %dma_start3A_28, %dma_start3A_29] : memref<4x128x64xf32, #tpu.memory_space<vmem>> -> memref<1x128x64xf32, #tpu.memory_space<vmem>>
    %dma_start3A_31 = tpu.memref_squeeze %dma_start3A_30 : memref<1x128x64xf32, #tpu.memory_space<vmem>> -> memref<128x64xf32, #tpu.memory_space<vmem>>
    %dma_start3A_32 = arith.constant 0 : i32
    %dma_start3A_33 = tpu.memref_slice %arg7[%dma_start3A_26, %dma_start3A_32] : memref<84x128xi32, #tpu.memory_space<vmem>> -> memref<1x128xi32, #tpu.memory_space<vmem>>
    %dma_start3A_34 = tpu.memref_squeeze %dma_start3A_33 : memref<1x128xi32, #tpu.memory_space<vmem>> -> memref<128xi32, #tpu.memory_space<vmem>>
    %dma_start3A_35 = arith.constant 0 : i32
    %dma_start3A_36 = arith.constant 0 : i32
    %dma_start3A_37 = tpu.memref_slice %arg4[%dma_start3A_35, %dma_start3A_36] : memref<10000x64xf32, #tpu.memory_space<hbm>> -> memref<10000x64xf32, #tpu.memory_space<hbm>>
    tpu.enqueue_indirect_dma source(%dma_start3A_37 : memref<10000x64xf32, #tpu.memory_space<hbm>>) target(%dma_start3A_31 : memref<128x64xf32, #tpu.memory_space<vmem>>) offsets(%dma_start3A_34 : memref<128xi32, #tpu.memory_space<vmem>>) semaphore(%arg13 : memref<!tpu.dma_semaphore, #tpu.memory_space<semaphore_mem>>)
    %dma_start3A_38 = arith.constant 3 : i32
    %dma_start3A_39 = arith.constant 3 : i32
    %dma_start3A_40 = arith.constant 0 : i32
    %dma_start3A_41 = arith.constant 0 : i32
    %dma_start3A_42 = tpu.memref_slice %arg9[%dma_start3A_39, %dma_start3A_40, %dma_start3A_41] : memref<4x128x64xf32, #tpu.memory_space<vmem>> -> memref<1x128x64xf32, #tpu.memory_space<vmem>>
    %dma_start3A_43 = tpu.memref_squeeze %dma_start3A_42 : memref<1x128x64xf32, #tpu.memory_space<vmem>> -> memref<128x64xf32, #tpu.memory_space<vmem>>
    %dma_start3A_44 = arith.constant 0 : i32
    %dma_start3A_45 = tpu.memref_slice %arg7[%dma_start3A_38, %dma_start3A_44] : memref<84x128xi32, #tpu.memory_space<vmem>> -> memref<1x128xi32, #tpu.memory_space<vmem>>
    %dma_start3A_46 = tpu.memref_squeeze %dma_start3A_45 : memref<1x128xi32, #tpu.memory_space<vmem>> -> memref<128xi32, #tpu.memory_space<vmem>>
    %dma_start3A_47 = arith.constant 0 : i32
    %dma_start3A_48 = arith.constant 0 : i32
    %dma_start3A_49 = tpu.memref_slice %arg4[%dma_start3A_47, %dma_start3A_48] : memref<10000x64xf32, #tpu.memory_space<hbm>> -> memref<10000x64xf32, #tpu.memory_space<hbm>>
    tpu.enqueue_indirect_dma source(%dma_start3A_49 : memref<10000x64xf32, #tpu.memory_space<hbm>>) target(%dma_start3A_43 : memref<128x64xf32, #tpu.memory_space<vmem>>) offsets(%dma_start3A_46 : memref<128xi32, #tpu.memory_space<vmem>>) semaphore(%arg14 : memref<!tpu.dma_semaphore, #tpu.memory_space<semaphore_mem>>)
    %scan3A = arith.constant 0 : i32
    %scan3A_50 = arith.constant 0 : i32
    %scan3A_51 = arith.constant 20 : i32
    %scan3A_52 = arith.addi %scan3A_50, %scan3A_51 : i32
    %scan3A_53 = arith.constant 1 : i32
    scf.for %scan3A_106 = %scan3A_50 to %scan3A_52 step %scan3A_53  : i32 {
      %mul3A_107 = arith.constant 4 : i32
      %mul3A_108 = arith.muli %mul3A_107, %scan3A_106 : i32
      %add3A_109 = arith.constant 0 : i32
      %add3A_110 = arith.addi %mul3A_108, %add3A_109 : i32
      %dma_wait3A_111 = arith.constant 0 : i32
      %dma_wait3A_112 = arith.constant 0 : i32
      %dma_wait3A_113 = arith.constant 0 : i32
      %dma_wait3A_114 = tpu.memref_slice %arg9[%dma_wait3A_111, %dma_wait3A_112, %dma_wait3A_113] : memref<4x128x64xf32, #tpu.memory_space<vmem>> -> memref<1x128x64xf32, #tpu.memory_space<vmem>>
      %dma_wait3A_115 = tpu.memref_squeeze %dma_wait3A_114 : memref<1x128x64xf32, #tpu.memory_space<vmem>> -> memref<128x64xf32, #tpu.memory_space<vmem>>
      %dma_wait3A_116 = arith.constant 0 : i32
      %dma_wait3A_117 = tpu.memref_slice %arg7[%add3A_110, %dma_wait3A_116] : memref<84x128xi32, #tpu.memory_space<vmem>> -> memref<1x128xi32, #tpu.memory_space<vmem>>
      %dma_wait3A_118 = tpu.memref_squeeze %dma_wait3A_117 : memref<1x128xi32, #tpu.memory_space<vmem>> -> memref<128xi32, #tpu.memory_space<vmem>>
      %dma_wait3A_119 = arith.constant 0 : i32
      %dma_wait3A_120 = arith.constant 0 : i32
      %dma_wait3A_121 = tpu.memref_slice %arg4[%dma_wait3A_119, %dma_wait3A_120] : memref<10000x64xf32, #tpu.memory_space<hbm>> -> memref<10000x64xf32, #tpu.memory_space<hbm>>
      tpu.wait_indirect_dma semaphore(%arg11 : memref<!tpu.dma_semaphore, #tpu.memory_space<semaphore_mem>>) src(%dma_wait3A_121 : memref<10000x64xf32, #tpu.memory_space<hbm>>) dst(%dma_wait3A_115 : memref<128x64xf32, #tpu.memory_space<vmem>>)
      %add3A_122 = arith.constant 0 : i32
      %add3A_123 = arith.addi %mul3A_108, %add3A_122 : i32
      %dma_start3A_124 = arith.constant 0 : i32
      %dma_start3A_125 = arith.constant 0 : i32
      %dma_start3A_126 = arith.constant 0 : i32
      %dma_start3A_127 = tpu.memref_slice %arg9[%dma_start3A_124, %dma_start3A_125, %dma_start3A_126] : memref<4x128x64xf32, #tpu.memory_space<vmem>> -> memref<1x128x64xf32, #tpu.memory_space<vmem>>
      %dma_start3A_128 = tpu.memref_squeeze %dma_start3A_127 : memref<1x128x64xf32, #tpu.memory_space<vmem>> -> memref<128x64xf32, #tpu.memory_space<vmem>>
      %dma_start3A_129 = arith.constant 0 : i32
      %dma_start3A_130 = tpu.memref_slice %arg8[%add3A_123, %dma_start3A_129] : memref<80x128xi32, #tpu.memory_space<vmem>> -> memref<1x128xi32, #tpu.memory_space<vmem>>
      %dma_start3A_131 = tpu.memref_squeeze %dma_start3A_130 : memref<1x128xi32, #tpu.memory_space<vmem>> -> memref<128xi32, #tpu.memory_space<vmem>>
      %dma_start3A_132 = arith.constant 0 : i32
      %dma_start3A_133 = arith.constant 0 : i32
      %dma_start3A_134 = tpu.memref_slice %arg10[%dma_start3A_132, %dma_start3A_133] : memref<10112x64xf32, #tpu.memory_space<vmem_shared>> -> memref<10112x64xf32, #tpu.memory_space<vmem_shared>>
      tpu.enqueue_indirect_dma source(%dma_start3A_128 : memref<128x64xf32, #tpu.memory_space<vmem>>) target(%dma_start3A_134 : memref<10112x64xf32, #tpu.memory_space<vmem_shared>>) offsets(%dma_start3A_131 : memref<128xi32, #tpu.memory_space<vmem>>) semaphore(%arg15 : memref<!tpu.dma_semaphore, #tpu.memory_space<semaphore_mem>>) {add = true}
      %add3A_135 = arith.constant 1 : i32
      %add3A_136 = arith.addi %mul3A_108, %add3A_135 : i32
      %dma_wait3A_137 = arith.constant 1 : i32
      %dma_wait3A_138 = arith.constant 0 : i32
      %dma_wait3A_139 = arith.constant 0 : i32
      %dma_wait3A_140 = tpu.memref_slice %arg9[%dma_wait3A_137, %dma_wait3A_138, %dma_wait3A_139] : memref<4x128x64xf32, #tpu.memory_space<vmem>> -> memref<1x128x64xf32, #tpu.memory_space<vmem>>
      %dma_wait3A_141 = tpu.memref_squeeze %dma_wait3A_140 : memref<1x128x64xf32, #tpu.memory_space<vmem>> -> memref<128x64xf32, #tpu.memory_space<vmem>>
      %dma_wait3A_142 = arith.constant 0 : i32
      %dma_wait3A_143 = tpu.memref_slice %arg7[%add3A_136, %dma_wait3A_142] : memref<84x128xi32, #tpu.memory_space<vmem>> -> memref<1x128xi32, #tpu.memory_space<vmem>>
      %dma_wait3A_144 = tpu.memref_squeeze %dma_wait3A_143 : memref<1x128xi32, #tpu.memory_space<vmem>> -> memref<128xi32, #tpu.memory_space<vmem>>
      %dma_wait3A_145 = arith.constant 0 : i32
      %dma_wait3A_146 = arith.constant 0 : i32
      %dma_wait3A_147 = tpu.memref_slice %arg4[%dma_wait3A_145, %dma_wait3A_146] : memref<10000x64xf32, #tpu.memory_space<hbm>> -> memref<10000x64xf32, #tpu.memory_space<hbm>>
      tpu.wait_indirect_dma semaphore(%arg12 : memref<!tpu.dma_semaphore, #tpu.memory_space<semaphore_mem>>) src(%dma_wait3A_147 : memref<10000x64xf32, #tpu.memory_space<hbm>>) dst(%dma_wait3A_141 : memref<128x64xf32, #tpu.memory_space<vmem>>)
      %add3A_148 = arith.constant 1 : i32
      %add3A_149 = arith.addi %mul3A_108, %add3A_148 : i32
      %dma_start3A_150 = arith.constant 1 : i32
      %dma_start3A_151 = arith.constant 0 : i32
      %dma_start3A_152 = arith.constant 0 : i32
      %dma_start3A_153 = tpu.memref_slice %arg9[%dma_start3A_150, %dma_start3A_151, %dma_start3A_152] : memref<4x128x64xf32, #tpu.memory_space<vmem>> -> memref<1x128x64xf32, #tpu.memory_space<vmem>>
      %dma_start3A_154 = tpu.memref_squeeze %dma_start3A_153 : memref<1x128x64xf32, #tpu.memory_space<vmem>> -> memref<128x64xf32, #tpu.memory_space<vmem>>
      %dma_start3A_155 = arith.constant 0 : i32
      %dma_start3A_156 = tpu.memref_slice %arg8[%add3A_149, %dma_start3A_155] : memref<80x128xi32, #tpu.memory_space<vmem>> -> memref<1x128xi32, #tpu.memory_space<vmem>>
      %dma_start3A_157 = tpu.memref_squeeze %dma_start3A_156 : memref<1x128xi32, #tpu.memory_space<vmem>> -> memref<128xi32, #tpu.memory_space<vmem>>
      %dma_start3A_158 = arith.constant 0 : i32
      %dma_start3A_159 = arith.constant 0 : i32
      %dma_start3A_160 = tpu.memref_slice %arg10[%dma_start3A_158, %dma_start3A_159] : memref<10112x64xf32, #tpu.memory_space<vmem_shared>> -> memref<10112x64xf32, #tpu.memory_space<vmem_shared>>
      tpu.enqueue_indirect_dma source(%dma_start3A_154 : memref<128x64xf32, #tpu.memory_space<vmem>>) target(%dma_start3A_160 : memref<10112x64xf32, #tpu.memory_space<vmem_shared>>) offsets(%dma_start3A_157 : memref<128xi32, #tpu.memory_space<vmem>>) semaphore(%arg16 : memref<!tpu.dma_semaphore, #tpu.memory_space<semaphore_mem>>) {add = true}
      %add3A_161 = arith.constant 2 : i32
      %add3A_162 = arith.addi %mul3A_108, %add3A_161 : i32
      %dma_wait3A_163 = arith.constant 2 : i32
      %dma_wait3A_164 = arith.constant 0 : i32
      %dma_wait3A_165 = arith.constant 0 : i32
      %dma_wait3A_166 = tpu.memref_slice %arg9[%dma_wait3A_163, %dma_wait3A_164, %dma_wait3A_165] : memref<4x128x64xf32, #tpu.memory_space<vmem>> -> memref<1x128x64xf32, #tpu.memory_space<vmem>>
      %dma_wait3A_167 = tpu.memref_squeeze %dma_wait3A_166 : memref<1x128x64xf32, #tpu.memory_space<vmem>> -> memref<128x64xf32, #tpu.memory_space<vmem>>
      %dma_wait3A_168 = arith.constant 0 : i32
      %dma_wait3A_169 = tpu.memref_slice %arg7[%add3A_162, %dma_wait3A_168] : memref<84x128xi32, #tpu.memory_space<vmem>> -> memref<1x128xi32, #tpu.memory_space<vmem>>
      %dma_wait3A_170 = tpu.memref_squeeze %dma_wait3A_169 : memref<1x128xi32, #tpu.memory_space<vmem>> -> memref<128xi32, #tpu.memory_space<vmem>>
      %dma_wait3A_171 = arith.constant 0 : i32
      %dma_wait3A_172 = arith.constant 0 : i32
      %dma_wait3A_173 = tpu.memref_slice %arg4[%dma_wait3A_171, %dma_wait3A_172] : memref<10000x64xf32, #tpu.memory_space<hbm>> -> memref<10000x64xf32, #tpu.memory_space<hbm>>
      tpu.wait_indirect_dma semaphore(%arg13 : memref<!tpu.dma_semaphore, #tpu.memory_space<semaphore_mem>>) src(%dma_wait3A_173 : memref<10000x64xf32, #tpu.memory_space<hbm>>) dst(%dma_wait3A_167 : memref<128x64xf32, #tpu.memory_space<vmem>>)
      %add3A_174 = arith.constant 2 : i32
      %add3A_175 = arith.addi %mul3A_108, %add3A_174 : i32
      %dma_start3A_176 = arith.constant 2 : i32
      %dma_start3A_177 = arith.constant 0 : i32
      %dma_start3A_178 = arith.constant 0 : i32
      %dma_start3A_179 = tpu.memref_slice %arg9[%dma_start3A_176, %dma_start3A_177, %dma_start3A_178] : memref<4x128x64xf32, #tpu.memory_space<vmem>> -> memref<1x128x64xf32, #tpu.memory_space<vmem>>
      %dma_start3A_180 = tpu.memref_squeeze %dma_start3A_179 : memref<1x128x64xf32, #tpu.memory_space<vmem>> -> memref<128x64xf32, #tpu.memory_space<vmem>>
      %dma_start3A_181 = arith.constant 0 : i32
      %dma_start3A_182 = tpu.memref_slice %arg8[%add3A_175, %dma_start3A_181] : memref<80x128xi32, #tpu.memory_space<vmem>> -> memref<1x128xi32, #tpu.memory_space<vmem>>
      %dma_start3A_183 = tpu.memref_squeeze %dma_start3A_182 : memref<1x128xi32, #tpu.memory_space<vmem>> -> memref<128xi32, #tpu.memory_space<vmem>>
      %dma_start3A_184 = arith.constant 0 : i32
      %dma_start3A_185 = arith.constant 0 : i32
      %dma_start3A_186 = tpu.memref_slice %arg10[%dma_start3A_184, %dma_start3A_185] : memref<10112x64xf32, #tpu.memory_space<vmem_shared>> -> memref<10112x64xf32, #tpu.memory_space<vmem_shared>>
      tpu.enqueue_indirect_dma source(%dma_start3A_180 : memref<128x64xf32, #tpu.memory_space<vmem>>) target(%dma_start3A_186 : memref<10112x64xf32, #tpu.memory_space<vmem_shared>>) offsets(%dma_start3A_183 : memref<128xi32, #tpu.memory_space<vmem>>) semaphore(%arg17 : memref<!tpu.dma_semaphore, #tpu.memory_space<semaphore_mem>>) {add = true}
      %add3A_187 = arith.constant 3 : i32
      %add3A_188 = arith.addi %mul3A_108, %add3A_187 : i32
      %dma_wait3A_189 = arith.constant 3 : i32
      %dma_wait3A_190 = arith.constant 0 : i32
      %dma_wait3A_191 = arith.constant 0 : i32
      %dma_wait3A_192 = tpu.memref_slice %arg9[%dma_wait3A_189, %dma_wait3A_190, %dma_wait3A_191] : memref<4x128x64xf32, #tpu.memory_space<vmem>> -> memref<1x128x64xf32, #tpu.memory_space<vmem>>
      %dma_wait3A_193 = tpu.memref_squeeze %dma_wait3A_192 : memref<1x128x64xf32, #tpu.memory_space<vmem>> -> memref<128x64xf32, #tpu.memory_space<vmem>>
      %dma_wait3A_194 = arith.constant 0 : i32
      %dma_wait3A_195 = tpu.memref_slice %arg7[%add3A_188, %dma_wait3A_194] : memref<84x128xi32, #tpu.memory_space<vmem>> -> memref<1x128xi32, #tpu.memory_space<vmem>>
      %dma_wait3A_196 = tpu.memref_squeeze %dma_wait3A_195 : memref<1x128xi32, #tpu.memory_space<vmem>> -> memref<128xi32, #tpu.memory_space<vmem>>
      %dma_wait3A_197 = arith.constant 0 : i32
      %dma_wait3A_198 = arith.constant 0 : i32
      %dma_wait3A_199 = tpu.memref_slice %arg4[%dma_wait3A_197, %dma_wait3A_198] : memref<10000x64xf32, #tpu.memory_space<hbm>> -> memref<10000x64xf32, #tpu.memory_space<hbm>>
      tpu.wait_indirect_dma semaphore(%arg14 : memref<!tpu.dma_semaphore, #tpu.memory_space<semaphore_mem>>) src(%dma_wait3A_199 : memref<10000x64xf32, #tpu.memory_space<hbm>>) dst(%dma_wait3A_193 : memref<128x64xf32, #tpu.memory_space<vmem>>)
      %add3A_200 = arith.constant 3 : i32
      %add3A_201 = arith.addi %mul3A_108, %add3A_200 : i32
      %dma_start3A_202 = arith.constant 3 : i32
      %dma_start3A_203 = arith.constant 0 : i32
      %dma_start3A_204 = arith.constant 0 : i32
      %dma_start3A_205 = tpu.memref_slice %arg9[%dma_start3A_202, %dma_start3A_203, %dma_start3A_204] : memref<4x128x64xf32, #tpu.memory_space<vmem>> -> memref<1x128x64xf32, #tpu.memory_space<vmem>>
      %dma_start3A_206 = tpu.memref_squeeze %dma_start3A_205 : memref<1x128x64xf32, #tpu.memory_space<vmem>> -> memref<128x64xf32, #tpu.memory_space<vmem>>
      %dma_start3A_207 = arith.constant 0 : i32
      %dma_start3A_208 = tpu.memref_slice %arg8[%add3A_201, %dma_start3A_207] : memref<80x128xi32, #tpu.memory_space<vmem>> -> memref<1x128xi32, #tpu.memory_space<vmem>>
      %dma_start3A_209 = tpu.memref_squeeze %dma_start3A_208 : memref<1x128xi32, #tpu.memory_space<vmem>> -> memref<128xi32, #tpu.memory_space<vmem>>
      %dma_start3A_210 = arith.constant 0 : i32
      %dma_start3A_211 = arith.constant 0 : i32
      %dma_start3A_212 = tpu.memref_slice %arg10[%dma_start3A_210, %dma_start3A_211] : memref<10112x64xf32, #tpu.memory_space<vmem_shared>> -> memref<10112x64xf32, #tpu.memory_space<vmem_shared>>
      tpu.enqueue_indirect_dma source(%dma_start3A_206 : memref<128x64xf32, #tpu.memory_space<vmem>>) target(%dma_start3A_212 : memref<10112x64xf32, #tpu.memory_space<vmem_shared>>) offsets(%dma_start3A_209 : memref<128xi32, #tpu.memory_space<vmem>>) semaphore(%arg18 : memref<!tpu.dma_semaphore, #tpu.memory_space<semaphore_mem>>) {add = true}
      %add3A_213 = arith.constant 0 : i32
      %add3A_214 = arith.addi %mul3A_108, %add3A_213 : i32
      %dma_wait3A_215 = arith.constant 0 : i32
      %dma_wait3A_216 = arith.constant 0 : i32
      %dma_wait3A_217 = arith.constant 0 : i32
      %dma_wait3A_218 = tpu.memref_slice %arg9[%dma_wait3A_215, %dma_wait3A_216, %dma_wait3A_217] : memref<4x128x64xf32, #tpu.memory_space<vmem>> -> memref<1x128x64xf32, #tpu.memory_space<vmem>>
      %dma_wait3A_219 = tpu.memref_squeeze %dma_wait3A_218 : memref<1x128x64xf32, #tpu.memory_space<vmem>> -> memref<128x64xf32, #tpu.memory_space<vmem>>
      %dma_wait3A_220 = arith.constant 0 : i32
      %dma_wait3A_221 = tpu.memref_slice %arg8[%add3A_214, %dma_wait3A_220] : memref<80x128xi32, #tpu.memory_space<vmem>> -> memref<1x128xi32, #tpu.memory_space<vmem>>
      %dma_wait3A_222 = tpu.memref_squeeze %dma_wait3A_221 : memref<1x128xi32, #tpu.memory_space<vmem>> -> memref<128xi32, #tpu.memory_space<vmem>>
      %dma_wait3A_223 = arith.constant 0 : i32
      %dma_wait3A_224 = arith.constant 0 : i32
      %dma_wait3A_225 = tpu.memref_slice %arg10[%dma_wait3A_223, %dma_wait3A_224] : memref<10112x64xf32, #tpu.memory_space<vmem_shared>> -> memref<10112x64xf32, #tpu.memory_space<vmem_shared>>
      tpu.wait_indirect_dma semaphore(%arg15 : memref<!tpu.dma_semaphore, #tpu.memory_space<semaphore_mem>>) src(%dma_wait3A_219 : memref<128x64xf32, #tpu.memory_space<vmem>>) dst(%dma_wait3A_225 : memref<10112x64xf32, #tpu.memory_space<vmem_shared>>)
      %add3A_226 = arith.constant 4 : i32
      %add3A_227 = arith.addi %mul3A_108, %add3A_226 : i32
      %add3A_228 = arith.constant 0 : i32
      %add3A_229 = arith.addi %add3A_227, %add3A_228 : i32
      %dma_start3A_230 = arith.constant 0 : i32
      %dma_start3A_231 = arith.constant 0 : i32
      %dma_start3A_232 = arith.constant 0 : i32
      %dma_start3A_233 = tpu.memref_slice %arg9[%dma_start3A_230, %dma_start3A_231, %dma_start3A_232] : memref<4x128x64xf32, #tpu.memory_space<vmem>> -> memref<1x128x64xf32, #tpu.memory_space<vmem>>
      %dma_start3A_234 = tpu.memref_squeeze %dma_start3A_233 : memref<1x128x64xf32, #tpu.memory_space<vmem>> -> memref<128x64xf32, #tpu.memory_space<vmem>>
      %dma_start3A_235 = arith.constant 0 : i32
      %dma_start3A_236 = tpu.memref_slice %arg7[%add3A_229, %dma_start3A_235] : memref<84x128xi32, #tpu.memory_space<vmem>> -> memref<1x128xi32, #tpu.memory_space<vmem>>
      %dma_start3A_237 = tpu.memref_squeeze %dma_start3A_236 : memref<1x128xi32, #tpu.memory_space<vmem>> -> memref<128xi32, #tpu.memory_space<vmem>>
      %dma_start3A_238 = arith.constant 0 : i32
      %dma_start3A_239 = arith.constant 0 : i32
      %dma_start3A_240 = tpu.memref_slice %arg4[%dma_start3A_238, %dma_start3A_239] : memref<10000x64xf32, #tpu.memory_space<hbm>> -> memref<10000x64xf32, #tpu.memory_space<hbm>>
      tpu.enqueue_indirect_dma source(%dma_start3A_240 : memref<10000x64xf32, #tpu.memory_space<hbm>>) target(%dma_start3A_234 : memref<128x64xf32, #tpu.memory_space<vmem>>) offsets(%dma_start3A_237 : memref<128xi32, #tpu.memory_space<vmem>>) semaphore(%arg11 : memref<!tpu.dma_semaphore, #tpu.memory_space<semaphore_mem>>)
      %add3A_241 = arith.constant 1 : i32
      %add3A_242 = arith.addi %mul3A_108, %add3A_241 : i32
      %dma_wait3A_243 = arith.constant 1 : i32
      %dma_wait3A_244 = arith.constant 0 : i32
      %dma_wait3A_245 = arith.constant 0 : i32
      %dma_wait3A_246 = tpu.memref_slice %arg9[%dma_wait3A_243, %dma_wait3A_244, %dma_wait3A_245] : memref<4x128x64xf32, #tpu.memory_space<vmem>> -> memref<1x128x64xf32, #tpu.memory_space<vmem>>
      %dma_wait3A_247 = tpu.memref_squeeze %dma_wait3A_246 : memref<1x128x64xf32, #tpu.memory_space<vmem>> -> memref<128x64xf32, #tpu.memory_space<vmem>>
      %dma_wait3A_248 = arith.constant 0 : i32
      %dma_wait3A_249 = tpu.memref_slice %arg8[%add3A_242, %dma_wait3A_248] : memref<80x128xi32, #tpu.memory_space<vmem>> -> memref<1x128xi32, #tpu.memory_space<vmem>>
      %dma_wait3A_250 = tpu.memref_squeeze %dma_wait3A_249 : memref<1x128xi32, #tpu.memory_space<vmem>> -> memref<128xi32, #tpu.memory_space<vmem>>
      %dma_wait3A_251 = arith.constant 0 : i32
      %dma_wait3A_252 = arith.constant 0 : i32
      %dma_wait3A_253 = tpu.memref_slice %arg10[%dma_wait3A_251, %dma_wait3A_252] : memref<10112x64xf32, #tpu.memory_space<vmem_shared>> -> memref<10112x64xf32, #tpu.memory_space<vmem_shared>>
      tpu.wait_indirect_dma semaphore(%arg16 : memref<!tpu.dma_semaphore, #tpu.memory_space<semaphore_mem>>) src(%dma_wait3A_247 : memref<128x64xf32, #tpu.memory_space<vmem>>) dst(%dma_wait3A_253 : memref<10112x64xf32, #tpu.memory_space<vmem_shared>>)
      %add3A_254 = arith.constant 4 : i32
      %add3A_255 = arith.addi %mul3A_108, %add3A_254 : i32
      %add3A_256 = arith.constant 1 : i32
      %add3A_257 = arith.addi %add3A_255, %add3A_256 : i32
      %dma_start3A_258 = arith.constant 1 : i32
      %dma_start3A_259 = arith.constant 0 : i32
      %dma_start3A_260 = arith.constant 0 : i32
      %dma_start3A_261 = tpu.memref_slice %arg9[%dma_start3A_258, %dma_start3A_259, %dma_start3A_260] : memref<4x128x64xf32, #tpu.memory_space<vmem>> -> memref<1x128x64xf32, #tpu.memory_space<vmem>>
      %dma_start3A_262 = tpu.memref_squeeze %dma_start3A_261 : memref<1x128x64xf32, #tpu.memory_space<vmem>> -> memref<128x64xf32, #tpu.memory_space<vmem>>
      %dma_start3A_263 = arith.constant 0 : i32
      %dma_start3A_264 = tpu.memref_slice %arg7[%add3A_257, %dma_start3A_263] : memref<84x128xi32, #tpu.memory_space<vmem>> -> memref<1x128xi32, #tpu.memory_space<vmem>>
      %dma_start3A_265 = tpu.memref_squeeze %dma_start3A_264 : memref<1x128xi32, #tpu.memory_space<vmem>> -> memref<128xi32, #tpu.memory_space<vmem>>
      %dma_start3A_266 = arith.constant 0 : i32
      %dma_start3A_267 = arith.constant 0 : i32
      %dma_start3A_268 = tpu.memref_slice %arg4[%dma_start3A_266, %dma_start3A_267] : memref<10000x64xf32, #tpu.memory_space<hbm>> -> memref<10000x64xf32, #tpu.memory_space<hbm>>
      tpu.enqueue_indirect_dma source(%dma_start3A_268 : memref<10000x64xf32, #tpu.memory_space<hbm>>) target(%dma_start3A_262 : memref<128x64xf32, #tpu.memory_space<vmem>>) offsets(%dma_start3A_265 : memref<128xi32, #tpu.memory_space<vmem>>) semaphore(%arg12 : memref<!tpu.dma_semaphore, #tpu.memory_space<semaphore_mem>>)
      %add3A_269 = arith.constant 2 : i32
      %add3A_270 = arith.addi %mul3A_108, %add3A_269 : i32
      %dma_wait3A_271 = arith.constant 2 : i32
      %dma_wait3A_272 = arith.constant 0 : i32
      %dma_wait3A_273 = arith.constant 0 : i32
      %dma_wait3A_274 = tpu.memref_slice %arg9[%dma_wait3A_271, %dma_wait3A_272, %dma_wait3A_273] : memref<4x128x64xf32, #tpu.memory_space<vmem>> -> memref<1x128x64xf32, #tpu.memory_space<vmem>>
      %dma_wait3A_275 = tpu.memref_squeeze %dma_wait3A_274 : memref<1x128x64xf32, #tpu.memory_space<vmem>> -> memref<128x64xf32, #tpu.memory_space<vmem>>
      %dma_wait3A_276 = arith.constant 0 : i32
      %dma_wait3A_277 = tpu.memref_slice %arg8[%add3A_270, %dma_wait3A_276] : memref<80x128xi32, #tpu.memory_space<vmem>> -> memref<1x128xi32, #tpu.memory_space<vmem>>
      %dma_wait3A_278 = tpu.memref_squeeze %dma_wait3A_277 : memref<1x128xi32, #tpu.memory_space<vmem>> -> memref<128xi32, #tpu.memory_space<vmem>>
      %dma_wait3A_279 = arith.constant 0 : i32
      %dma_wait3A_280 = arith.constant 0 : i32
      %dma_wait3A_281 = tpu.memref_slice %arg10[%dma_wait3A_279, %dma_wait3A_280] : memref<10112x64xf32, #tpu.memory_space<vmem_shared>> -> memref<10112x64xf32, #tpu.memory_space<vmem_shared>>
      tpu.wait_indirect_dma semaphore(%arg17 : memref<!tpu.dma_semaphore, #tpu.memory_space<semaphore_mem>>) src(%dma_wait3A_275 : memref<128x64xf32, #tpu.memory_space<vmem>>) dst(%dma_wait3A_281 : memref<10112x64xf32, #tpu.memory_space<vmem_shared>>)
      %add3A_282 = arith.constant 4 : i32
      %add3A_283 = arith.addi %mul3A_108, %add3A_282 : i32
      %add3A_284 = arith.constant 2 : i32
      %add3A_285 = arith.addi %add3A_283, %add3A_284 : i32
      %dma_start3A_286 = arith.constant 2 : i32
      %dma_start3A_287 = arith.constant 0 : i32
      %dma_start3A_288 = arith.constant 0 : i32
      %dma_start3A_289 = tpu.memref_slice %arg9[%dma_start3A_286, %dma_start3A_287, %dma_start3A_288] : memref<4x128x64xf32, #tpu.memory_space<vmem>> -> memref<1x128x64xf32, #tpu.memory_space<vmem>>
      %dma_start3A_290 = tpu.memref_squeeze %dma_start3A_289 : memref<1x128x64xf32, #tpu.memory_space<vmem>> -> memref<128x64xf32, #tpu.memory_space<vmem>>
      %dma_start3A_291 = arith.constant 0 : i32
      %dma_start3A_292 = tpu.memref_slice %arg7[%add3A_285, %dma_start3A_291] : memref<84x128xi32, #tpu.memory_space<vmem>> -> memref<1x128xi32, #tpu.memory_space<vmem>>
      %dma_start3A_293 = tpu.memref_squeeze %dma_start3A_292 : memref<1x128xi32, #tpu.memory_space<vmem>> -> memref<128xi32, #tpu.memory_space<vmem>>
      %dma_start3A_294 = arith.constant 0 : i32
      %dma_start3A_295 = arith.constant 0 : i32
      %dma_start3A_296 = tpu.memref_slice %arg4[%dma_start3A_294, %dma_start3A_295] : memref<10000x64xf32, #tpu.memory_space<hbm>> -> memref<10000x64xf32, #tpu.memory_space<hbm>>
      tpu.enqueue_indirect_dma source(%dma_start3A_296 : memref<10000x64xf32, #tpu.memory_space<hbm>>) target(%dma_start3A_290 : memref<128x64xf32, #tpu.memory_space<vmem>>) offsets(%dma_start3A_293 : memref<128xi32, #tpu.memory_space<vmem>>) semaphore(%arg13 : memref<!tpu.dma_semaphore, #tpu.memory_space<semaphore_mem>>)
      %add3A_297 = arith.constant 3 : i32
      %add3A_298 = arith.addi %mul3A_108, %add3A_297 : i32
      %dma_wait3A_299 = arith.constant 3 : i32
      %dma_wait3A_300 = arith.constant 0 : i32
      %dma_wait3A_301 = arith.constant 0 : i32
      %dma_wait3A_302 = tpu.memref_slice %arg9[%dma_wait3A_299, %dma_wait3A_300, %dma_wait3A_301] : memref<4x128x64xf32, #tpu.memory_space<vmem>> -> memref<1x128x64xf32, #tpu.memory_space<vmem>>
      %dma_wait3A_303 = tpu.memref_squeeze %dma_wait3A_302 : memref<1x128x64xf32, #tpu.memory_space<vmem>> -> memref<128x64xf32, #tpu.memory_space<vmem>>
      %dma_wait3A_304 = arith.constant 0 : i32
      %dma_wait3A_305 = tpu.memref_slice %arg8[%add3A_298, %dma_wait3A_304] : memref<80x128xi32, #tpu.memory_space<vmem>> -> memref<1x128xi32, #tpu.memory_space<vmem>>
      %dma_wait3A_306 = tpu.memref_squeeze %dma_wait3A_305 : memref<1x128xi32, #tpu.memory_space<vmem>> -> memref<128xi32, #tpu.memory_space<vmem>>
      %dma_wait3A_307 = arith.constant 0 : i32
      %dma_wait3A_308 = arith.constant 0 : i32
      %dma_wait3A_309 = tpu.memref_slice %arg10[%dma_wait3A_307, %dma_wait3A_308] : memref<10112x64xf32, #tpu.memory_space<vmem_shared>> -> memref<10112x64xf32, #tpu.memory_space<vmem_shared>>
      tpu.wait_indirect_dma semaphore(%arg18 : memref<!tpu.dma_semaphore, #tpu.memory_space<semaphore_mem>>) src(%dma_wait3A_303 : memref<128x64xf32, #tpu.memory_space<vmem>>) dst(%dma_wait3A_309 : memref<10112x64xf32, #tpu.memory_space<vmem_shared>>)
      %add3A_310 = arith.constant 4 : i32
      %add3A_311 = arith.addi %mul3A_108, %add3A_310 : i32
      %add3A_312 = arith.constant 3 : i32
      %add3A_313 = arith.addi %add3A_311, %add3A_312 : i32
      %dma_start3A_314 = arith.constant 3 : i32
      %dma_start3A_315 = arith.constant 0 : i32
      %dma_start3A_316 = arith.constant 0 : i32
      %dma_start3A_317 = tpu.memref_slice %arg9[%dma_start3A_314, %dma_start3A_315, %dma_start3A_316] : memref<4x128x64xf32, #tpu.memory_space<vmem>> -> memref<1x128x64xf32, #tpu.memory_space<vmem>>
      %dma_start3A_318 = tpu.memref_squeeze %dma_start3A_317 : memref<1x128x64xf32, #tpu.memory_space<vmem>> -> memref<128x64xf32, #tpu.memory_space<vmem>>
      %dma_start3A_319 = arith.constant 0 : i32
      %dma_start3A_320 = tpu.memref_slice %arg7[%add3A_313, %dma_start3A_319] : memref<84x128xi32, #tpu.memory_space<vmem>> -> memref<1x128xi32, #tpu.memory_space<vmem>>
      %dma_start3A_321 = tpu.memref_squeeze %dma_start3A_320 : memref<1x128xi32, #tpu.memory_space<vmem>> -> memref<128xi32, #tpu.memory_space<vmem>>
      %dma_start3A_322 = arith.constant 0 : i32
      %dma_start3A_323 = arith.constant 0 : i32
      %dma_start3A_324 = tpu.memref_slice %arg4[%dma_start3A_322, %dma_start3A_323] : memref<10000x64xf32, #tpu.memory_space<hbm>> -> memref<10000x64xf32, #tpu.memory_space<hbm>>
      tpu.enqueue_indirect_dma source(%dma_start3A_324 : memref<10000x64xf32, #tpu.memory_space<hbm>>) target(%dma_start3A_318 : memref<128x64xf32, #tpu.memory_space<vmem>>) offsets(%dma_start3A_321 : memref<128xi32, #tpu.memory_space<vmem>>) semaphore(%arg14 : memref<!tpu.dma_semaphore, #tpu.memory_space<semaphore_mem>>)
    }
    %scan3A_54 = arith.constant 20 : i32
    %dma_wait3A = arith.constant 80 : i32
    %dma_wait3A_55 = arith.constant 0 : i32
    %dma_wait3A_56 = arith.constant 0 : i32
    %dma_wait3A_57 = arith.constant 0 : i32
    %dma_wait3A_58 = tpu.memref_slice %arg9[%dma_wait3A_55, %dma_wait3A_56, %dma_wait3A_57] : memref<4x128x64xf32, #tpu.memory_space<vmem>> -> memref<1x128x64xf32, #tpu.memory_space<vmem>>
    %dma_wait3A_59 = tpu.memref_squeeze %dma_wait3A_58 : memref<1x128x64xf32, #tpu.memory_space<vmem>> -> memref<128x64xf32, #tpu.memory_space<vmem>>
    %dma_wait3A_60 = arith.constant 0 : i32
    %dma_wait3A_61 = tpu.memref_slice %arg7[%dma_wait3A, %dma_wait3A_60] : memref<84x128xi32, #tpu.memory_space<vmem>> -> memref<1x128xi32, #tpu.memory_space<vmem>>
    %dma_wait3A_62 = tpu.memref_squeeze %dma_wait3A_61 : memref<1x128xi32, #tpu.memory_space<vmem>> -> memref<128xi32, #tpu.memory_space<vmem>>
    %dma_wait3A_63 = arith.constant 0 : i32
    %dma_wait3A_64 = arith.constant 0 : i32
    %dma_wait3A_65 = tpu.memref_slice %arg4[%dma_wait3A_63, %dma_wait3A_64] : memref<10000x64xf32, #tpu.memory_space<hbm>> -> memref<10000x64xf32, #tpu.memory_space<hbm>>
    tpu.wait_indirect_dma semaphore(%arg11 : memref<!tpu.dma_semaphore, #tpu.memory_space<semaphore_mem>>) src(%dma_wait3A_65 : memref<10000x64xf32, #tpu.memory_space<hbm>>) dst(%dma_wait3A_59 : memref<128x64xf32, #tpu.memory_space<vmem>>)
    %dma_wait3A_66 = arith.constant 81 : i32
    %dma_wait3A_67 = arith.constant 1 : i32
    %dma_wait3A_68 = arith.constant 0 : i32
    %dma_wait3A_69 = arith.constant 0 : i32
    %dma_wait3A_70 = tpu.memref_slice %arg9[%dma_wait3A_67, %dma_wait3A_68, %dma_wait3A_69] : memref<4x128x64xf32, #tpu.memory_space<vmem>> -> memref<1x128x64xf32, #tpu.memory_space<vmem>>
    %dma_wait3A_71 = tpu.memref_squeeze %dma_wait3A_70 : memref<1x128x64xf32, #tpu.memory_space<vmem>> -> memref<128x64xf32, #tpu.memory_space<vmem>>
    %dma_wait3A_72 = arith.constant 0 : i32
    %dma_wait3A_73 = tpu.memref_slice %arg7[%dma_wait3A_66, %dma_wait3A_72] : memref<84x128xi32, #tpu.memory_space<vmem>> -> memref<1x128xi32, #tpu.memory_space<vmem>>
    %dma_wait3A_74 = tpu.memref_squeeze %dma_wait3A_73 : memref<1x128xi32, #tpu.memory_space<vmem>> -> memref<128xi32, #tpu.memory_space<vmem>>
    %dma_wait3A_75 = arith.constant 0 : i32
    %dma_wait3A_76 = arith.constant 0 : i32
    %dma_wait3A_77 = tpu.memref_slice %arg4[%dma_wait3A_75, %dma_wait3A_76] : memref<10000x64xf32, #tpu.memory_space<hbm>> -> memref<10000x64xf32, #tpu.memory_space<hbm>>
    tpu.wait_indirect_dma semaphore(%arg12 : memref<!tpu.dma_semaphore, #tpu.memory_space<semaphore_mem>>) src(%dma_wait3A_77 : memref<10000x64xf32, #tpu.memory_space<hbm>>) dst(%dma_wait3A_71 : memref<128x64xf32, #tpu.memory_space<vmem>>)
    %dma_wait3A_78 = arith.constant 82 : i32
    %dma_wait3A_79 = arith.constant 2 : i32
    %dma_wait3A_80 = arith.constant 0 : i32
    %dma_wait3A_81 = arith.constant 0 : i32
    %dma_wait3A_82 = tpu.memref_slice %arg9[%dma_wait3A_79, %dma_wait3A_80, %dma_wait3A_81] : memref<4x128x64xf32, #tpu.memory_space<vmem>> -> memref<1x128x64xf32, #tpu.memory_space<vmem>>
    %dma_wait3A_83 = tpu.memref_squeeze %dma_wait3A_82 : memref<1x128x64xf32, #tpu.memory_space<vmem>> -> memref<128x64xf32, #tpu.memory_space<vmem>>
    %dma_wait3A_84 = arith.constant 0 : i32
    %dma_wait3A_85 = tpu.memref_slice %arg7[%dma_wait3A_78, %dma_wait3A_84] : memref<84x128xi32, #tpu.memory_space<vmem>> -> memref<1x128xi32, #tpu.memory_space<vmem>>
    %dma_wait3A_86 = tpu.memref_squeeze %dma_wait3A_85 : memref<1x128xi32, #tpu.memory_space<vmem>> -> memref<128xi32, #tpu.memory_space<vmem>>
    %dma_wait3A_87 = arith.constant 0 : i32
    %dma_wait3A_88 = arith.constant 0 : i32
    %dma_wait3A_89 = tpu.memref_slice %arg4[%dma_wait3A_87, %dma_wait3A_88] : memref<10000x64xf32, #tpu.memory_space<hbm>> -> memref<10000x64xf32, #tpu.memory_space<hbm>>
    tpu.wait_indirect_dma semaphore(%arg13 : memref<!tpu.dma_semaphore, #tpu.memory_space<semaphore_mem>>) src(%dma_wait3A_89 : memref<10000x64xf32, #tpu.memory_space<hbm>>) dst(%dma_wait3A_83 : memref<128x64xf32, #tpu.memory_space<vmem>>)
    %dma_wait3A_90 = arith.constant 83 : i32
    %dma_wait3A_91 = arith.constant 3 : i32
    %dma_wait3A_92 = arith.constant 0 : i32
    %dma_wait3A_93 = arith.constant 0 : i32
    %dma_wait3A_94 = tpu.memref_slice %arg9[%dma_wait3A_91, %dma_wait3A_92, %dma_wait3A_93] : memref<4x128x64xf32, #tpu.memory_space<vmem>> -> memref<1x128x64xf32, #tpu.memory_space<vmem>>
    %dma_wait3A_95 = tpu.memref_squeeze %dma_wait3A_94 : memref<1x128x64xf32, #tpu.memory_space<vmem>> -> memref<128x64xf32, #tpu.memory_space<vmem>>
    %dma_wait3A_96 = arith.constant 0 : i32
    %dma_wait3A_97 = tpu.memref_slice %arg7[%dma_wait3A_90, %dma_wait3A_96] : memref<84x128xi32, #tpu.memory_space<vmem>> -> memref<1x128xi32, #tpu.memory_space<vmem>>
    %dma_wait3A_98 = tpu.memref_squeeze %dma_wait3A_97 : memref<1x128xi32, #tpu.memory_space<vmem>> -> memref<128xi32, #tpu.memory_space<vmem>>
    %dma_wait3A_99 = arith.constant 0 : i32
    %dma_wait3A_100 = arith.constant 0 : i32
    %dma_wait3A_101 = tpu.memref_slice %arg4[%dma_wait3A_99, %dma_wait3A_100] : memref<10000x64xf32, #tpu.memory_space<hbm>> -> memref<10000x64xf32, #tpu.memory_space<hbm>>
    tpu.wait_indirect_dma semaphore(%arg14 : memref<!tpu.dma_semaphore, #tpu.memory_space<semaphore_mem>>) src(%dma_wait3A_101 : memref<10000x64xf32, #tpu.memory_space<hbm>>) dst(%dma_wait3A_95 : memref<128x64xf32, #tpu.memory_space<vmem>>)
    %barrier3A_102 = arith.constant 0 : index
    tpu.barrier barrier_id(%barrier3A_102)
    %mul3A_103 = arith.constant 10112 : i32
    %mul3A_104 = arith.muli %arg0, %mul3A_103 : i32
    %add3A_105 = arith.addi %mul3A_104, %mul3A_2 : i32
    "tpu.region"() ({
      %run_scoped3A = tpu.sem_alloc : memref<!tpu.dma_semaphore, #tpu.memory_space<semaphore_mem>>
      %dma_start3A_106 = arith.constant 0 : i32
      %dma_start3A_107 = tpu.memref_slice %arg6[%add3A_105, %dma_start3A_106] : memref<20224x64xf32, #tpu.memory_space<hbm>> -> memref<632x64xf32, #tpu.memory_space<hbm>>
      %dma_start3A_108 = arith.constant 0 : i32
      %dma_start3A_109 = tpu.memref_slice %arg10[%mul3A_2, %dma_start3A_108] : memref<10112x64xf32, #tpu.memory_space<vmem_shared>> -> memref<632x64xf32, #tpu.memory_space<vmem_shared>>
      tpu.enqueue_dma source(%dma_start3A_109 : memref<632x64xf32, #tpu.memory_space<vmem_shared>>) target(%dma_start3A_107 : memref<632x64xf32, #tpu.memory_space<hbm>>) target_semaphore(%run_scoped3A : memref<!tpu.dma_semaphore, #tpu.memory_space<semaphore_mem>>)
      %dma_wait3A_110 = arith.constant 0 : i32
      %dma_wait3A_111 = tpu.memref_slice %arg6[%add3A_105, %dma_wait3A_110] : memref<20224x64xf32, #tpu.memory_space<hbm>> -> memref<632x64xf32, #tpu.memory_space<hbm>>
      %dma_wait3A_112 = arith.constant 0 : i32
      %dma_wait3A_113 = tpu.memref_slice %arg10[%mul3A_2, %dma_wait3A_112] : memref<10112x64xf32, #tpu.memory_space<vmem_shared>> -> memref<632x64xf32, #tpu.memory_space<vmem_shared>>
      tpu.wait_dma2 semaphore(%run_scoped3A : memref<!tpu.dma_semaphore, #tpu.memory_space<semaphore_mem>>) src(%dma_wait3A_113 : memref<632x64xf32, #tpu.memory_space<vmem_shared>>) dst(%dma_wait3A_111 : memref<632x64xf32, #tpu.memory_space<hbm>>)
      tpu.yield
    }) : () -> ()
    return
  }
}

#map = affine_map<(d0, d1) -> (0, 0, 0)>
#map1 = affine_map<(d0, d1) -> (0, 0)>
module attributes {stable_mosaic.version = 14 : i64} {
  func.func @deg_kernel(%arg0: i32, %arg1: i32, %arg2: memref<32x80x128xi32, #tpu.memory_space<hbm>>, %arg3: memref<10112x16xf32, #tpu.memory_space<hbm>>, %arg4: memref<128x16xf32, #tpu.memory_space<hbm>>, %arg5: memref<20224x16xf32, #tpu.memory_space<hbm>>, %arg6: memref<80x128xi32, #tpu.memory_space<vmem>>, %arg7: memref<128x16xf32, #tpu.memory_space<vmem>>, %arg8: memref<10112x16xf32, #tpu.memory_space<vmem_shared>>, %arg9: memref<!tpu.dma_semaphore, #tpu.memory_space<semaphore_mem>>) attributes {dimension_semantics = [#tpu.dimension_semantics<core_parallel>, #tpu.dimension_semantics<subcore_parallel>], iteration_bounds = array<i64: 2, 16>, scalar_prefetch = 0 : i64, scratch_operands = 4 : i64, tpu.core_type = #tpu.core_type<sc_vector_subcore>, window_params = [{transform_indices = #map}, {transform_indices = #map1}, {transform_indices = #map1}, {transform_indices = #map1}]} {
    %mul3A = arith.constant 2 : i32
    %mul3A_0 = arith.muli %arg1, %mul3A : i32
    %add3A = arith.addi %mul3A_0, %arg0 : i32
    %mul3A_1 = arith.constant 632 : i32
    %mul3A_2 = arith.muli %arg1, %mul3A_1 : i32
    "tpu.region"() ({
      %run_scoped3A = tpu.sem_alloc : memref<!tpu.dma_semaphore, #tpu.memory_space<semaphore_mem>>
      %dma_start3A = arith.constant 0 : i32
      %dma_start3A_12 = tpu.memref_slice %arg8[%mul3A_2, %dma_start3A] : memref<10112x16xf32, #tpu.memory_space<vmem_shared>> -> memref<632x16xf32, #tpu.memory_space<vmem_shared>>
      %dma_start3A_13 = arith.constant 0 : i32
      %dma_start3A_14 = tpu.memref_slice %arg3[%mul3A_2, %dma_start3A_13] : memref<10112x16xf32, #tpu.memory_space<hbm>> -> memref<632x16xf32, #tpu.memory_space<hbm>>
      tpu.enqueue_dma source(%dma_start3A_14 : memref<632x16xf32, #tpu.memory_space<hbm>>) target(%dma_start3A_12 : memref<632x16xf32, #tpu.memory_space<vmem_shared>>) target_semaphore(%run_scoped3A : memref<!tpu.dma_semaphore, #tpu.memory_space<semaphore_mem>>)
      %dma_wait3A = arith.constant 0 : i32
      %dma_wait3A_15 = tpu.memref_slice %arg8[%mul3A_2, %dma_wait3A] : memref<10112x16xf32, #tpu.memory_space<vmem_shared>> -> memref<632x16xf32, #tpu.memory_space<vmem_shared>>
      %dma_wait3A_16 = arith.constant 0 : i32
      %dma_wait3A_17 = tpu.memref_slice %arg3[%mul3A_2, %dma_wait3A_16] : memref<10112x16xf32, #tpu.memory_space<hbm>> -> memref<632x16xf32, #tpu.memory_space<hbm>>
      tpu.wait_dma2 semaphore(%run_scoped3A : memref<!tpu.dma_semaphore, #tpu.memory_space<semaphore_mem>>) src(%dma_wait3A_17 : memref<632x16xf32, #tpu.memory_space<hbm>>) dst(%dma_wait3A_15 : memref<632x16xf32, #tpu.memory_space<vmem_shared>>)
      tpu.yield
    }) : () -> ()
    "tpu.region"() ({
      %run_scoped3A = tpu.sem_alloc : memref<!tpu.dma_semaphore, #tpu.memory_space<semaphore_mem>>
      tpu.enqueue_dma source(%arg4 : memref<128x16xf32, #tpu.memory_space<hbm>>) target(%arg7 : memref<128x16xf32, #tpu.memory_space<vmem>>) target_semaphore(%run_scoped3A : memref<!tpu.dma_semaphore, #tpu.memory_space<semaphore_mem>>)
      tpu.wait_dma2 semaphore(%run_scoped3A : memref<!tpu.dma_semaphore, #tpu.memory_space<semaphore_mem>>) src(%arg4 : memref<128x16xf32, #tpu.memory_space<hbm>>) dst(%arg7 : memref<128x16xf32, #tpu.memory_space<vmem>>)
      tpu.yield
    }) : () -> ()
    "tpu.region"() ({
      %run_scoped3A = tpu.sem_alloc : memref<!tpu.dma_semaphore, #tpu.memory_space<semaphore_mem>>
      %dma_start3A = arith.constant 0 : i32
      %dma_start3A_12 = arith.constant 0 : i32
      %dma_start3A_13 = tpu.memref_slice %arg2[%add3A, %dma_start3A, %dma_start3A_12] : memref<32x80x128xi32, #tpu.memory_space<hbm>> -> memref<1x80x128xi32, #tpu.memory_space<hbm>>
      %dma_start3A_14 = tpu.memref_squeeze %dma_start3A_13 : memref<1x80x128xi32, #tpu.memory_space<hbm>> -> memref<80x128xi32, #tpu.memory_space<hbm>>
      %dma_start3A_15 = arith.constant 0 : i32
      %dma_start3A_16 = arith.constant 0 : i32
      %dma_start3A_17 = tpu.memref_slice %arg2[%add3A, %dma_start3A_15, %dma_start3A_16] : memref<32x80x128xi32, #tpu.memory_space<hbm>> -> memref<1x80x128xi32, #tpu.memory_space<hbm>>
      %dma_start3A_18 = tpu.memref_squeeze %dma_start3A_17 : memref<1x80x128xi32, #tpu.memory_space<hbm>> -> memref<80x128xi32, #tpu.memory_space<hbm>>
      tpu.enqueue_dma source(%dma_start3A_18 : memref<80x128xi32, #tpu.memory_space<hbm>>) target(%arg6 : memref<80x128xi32, #tpu.memory_space<vmem>>) target_semaphore(%run_scoped3A : memref<!tpu.dma_semaphore, #tpu.memory_space<semaphore_mem>>)
      %dma_wait3A = arith.constant 0 : i32
      %dma_wait3A_19 = arith.constant 0 : i32
      %dma_wait3A_20 = tpu.memref_slice %arg2[%add3A, %dma_wait3A, %dma_wait3A_19] : memref<32x80x128xi32, #tpu.memory_space<hbm>> -> memref<1x80x128xi32, #tpu.memory_space<hbm>>
      %dma_wait3A_21 = tpu.memref_squeeze %dma_wait3A_20 : memref<1x80x128xi32, #tpu.memory_space<hbm>> -> memref<80x128xi32, #tpu.memory_space<hbm>>
      %dma_wait3A_22 = arith.constant 0 : i32
      %dma_wait3A_23 = arith.constant 0 : i32
      %dma_wait3A_24 = tpu.memref_slice %arg2[%add3A, %dma_wait3A_22, %dma_wait3A_23] : memref<32x80x128xi32, #tpu.memory_space<hbm>> -> memref<1x80x128xi32, #tpu.memory_space<hbm>>
      %dma_wait3A_25 = tpu.memref_squeeze %dma_wait3A_24 : memref<1x80x128xi32, #tpu.memory_space<hbm>> -> memref<80x128xi32, #tpu.memory_space<hbm>>
      tpu.wait_dma2 semaphore(%run_scoped3A : memref<!tpu.dma_semaphore, #tpu.memory_space<semaphore_mem>>) src(%dma_wait3A_25 : memref<80x128xi32, #tpu.memory_space<hbm>>) dst(%arg6 : memref<80x128xi32, #tpu.memory_space<vmem>>)
      tpu.yield
    }) : () -> ()
    %barrier3A = arith.constant 0 : index
    tpu.barrier barrier_id(%barrier3A)
    %scan3A = arith.constant 0 : i32
    %scan3A_3 = arith.constant 0 : i32
    %scan3A_4 = arith.constant 4 : i32
    %scan3A_5 = arith.addi %scan3A_3, %scan3A_4 : i32
    %scan3A_6 = arith.constant 1 : i32
    scf.for %scan3A_12 = %scan3A_3 to %scan3A_5 step %scan3A_6  : i32 {
      %mul3A_13 = arith.constant 20 : i32
      %mul3A_14 = arith.muli %scan3A_12, %mul3A_13 : i32
      %mul3A_15 = arith.constant 20 : i32
      %mul3A_16 = arith.muli %scan3A_12, %mul3A_15 : i32
      %add3A_17 = arith.constant 20 : i32
      %add3A_18 = arith.addi %mul3A_16, %add3A_17 : i32
      %while3A = arith.constant 0 : i32
      %while3A_19 = arith.subi %add3A_18, %mul3A_14 : i32
      %while3A_20 = arith.addi %mul3A_14, %while3A_19 : i32
      %while3A_21 = arith.constant 1 : i32
      %while3A_22 = arith.divsi %while3A_19, %while3A_21 : i32
      %while3A_23 = arith.muli %while3A_22, %while3A_21 : i32
      %while3A_24 = arith.addi %mul3A_14, %while3A_23 : i32
      %while3A_25 = arith.constant 1 : i32
      scf.for %while3A_42 = %mul3A_14 to %while3A_24 step %while3A_25  : i32 {
        %dma_start3A = arith.constant 0 : i32
        %dma_start3A_43 = tpu.memref_slice %arg6[%while3A_42, %dma_start3A] : memref<80x128xi32, #tpu.memory_space<vmem>> -> memref<1x128xi32, #tpu.memory_space<vmem>>
        %dma_start3A_44 = tpu.memref_squeeze %dma_start3A_43 : memref<1x128xi32, #tpu.memory_space<vmem>> -> memref<128xi32, #tpu.memory_space<vmem>>
        %dma_start3A_45 = arith.constant 0 : i32
        %dma_start3A_46 = arith.constant 0 : i32
        %dma_start3A_47 = tpu.memref_slice %arg8[%dma_start3A_45, %dma_start3A_46] : memref<10112x16xf32, #tpu.memory_space<vmem_shared>> -> memref<10112x16xf32, #tpu.memory_space<vmem_shared>>
        tpu.enqueue_indirect_dma source(%arg7 : memref<128x16xf32, #tpu.memory_space<vmem>>) target(%dma_start3A_47 : memref<10112x16xf32, #tpu.memory_space<vmem_shared>>) offsets(%dma_start3A_44 : memref<128xi32, #tpu.memory_space<vmem>>) semaphore(%arg9 : memref<!tpu.dma_semaphore, #tpu.memory_space<semaphore_mem>>) {add = true}
      }
      %while3A_26 = arith.constant 1 : i32
      scf.for %while3A_42 = %while3A_24 to %while3A_20 step %while3A_26  : i32 {
        %dma_start3A = arith.constant 0 : i32
        %dma_start3A_43 = tpu.memref_slice %arg6[%while3A_42, %dma_start3A] : memref<80x128xi32, #tpu.memory_space<vmem>> -> memref<1x128xi32, #tpu.memory_space<vmem>>
        %dma_start3A_44 = tpu.memref_squeeze %dma_start3A_43 : memref<1x128xi32, #tpu.memory_space<vmem>> -> memref<128xi32, #tpu.memory_space<vmem>>
        %dma_start3A_45 = arith.constant 0 : i32
        %dma_start3A_46 = arith.constant 0 : i32
        %dma_start3A_47 = tpu.memref_slice %arg8[%dma_start3A_45, %dma_start3A_46] : memref<10112x16xf32, #tpu.memory_space<vmem_shared>> -> memref<10112x16xf32, #tpu.memory_space<vmem_shared>>
        tpu.enqueue_indirect_dma source(%arg7 : memref<128x16xf32, #tpu.memory_space<vmem>>) target(%dma_start3A_47 : memref<10112x16xf32, #tpu.memory_space<vmem_shared>>) offsets(%dma_start3A_44 : memref<128xi32, #tpu.memory_space<vmem>>) semaphore(%arg9 : memref<!tpu.dma_semaphore, #tpu.memory_space<semaphore_mem>>) {add = true}
      }
      %mul3A_27 = arith.constant 20 : i32
      %mul3A_28 = arith.muli %scan3A_12, %mul3A_27 : i32
      %mul3A_29 = arith.constant 20 : i32
      %mul3A_30 = arith.muli %scan3A_12, %mul3A_29 : i32
      %add3A_31 = arith.constant 20 : i32
      %add3A_32 = arith.addi %mul3A_30, %add3A_31 : i32
      %while3A_33 = arith.constant 0 : i32
      %while3A_34 = arith.subi %add3A_32, %mul3A_28 : i32
      %while3A_35 = arith.addi %mul3A_28, %while3A_34 : i32
      %while3A_36 = arith.constant 1 : i32
      %while3A_37 = arith.divsi %while3A_34, %while3A_36 : i32
      %while3A_38 = arith.muli %while3A_37, %while3A_36 : i32
      %while3A_39 = arith.addi %mul3A_28, %while3A_38 : i32
      %while3A_40 = arith.constant 1 : i32
      scf.for %while3A_42 = %mul3A_28 to %while3A_39 step %while3A_40  : i32 {
        %dma_wait3A = arith.constant 0 : i32
        %dma_wait3A_43 = tpu.memref_slice %arg6[%while3A_42, %dma_wait3A] : memref<80x128xi32, #tpu.memory_space<vmem>> -> memref<1x128xi32, #tpu.memory_space<vmem>>
        %dma_wait3A_44 = tpu.memref_squeeze %dma_wait3A_43 : memref<1x128xi32, #tpu.memory_space<vmem>> -> memref<128xi32, #tpu.memory_space<vmem>>
        %dma_wait3A_45 = arith.constant 0 : i32
        %dma_wait3A_46 = arith.constant 0 : i32
        %dma_wait3A_47 = tpu.memref_slice %arg8[%dma_wait3A_45, %dma_wait3A_46] : memref<10112x16xf32, #tpu.memory_space<vmem_shared>> -> memref<10112x16xf32, #tpu.memory_space<vmem_shared>>
        tpu.wait_indirect_dma semaphore(%arg9 : memref<!tpu.dma_semaphore, #tpu.memory_space<semaphore_mem>>) src(%arg7 : memref<128x16xf32, #tpu.memory_space<vmem>>) dst(%dma_wait3A_47 : memref<10112x16xf32, #tpu.memory_space<vmem_shared>>)
      }
      %while3A_41 = arith.constant 1 : i32
      scf.for %while3A_42 = %while3A_39 to %while3A_35 step %while3A_41  : i32 {
        %dma_wait3A = arith.constant 0 : i32
        %dma_wait3A_43 = tpu.memref_slice %arg6[%while3A_42, %dma_wait3A] : memref<80x128xi32, #tpu.memory_space<vmem>> -> memref<1x128xi32, #tpu.memory_space<vmem>>
        %dma_wait3A_44 = tpu.memref_squeeze %dma_wait3A_43 : memref<1x128xi32, #tpu.memory_space<vmem>> -> memref<128xi32, #tpu.memory_space<vmem>>
        %dma_wait3A_45 = arith.constant 0 : i32
        %dma_wait3A_46 = arith.constant 0 : i32
        %dma_wait3A_47 = tpu.memref_slice %arg8[%dma_wait3A_45, %dma_wait3A_46] : memref<10112x16xf32, #tpu.memory_space<vmem_shared>> -> memref<10112x16xf32, #tpu.memory_space<vmem_shared>>
        tpu.wait_indirect_dma semaphore(%arg9 : memref<!tpu.dma_semaphore, #tpu.memory_space<semaphore_mem>>) src(%arg7 : memref<128x16xf32, #tpu.memory_space<vmem>>) dst(%dma_wait3A_47 : memref<10112x16xf32, #tpu.memory_space<vmem_shared>>)
      }
    }
    %scan3A_7 = arith.constant 4 : i32
    %barrier3A_8 = arith.constant 0 : index
    tpu.barrier barrier_id(%barrier3A_8)
    %mul3A_9 = arith.constant 10112 : i32
    %mul3A_10 = arith.muli %arg0, %mul3A_9 : i32
    %add3A_11 = arith.addi %mul3A_10, %mul3A_2 : i32
    "tpu.region"() ({
      %run_scoped3A = tpu.sem_alloc : memref<!tpu.dma_semaphore, #tpu.memory_space<semaphore_mem>>
      %dma_start3A = arith.constant 0 : i32
      %dma_start3A_12 = tpu.memref_slice %arg5[%add3A_11, %dma_start3A] : memref<20224x16xf32, #tpu.memory_space<hbm>> -> memref<632x16xf32, #tpu.memory_space<hbm>>
      %dma_start3A_13 = arith.constant 0 : i32
      %dma_start3A_14 = tpu.memref_slice %arg8[%mul3A_2, %dma_start3A_13] : memref<10112x16xf32, #tpu.memory_space<vmem_shared>> -> memref<632x16xf32, #tpu.memory_space<vmem_shared>>
      tpu.enqueue_dma source(%dma_start3A_14 : memref<632x16xf32, #tpu.memory_space<vmem_shared>>) target(%dma_start3A_12 : memref<632x16xf32, #tpu.memory_space<hbm>>) target_semaphore(%run_scoped3A : memref<!tpu.dma_semaphore, #tpu.memory_space<semaphore_mem>>)
      %dma_wait3A = arith.constant 0 : i32
      %dma_wait3A_15 = tpu.memref_slice %arg5[%add3A_11, %dma_wait3A] : memref<20224x16xf32, #tpu.memory_space<hbm>> -> memref<632x16xf32, #tpu.memory_space<hbm>>
      %dma_wait3A_16 = arith.constant 0 : i32
      %dma_wait3A_17 = tpu.memref_slice %arg8[%mul3A_2, %dma_wait3A_16] : memref<10112x16xf32, #tpu.memory_space<vmem_shared>> -> memref<632x16xf32, #tpu.memory_space<vmem_shared>>
      tpu.wait_dma2 semaphore(%run_scoped3A : memref<!tpu.dma_semaphore, #tpu.memory_space<semaphore_mem>>) src(%dma_wait3A_17 : memref<632x16xf32, #tpu.memory_space<vmem_shared>>) dst(%dma_wait3A_15 : memref<632x16xf32, #tpu.memory_space<hbm>>)
      tpu.yield
    }) : () -> ()
    return
  }
}

#map = affine_map<(d0, d1) -> (0, 0, 0)>
#map1 = affine_map<(d0, d1) -> (0, 0)>
module attributes {stable_mosaic.version = 14 : i64} {
  func.func @msg_kernel(%arg0: i32, %arg1: i32, %arg2: memref<32x84x128xi32, #tpu.memory_space<hbm>>, %arg3: memref<32x80x128xi32, #tpu.memory_space<hbm>>, %arg4: memref<10000x64xf32, #tpu.memory_space<hbm>>, %arg5: memref<10112x64xf32, #tpu.memory_space<hbm>>, %arg6: memref<20224x64xf32, #tpu.memory_space<hbm>>, %arg7: memref<84x128xi32, #tpu.memory_space<vmem>>, %arg8: memref<80x128xi32, #tpu.memory_space<vmem>>, %arg9: memref<4x128x64xf32, #tpu.memory_space<vmem>>, %arg10: memref<10112x64xf32, #tpu.memory_space<vmem_shared>>, %arg11: memref<!tpu.dma_semaphore, #tpu.memory_space<semaphore_mem>>, %arg12: memref<!tpu.dma_semaphore, #tpu.memory_space<semaphore_mem>>, %arg13: memref<!tpu.dma_semaphore, #tpu.memory_space<semaphore_mem>>, %arg14: memref<!tpu.dma_semaphore, #tpu.memory_space<semaphore_mem>>, %arg15: memref<!tpu.dma_semaphore, #tpu.memory_space<semaphore_mem>>, %arg16: memref<!tpu.dma_semaphore, #tpu.memory_space<semaphore_mem>>, %arg17: memref<!tpu.dma_semaphore, #tpu.memory_space<semaphore_mem>>, %arg18: memref<!tpu.dma_semaphore, #tpu.memory_space<semaphore_mem>>) attributes {dimension_semantics = [#tpu.dimension_semantics<core_parallel>, #tpu.dimension_semantics<subcore_parallel>], iteration_bounds = array<i64: 2, 16>, scalar_prefetch = 0 : i64, scratch_operands = 12 : i64, tpu.core_type = #tpu.core_type<sc_vector_subcore>, window_params = [{transform_indices = #map}, {transform_indices = #map}, {transform_indices = #map1}, {transform_indices = #map1}, {transform_indices = #map1}]} {
    %mul3A = arith.constant 2 : i32
    %mul3A_0 = arith.muli %arg1, %mul3A : i32
    %add3A = arith.addi %mul3A_0, %arg0 : i32
    %mul3A_1 = arith.constant 632 : i32
    %mul3A_2 = arith.muli %arg1, %mul3A_1 : i32
    "tpu.region"() ({
      %run_scoped3A = tpu.sem_alloc : memref<!tpu.dma_semaphore, #tpu.memory_space<semaphore_mem>>
      %dma_start3A_106 = arith.constant 0 : i32
      %dma_start3A_107 = tpu.memref_slice %arg10[%mul3A_2, %dma_start3A_106] : memref<10112x64xf32, #tpu.memory_space<vmem_shared>> -> memref<632x64xf32, #tpu.memory_space<vmem_shared>>
      %dma_start3A_108 = arith.constant 0 : i32
      %dma_start3A_109 = tpu.memref_slice %arg5[%mul3A_2, %dma_start3A_108] : memref<10112x64xf32, #tpu.memory_space<hbm>> -> memref<632x64xf32, #tpu.memory_space<hbm>>
      tpu.enqueue_dma source(%dma_start3A_109 : memref<632x64xf32, #tpu.memory_space<hbm>>) target(%dma_start3A_107 : memref<632x64xf32, #tpu.memory_space<vmem_shared>>) target_semaphore(%run_scoped3A : memref<!tpu.dma_semaphore, #tpu.memory_space<semaphore_mem>>)
      %dma_wait3A_110 = arith.constant 0 : i32
      %dma_wait3A_111 = tpu.memref_slice %arg10[%mul3A_2, %dma_wait3A_110] : memref<10112x64xf32, #tpu.memory_space<vmem_shared>> -> memref<632x64xf32, #tpu.memory_space<vmem_shared>>
      %dma_wait3A_112 = arith.constant 0 : i32
      %dma_wait3A_113 = tpu.memref_slice %arg5[%mul3A_2, %dma_wait3A_112] : memref<10112x64xf32, #tpu.memory_space<hbm>> -> memref<632x64xf32, #tpu.memory_space<hbm>>
      tpu.wait_dma2 semaphore(%run_scoped3A : memref<!tpu.dma_semaphore, #tpu.memory_space<semaphore_mem>>) src(%dma_wait3A_113 : memref<632x64xf32, #tpu.memory_space<hbm>>) dst(%dma_wait3A_111 : memref<632x64xf32, #tpu.memory_space<vmem_shared>>)
      tpu.yield
    }) : () -> ()
    "tpu.region"() ({
      %run_scoped3A = tpu.sem_alloc : memref<!tpu.dma_semaphore, #tpu.memory_space<semaphore_mem>>
      %dma_start3A_106 = arith.constant 0 : i32
      %dma_start3A_107 = arith.constant 0 : i32
      %dma_start3A_108 = tpu.memref_slice %arg2[%add3A, %dma_start3A_106, %dma_start3A_107] : memref<32x84x128xi32, #tpu.memory_space<hbm>> -> memref<1x84x128xi32, #tpu.memory_space<hbm>>
      %dma_start3A_109 = tpu.memref_squeeze %dma_start3A_108 : memref<1x84x128xi32, #tpu.memory_space<hbm>> -> memref<84x128xi32, #tpu.memory_space<hbm>>
      %dma_start3A_110 = arith.constant 0 : i32
      %dma_start3A_111 = arith.constant 0 : i32
      %dma_start3A_112 = tpu.memref_slice %arg2[%add3A, %dma_start3A_110, %dma_start3A_111] : memref<32x84x128xi32, #tpu.memory_space<hbm>> -> memref<1x84x128xi32, #tpu.memory_space<hbm>>
      %dma_start3A_113 = tpu.memref_squeeze %dma_start3A_112 : memref<1x84x128xi32, #tpu.memory_space<hbm>> -> memref<84x128xi32, #tpu.memory_space<hbm>>
      tpu.enqueue_dma source(%dma_start3A_113 : memref<84x128xi32, #tpu.memory_space<hbm>>) target(%arg7 : memref<84x128xi32, #tpu.memory_space<vmem>>) target_semaphore(%run_scoped3A : memref<!tpu.dma_semaphore, #tpu.memory_space<semaphore_mem>>)
      %dma_wait3A_114 = arith.constant 0 : i32
      %dma_wait3A_115 = arith.constant 0 : i32
      %dma_wait3A_116 = tpu.memref_slice %arg2[%add3A, %dma_wait3A_114, %dma_wait3A_115] : memref<32x84x128xi32, #tpu.memory_space<hbm>> -> memref<1x84x128xi32, #tpu.memory_space<hbm>>
      %dma_wait3A_117 = tpu.memref_squeeze %dma_wait3A_116 : memref<1x84x128xi32, #tpu.memory_space<hbm>> -> memref<84x128xi32, #tpu.memory_space<hbm>>
      %dma_wait3A_118 = arith.constant 0 : i32
      %dma_wait3A_119 = arith.constant 0 : i32
      %dma_wait3A_120 = tpu.memref_slice %arg2[%add3A, %dma_wait3A_118, %dma_wait3A_119] : memref<32x84x128xi32, #tpu.memory_space<hbm>> -> memref<1x84x128xi32, #tpu.memory_space<hbm>>
      %dma_wait3A_121 = tpu.memref_squeeze %dma_wait3A_120 : memref<1x84x128xi32, #tpu.memory_space<hbm>> -> memref<84x128xi32, #tpu.memory_space<hbm>>
      tpu.wait_dma2 semaphore(%run_scoped3A : memref<!tpu.dma_semaphore, #tpu.memory_space<semaphore_mem>>) src(%dma_wait3A_121 : memref<84x128xi32, #tpu.memory_space<hbm>>) dst(%arg7 : memref<84x128xi32, #tpu.memory_space<vmem>>)
      tpu.yield
    }) : () -> ()
    "tpu.region"() ({
      %run_scoped3A = tpu.sem_alloc : memref<!tpu.dma_semaphore, #tpu.memory_space<semaphore_mem>>
      %dma_start3A_106 = arith.constant 0 : i32
      %dma_start3A_107 = arith.constant 0 : i32
      %dma_start3A_108 = tpu.memref_slice %arg3[%add3A, %dma_start3A_106, %dma_start3A_107] : memref<32x80x128xi32, #tpu.memory_space<hbm>> -> memref<1x80x128xi32, #tpu.memory_space<hbm>>
      %dma_start3A_109 = tpu.memref_squeeze %dma_start3A_108 : memref<1x80x128xi32, #tpu.memory_space<hbm>> -> memref<80x128xi32, #tpu.memory_space<hbm>>
      %dma_start3A_110 = arith.constant 0 : i32
      %dma_start3A_111 = arith.constant 0 : i32
      %dma_start3A_112 = tpu.memref_slice %arg3[%add3A, %dma_start3A_110, %dma_start3A_111] : memref<32x80x128xi32, #tpu.memory_space<hbm>> -> memref<1x80x128xi32, #tpu.memory_space<hbm>>
      %dma_start3A_113 = tpu.memref_squeeze %dma_start3A_112 : memref<1x80x128xi32, #tpu.memory_space<hbm>> -> memref<80x128xi32, #tpu.memory_space<hbm>>
      tpu.enqueue_dma source(%dma_start3A_113 : memref<80x128xi32, #tpu.memory_space<hbm>>) target(%arg8 : memref<80x128xi32, #tpu.memory_space<vmem>>) target_semaphore(%run_scoped3A : memref<!tpu.dma_semaphore, #tpu.memory_space<semaphore_mem>>)
      %dma_wait3A_114 = arith.constant 0 : i32
      %dma_wait3A_115 = arith.constant 0 : i32
      %dma_wait3A_116 = tpu.memref_slice %arg3[%add3A, %dma_wait3A_114, %dma_wait3A_115] : memref<32x80x128xi32, #tpu.memory_space<hbm>> -> memref<1x80x128xi32, #tpu.memory_space<hbm>>
      %dma_wait3A_117 = tpu.memref_squeeze %dma_wait3A_116 : memref<1x80x128xi32, #tpu.memory_space<hbm>> -> memref<80x128xi32, #tpu.memory_space<hbm>>
      %dma_wait3A_118 = arith.constant 0 : i32
      %dma_wait3A_119 = arith.constant 0 : i32
      %dma_wait3A_120 = tpu.memref_slice %arg3[%add3A, %dma_wait3A_118, %dma_wait3A_119] : memref<32x80x128xi32, #tpu.memory_space<hbm>> -> memref<1x80x128xi32, #tpu.memory_space<hbm>>
      %dma_wait3A_121 = tpu.memref_squeeze %dma_wait3A_120 : memref<1x80x128xi32, #tpu.memory_space<hbm>> -> memref<80x128xi32, #tpu.memory_space<hbm>>
      tpu.wait_dma2 semaphore(%run_scoped3A : memref<!tpu.dma_semaphore, #tpu.memory_space<semaphore_mem>>) src(%dma_wait3A_121 : memref<80x128xi32, #tpu.memory_space<hbm>>) dst(%arg8 : memref<80x128xi32, #tpu.memory_space<vmem>>)
      tpu.yield
    }) : () -> ()
    %barrier3A = arith.constant 0 : index
    tpu.barrier barrier_id(%barrier3A)
    %dma_start3A = arith.constant 0 : i32
    %dma_start3A_3 = arith.constant 0 : i32
    %dma_start3A_4 = arith.constant 0 : i32
    %dma_start3A_5 = arith.constant 0 : i32
    %dma_start3A_6 = tpu.memref_slice %arg9[%dma_start3A_3, %dma_start3A_4, %dma_start3A_5] : memref<4x128x64xf32, #tpu.memory_space<vmem>> -> memref<1x128x64xf32, #tpu.memory_space<vmem>>
    %dma_start3A_7 = tpu.memref_squeeze %dma_start3A_6 : memref<1x128x64xf32, #tpu.memory_space<vmem>> -> memref<128x64xf32, #tpu.memory_space<vmem>>
    %dma_start3A_8 = arith.constant 0 : i32
    %dma_start3A_9 = tpu.memref_slice %arg7[%dma_start3A, %dma_start3A_8] : memref<84x128xi32, #tpu.memory_space<vmem>> -> memref<1x128xi32, #tpu.memory_space<vmem>>
    %dma_start3A_10 = tpu.memref_squeeze %dma_start3A_9 : memref<1x128xi32, #tpu.memory_space<vmem>> -> memref<128xi32, #tpu.memory_space<vmem>>
    %dma_start3A_11 = arith.constant 0 : i32
    %dma_start3A_12 = arith.constant 0 : i32
    %dma_start3A_13 = tpu.memref_slice %arg4[%dma_start3A_11, %dma_start3A_12] : memref<10000x64xf32, #tpu.memory_space<hbm>> -> memref<10000x64xf32, #tpu.memory_space<hbm>>
    tpu.enqueue_indirect_dma source(%dma_start3A_13 : memref<10000x64xf32, #tpu.memory_space<hbm>>) target(%dma_start3A_7 : memref<128x64xf32, #tpu.memory_space<vmem>>) offsets(%dma_start3A_10 : memref<128xi32, #tpu.memory_space<vmem>>) semaphore(%arg11 : memref<!tpu.dma_semaphore, #tpu.memory_space<semaphore_mem>>)
    %dma_start3A_14 = arith.constant 1 : i32
    %dma_start3A_15 = arith.constant 1 : i32
    %dma_start3A_16 = arith.constant 0 : i32
    %dma_start3A_17 = arith.constant 0 : i32
    %dma_start3A_18 = tpu.memref_slice %arg9[%dma_start3A_15, %dma_start3A_16, %dma_start3A_17] : memref<4x128x64xf32, #tpu.memory_space<vmem>> -> memref<1x128x64xf32, #tpu.memory_space<vmem>>
    %dma_start3A_19 = tpu.memref_squeeze %dma_start3A_18 : memref<1x128x64xf32, #tpu.memory_space<vmem>> -> memref<128x64xf32, #tpu.memory_space<vmem>>
    %dma_start3A_20 = arith.constant 0 : i32
    %dma_start3A_21 = tpu.memref_slice %arg7[%dma_start3A_14, %dma_start3A_20] : memref<84x128xi32, #tpu.memory_space<vmem>> -> memref<1x128xi32, #tpu.memory_space<vmem>>
    %dma_start3A_22 = tpu.memref_squeeze %dma_start3A_21 : memref<1x128xi32, #tpu.memory_space<vmem>> -> memref<128xi32, #tpu.memory_space<vmem>>
    %dma_start3A_23 = arith.constant 0 : i32
    %dma_start3A_24 = arith.constant 0 : i32
    %dma_start3A_25 = tpu.memref_slice %arg4[%dma_start3A_23, %dma_start3A_24] : memref<10000x64xf32, #tpu.memory_space<hbm>> -> memref<10000x64xf32, #tpu.memory_space<hbm>>
    tpu.enqueue_indirect_dma source(%dma_start3A_25 : memref<10000x64xf32, #tpu.memory_space<hbm>>) target(%dma_start3A_19 : memref<128x64xf32, #tpu.memory_space<vmem>>) offsets(%dma_start3A_22 : memref<128xi32, #tpu.memory_space<vmem>>) semaphore(%arg12 : memref<!tpu.dma_semaphore, #tpu.memory_space<semaphore_mem>>)
    %dma_start3A_26 = arith.constant 2 : i32
    %dma_start3A_27 = arith.constant 2 : i32
    %dma_start3A_28 = arith.constant 0 : i32
    %dma_start3A_29 = arith.constant 0 : i32
    %dma_start3A_30 = tpu.memref_slice %arg9[%dma_start3A_27, %dma_start3A_28, %dma_start3A_29] : memref<4x128x64xf32, #tpu.memory_space<vmem>> -> memref<1x128x64xf32, #tpu.memory_space<vmem>>
    %dma_start3A_31 = tpu.memref_squeeze %dma_start3A_30 : memref<1x128x64xf32, #tpu.memory_space<vmem>> -> memref<128x64xf32, #tpu.memory_space<vmem>>
    %dma_start3A_32 = arith.constant 0 : i32
    %dma_start3A_33 = tpu.memref_slice %arg7[%dma_start3A_26, %dma_start3A_32] : memref<84x128xi32, #tpu.memory_space<vmem>> -> memref<1x128xi32, #tpu.memory_space<vmem>>
    %dma_start3A_34 = tpu.memref_squeeze %dma_start3A_33 : memref<1x128xi32, #tpu.memory_space<vmem>> -> memref<128xi32, #tpu.memory_space<vmem>>
    %dma_start3A_35 = arith.constant 0 : i32
    %dma_start3A_36 = arith.constant 0 : i32
    %dma_start3A_37 = tpu.memref_slice %arg4[%dma_start3A_35, %dma_start3A_36] : memref<10000x64xf32, #tpu.memory_space<hbm>> -> memref<10000x64xf32, #tpu.memory_space<hbm>>
    tpu.enqueue_indirect_dma source(%dma_start3A_37 : memref<10000x64xf32, #tpu.memory_space<hbm>>) target(%dma_start3A_31 : memref<128x64xf32, #tpu.memory_space<vmem>>) offsets(%dma_start3A_34 : memref<128xi32, #tpu.memory_space<vmem>>) semaphore(%arg13 : memref<!tpu.dma_semaphore, #tpu.memory_space<semaphore_mem>>)
    %dma_start3A_38 = arith.constant 3 : i32
    %dma_start3A_39 = arith.constant 3 : i32
    %dma_start3A_40 = arith.constant 0 : i32
    %dma_start3A_41 = arith.constant 0 : i32
    %dma_start3A_42 = tpu.memref_slice %arg9[%dma_start3A_39, %dma_start3A_40, %dma_start3A_41] : memref<4x128x64xf32, #tpu.memory_space<vmem>> -> memref<1x128x64xf32, #tpu.memory_space<vmem>>
    %dma_start3A_43 = tpu.memref_squeeze %dma_start3A_42 : memref<1x128x64xf32, #tpu.memory_space<vmem>> -> memref<128x64xf32, #tpu.memory_space<vmem>>
    %dma_start3A_44 = arith.constant 0 : i32
    %dma_start3A_45 = tpu.memref_slice %arg7[%dma_start3A_38, %dma_start3A_44] : memref<84x128xi32, #tpu.memory_space<vmem>> -> memref<1x128xi32, #tpu.memory_space<vmem>>
    %dma_start3A_46 = tpu.memref_squeeze %dma_start3A_45 : memref<1x128xi32, #tpu.memory_space<vmem>> -> memref<128xi32, #tpu.memory_space<vmem>>
    %dma_start3A_47 = arith.constant 0 : i32
    %dma_start3A_48 = arith.constant 0 : i32
    %dma_start3A_49 = tpu.memref_slice %arg4[%dma_start3A_47, %dma_start3A_48] : memref<10000x64xf32, #tpu.memory_space<hbm>> -> memref<10000x64xf32, #tpu.memory_space<hbm>>
    tpu.enqueue_indirect_dma source(%dma_start3A_49 : memref<10000x64xf32, #tpu.memory_space<hbm>>) target(%dma_start3A_43 : memref<128x64xf32, #tpu.memory_space<vmem>>) offsets(%dma_start3A_46 : memref<128xi32, #tpu.memory_space<vmem>>) semaphore(%arg14 : memref<!tpu.dma_semaphore, #tpu.memory_space<semaphore_mem>>)
    %scan3A = arith.constant 0 : i32
    %scan3A_50 = arith.constant 0 : i32
    %scan3A_51 = arith.constant 20 : i32
    %scan3A_52 = arith.addi %scan3A_50, %scan3A_51 : i32
    %scan3A_53 = arith.constant 1 : i32
    scf.for %scan3A_106 = %scan3A_50 to %scan3A_52 step %scan3A_53  : i32 {
      %mul3A_107 = arith.constant 4 : i32
      %mul3A_108 = arith.muli %mul3A_107, %scan3A_106 : i32
      %add3A_109 = arith.constant 0 : i32
      %add3A_110 = arith.addi %mul3A_108, %add3A_109 : i32
      %dma_wait3A_111 = arith.constant 0 : i32
      %dma_wait3A_112 = arith.constant 0 : i32
      %dma_wait3A_113 = arith.constant 0 : i32
      %dma_wait3A_114 = tpu.memref_slice %arg9[%dma_wait3A_111, %dma_wait3A_112, %dma_wait3A_113] : memref<4x128x64xf32, #tpu.memory_space<vmem>> -> memref<1x128x64xf32, #tpu.memory_space<vmem>>
      %dma_wait3A_115 = tpu.memref_squeeze %dma_wait3A_114 : memref<1x128x64xf32, #tpu.memory_space<vmem>> -> memref<128x64xf32, #tpu.memory_space<vmem>>
      %dma_wait3A_116 = arith.constant 0 : i32
      %dma_wait3A_117 = tpu.memref_slice %arg7[%add3A_110, %dma_wait3A_116] : memref<84x128xi32, #tpu.memory_space<vmem>> -> memref<1x128xi32, #tpu.memory_space<vmem>>
      %dma_wait3A_118 = tpu.memref_squeeze %dma_wait3A_117 : memref<1x128xi32, #tpu.memory_space<vmem>> -> memref<128xi32, #tpu.memory_space<vmem>>
      %dma_wait3A_119 = arith.constant 0 : i32
      %dma_wait3A_120 = arith.constant 0 : i32
      %dma_wait3A_121 = tpu.memref_slice %arg4[%dma_wait3A_119, %dma_wait3A_120] : memref<10000x64xf32, #tpu.memory_space<hbm>> -> memref<10000x64xf32, #tpu.memory_space<hbm>>
      tpu.wait_indirect_dma semaphore(%arg11 : memref<!tpu.dma_semaphore, #tpu.memory_space<semaphore_mem>>) src(%dma_wait3A_121 : memref<10000x64xf32, #tpu.memory_space<hbm>>) dst(%dma_wait3A_115 : memref<128x64xf32, #tpu.memory_space<vmem>>)
      %add3A_122 = arith.constant 0 : i32
      %add3A_123 = arith.addi %mul3A_108, %add3A_122 : i32
      %dma_start3A_124 = arith.constant 0 : i32
      %dma_start3A_125 = arith.constant 0 : i32
      %dma_start3A_126 = arith.constant 0 : i32
      %dma_start3A_127 = tpu.memref_slice %arg9[%dma_start3A_124, %dma_start3A_125, %dma_start3A_126] : memref<4x128x64xf32, #tpu.memory_space<vmem>> -> memref<1x128x64xf32, #tpu.memory_space<vmem>>
      %dma_start3A_128 = tpu.memref_squeeze %dma_start3A_127 : memref<1x128x64xf32, #tpu.memory_space<vmem>> -> memref<128x64xf32, #tpu.memory_space<vmem>>
      %dma_start3A_129 = arith.constant 0 : i32
      %dma_start3A_130 = tpu.memref_slice %arg8[%add3A_123, %dma_start3A_129] : memref<80x128xi32, #tpu.memory_space<vmem>> -> memref<1x128xi32, #tpu.memory_space<vmem>>
      %dma_start3A_131 = tpu.memref_squeeze %dma_start3A_130 : memref<1x128xi32, #tpu.memory_space<vmem>> -> memref<128xi32, #tpu.memory_space<vmem>>
      %dma_start3A_132 = arith.constant 0 : i32
      %dma_start3A_133 = arith.constant 0 : i32
      %dma_start3A_134 = tpu.memref_slice %arg10[%dma_start3A_132, %dma_start3A_133] : memref<10112x64xf32, #tpu.memory_space<vmem_shared>> -> memref<10112x64xf32, #tpu.memory_space<vmem_shared>>
      tpu.enqueue_indirect_dma source(%dma_start3A_128 : memref<128x64xf32, #tpu.memory_space<vmem>>) target(%dma_start3A_134 : memref<10112x64xf32, #tpu.memory_space<vmem_shared>>) offsets(%dma_start3A_131 : memref<128xi32, #tpu.memory_space<vmem>>) semaphore(%arg15 : memref<!tpu.dma_semaphore, #tpu.memory_space<semaphore_mem>>) {add = true}
      %add3A_135 = arith.constant 1 : i32
      %add3A_136 = arith.addi %mul3A_108, %add3A_135 : i32
      %dma_wait3A_137 = arith.constant 1 : i32
      %dma_wait3A_138 = arith.constant 0 : i32
      %dma_wait3A_139 = arith.constant 0 : i32
      %dma_wait3A_140 = tpu.memref_slice %arg9[%dma_wait3A_137, %dma_wait3A_138, %dma_wait3A_139] : memref<4x128x64xf32, #tpu.memory_space<vmem>> -> memref<1x128x64xf32, #tpu.memory_space<vmem>>
      %dma_wait3A_141 = tpu.memref_squeeze %dma_wait3A_140 : memref<1x128x64xf32, #tpu.memory_space<vmem>> -> memref<128x64xf32, #tpu.memory_space<vmem>>
      %dma_wait3A_142 = arith.constant 0 : i32
      %dma_wait3A_143 = tpu.memref_slice %arg7[%add3A_136, %dma_wait3A_142] : memref<84x128xi32, #tpu.memory_space<vmem>> -> memref<1x128xi32, #tpu.memory_space<vmem>>
      %dma_wait3A_144 = tpu.memref_squeeze %dma_wait3A_143 : memref<1x128xi32, #tpu.memory_space<vmem>> -> memref<128xi32, #tpu.memory_space<vmem>>
      %dma_wait3A_145 = arith.constant 0 : i32
      %dma_wait3A_146 = arith.constant 0 : i32
      %dma_wait3A_147 = tpu.memref_slice %arg4[%dma_wait3A_145, %dma_wait3A_146] : memref<10000x64xf32, #tpu.memory_space<hbm>> -> memref<10000x64xf32, #tpu.memory_space<hbm>>
      tpu.wait_indirect_dma semaphore(%arg12 : memref<!tpu.dma_semaphore, #tpu.memory_space<semaphore_mem>>) src(%dma_wait3A_147 : memref<10000x64xf32, #tpu.memory_space<hbm>>) dst(%dma_wait3A_141 : memref<128x64xf32, #tpu.memory_space<vmem>>)
      %add3A_148 = arith.constant 1 : i32
      %add3A_149 = arith.addi %mul3A_108, %add3A_148 : i32
      %dma_start3A_150 = arith.constant 1 : i32
      %dma_start3A_151 = arith.constant 0 : i32
      %dma_start3A_152 = arith.constant 0 : i32
      %dma_start3A_153 = tpu.memref_slice %arg9[%dma_start3A_150, %dma_start3A_151, %dma_start3A_152] : memref<4x128x64xf32, #tpu.memory_space<vmem>> -> memref<1x128x64xf32, #tpu.memory_space<vmem>>
      %dma_start3A_154 = tpu.memref_squeeze %dma_start3A_153 : memref<1x128x64xf32, #tpu.memory_space<vmem>> -> memref<128x64xf32, #tpu.memory_space<vmem>>
      %dma_start3A_155 = arith.constant 0 : i32
      %dma_start3A_156 = tpu.memref_slice %arg8[%add3A_149, %dma_start3A_155] : memref<80x128xi32, #tpu.memory_space<vmem>> -> memref<1x128xi32, #tpu.memory_space<vmem>>
      %dma_start3A_157 = tpu.memref_squeeze %dma_start3A_156 : memref<1x128xi32, #tpu.memory_space<vmem>> -> memref<128xi32, #tpu.memory_space<vmem>>
      %dma_start3A_158 = arith.constant 0 : i32
      %dma_start3A_159 = arith.constant 0 : i32
      %dma_start3A_160 = tpu.memref_slice %arg10[%dma_start3A_158, %dma_start3A_159] : memref<10112x64xf32, #tpu.memory_space<vmem_shared>> -> memref<10112x64xf32, #tpu.memory_space<vmem_shared>>
      tpu.enqueue_indirect_dma source(%dma_start3A_154 : memref<128x64xf32, #tpu.memory_space<vmem>>) target(%dma_start3A_160 : memref<10112x64xf32, #tpu.memory_space<vmem_shared>>) offsets(%dma_start3A_157 : memref<128xi32, #tpu.memory_space<vmem>>) semaphore(%arg16 : memref<!tpu.dma_semaphore, #tpu.memory_space<semaphore_mem>>) {add = true}
      %add3A_161 = arith.constant 2 : i32
      %add3A_162 = arith.addi %mul3A_108, %add3A_161 : i32
      %dma_wait3A_163 = arith.constant 2 : i32
      %dma_wait3A_164 = arith.constant 0 : i32
      %dma_wait3A_165 = arith.constant 0 : i32
      %dma_wait3A_166 = tpu.memref_slice %arg9[%dma_wait3A_163, %dma_wait3A_164, %dma_wait3A_165] : memref<4x128x64xf32, #tpu.memory_space<vmem>> -> memref<1x128x64xf32, #tpu.memory_space<vmem>>
      %dma_wait3A_167 = tpu.memref_squeeze %dma_wait3A_166 : memref<1x128x64xf32, #tpu.memory_space<vmem>> -> memref<128x64xf32, #tpu.memory_space<vmem>>
      %dma_wait3A_168 = arith.constant 0 : i32
      %dma_wait3A_169 = tpu.memref_slice %arg7[%add3A_162, %dma_wait3A_168] : memref<84x128xi32, #tpu.memory_space<vmem>> -> memref<1x128xi32, #tpu.memory_space<vmem>>
      %dma_wait3A_170 = tpu.memref_squeeze %dma_wait3A_169 : memref<1x128xi32, #tpu.memory_space<vmem>> -> memref<128xi32, #tpu.memory_space<vmem>>
      %dma_wait3A_171 = arith.constant 0 : i32
      %dma_wait3A_172 = arith.constant 0 : i32
      %dma_wait3A_173 = tpu.memref_slice %arg4[%dma_wait3A_171, %dma_wait3A_172] : memref<10000x64xf32, #tpu.memory_space<hbm>> -> memref<10000x64xf32, #tpu.memory_space<hbm>>
      tpu.wait_indirect_dma semaphore(%arg13 : memref<!tpu.dma_semaphore, #tpu.memory_space<semaphore_mem>>) src(%dma_wait3A_173 : memref<10000x64xf32, #tpu.memory_space<hbm>>) dst(%dma_wait3A_167 : memref<128x64xf32, #tpu.memory_space<vmem>>)
      %add3A_174 = arith.constant 2 : i32
      %add3A_175 = arith.addi %mul3A_108, %add3A_174 : i32
      %dma_start3A_176 = arith.constant 2 : i32
      %dma_start3A_177 = arith.constant 0 : i32
      %dma_start3A_178 = arith.constant 0 : i32
      %dma_start3A_179 = tpu.memref_slice %arg9[%dma_start3A_176, %dma_start3A_177, %dma_start3A_178] : memref<4x128x64xf32, #tpu.memory_space<vmem>> -> memref<1x128x64xf32, #tpu.memory_space<vmem>>
      %dma_start3A_180 = tpu.memref_squeeze %dma_start3A_179 : memref<1x128x64xf32, #tpu.memory_space<vmem>> -> memref<128x64xf32, #tpu.memory_space<vmem>>
      %dma_start3A_181 = arith.constant 0 : i32
      %dma_start3A_182 = tpu.memref_slice %arg8[%add3A_175, %dma_start3A_181] : memref<80x128xi32, #tpu.memory_space<vmem>> -> memref<1x128xi32, #tpu.memory_space<vmem>>
      %dma_start3A_183 = tpu.memref_squeeze %dma_start3A_182 : memref<1x128xi32, #tpu.memory_space<vmem>> -> memref<128xi32, #tpu.memory_space<vmem>>
      %dma_start3A_184 = arith.constant 0 : i32
      %dma_start3A_185 = arith.constant 0 : i32
      %dma_start3A_186 = tpu.memref_slice %arg10[%dma_start3A_184, %dma_start3A_185] : memref<10112x64xf32, #tpu.memory_space<vmem_shared>> -> memref<10112x64xf32, #tpu.memory_space<vmem_shared>>
      tpu.enqueue_indirect_dma source(%dma_start3A_180 : memref<128x64xf32, #tpu.memory_space<vmem>>) target(%dma_start3A_186 : memref<10112x64xf32, #tpu.memory_space<vmem_shared>>) offsets(%dma_start3A_183 : memref<128xi32, #tpu.memory_space<vmem>>) semaphore(%arg17 : memref<!tpu.dma_semaphore, #tpu.memory_space<semaphore_mem>>) {add = true}
      %add3A_187 = arith.constant 3 : i32
      %add3A_188 = arith.addi %mul3A_108, %add3A_187 : i32
      %dma_wait3A_189 = arith.constant 3 : i32
      %dma_wait3A_190 = arith.constant 0 : i32
      %dma_wait3A_191 = arith.constant 0 : i32
      %dma_wait3A_192 = tpu.memref_slice %arg9[%dma_wait3A_189, %dma_wait3A_190, %dma_wait3A_191] : memref<4x128x64xf32, #tpu.memory_space<vmem>> -> memref<1x128x64xf32, #tpu.memory_space<vmem>>
      %dma_wait3A_193 = tpu.memref_squeeze %dma_wait3A_192 : memref<1x128x64xf32, #tpu.memory_space<vmem>> -> memref<128x64xf32, #tpu.memory_space<vmem>>
      %dma_wait3A_194 = arith.constant 0 : i32
      %dma_wait3A_195 = tpu.memref_slice %arg7[%add3A_188, %dma_wait3A_194] : memref<84x128xi32, #tpu.memory_space<vmem>> -> memref<1x128xi32, #tpu.memory_space<vmem>>
      %dma_wait3A_196 = tpu.memref_squeeze %dma_wait3A_195 : memref<1x128xi32, #tpu.memory_space<vmem>> -> memref<128xi32, #tpu.memory_space<vmem>>
      %dma_wait3A_197 = arith.constant 0 : i32
      %dma_wait3A_198 = arith.constant 0 : i32
      %dma_wait3A_199 = tpu.memref_slice %arg4[%dma_wait3A_197, %dma_wait3A_198] : memref<10000x64xf32, #tpu.memory_space<hbm>> -> memref<10000x64xf32, #tpu.memory_space<hbm>>
      tpu.wait_indirect_dma semaphore(%arg14 : memref<!tpu.dma_semaphore, #tpu.memory_space<semaphore_mem>>) src(%dma_wait3A_199 : memref<10000x64xf32, #tpu.memory_space<hbm>>) dst(%dma_wait3A_193 : memref<128x64xf32, #tpu.memory_space<vmem>>)
      %add3A_200 = arith.constant 3 : i32
      %add3A_201 = arith.addi %mul3A_108, %add3A_200 : i32
      %dma_start3A_202 = arith.constant 3 : i32
      %dma_start3A_203 = arith.constant 0 : i32
      %dma_start3A_204 = arith.constant 0 : i32
      %dma_start3A_205 = tpu.memref_slice %arg9[%dma_start3A_202, %dma_start3A_203, %dma_start3A_204] : memref<4x128x64xf32, #tpu.memory_space<vmem>> -> memref<1x128x64xf32, #tpu.memory_space<vmem>>
      %dma_start3A_206 = tpu.memref_squeeze %dma_start3A_205 : memref<1x128x64xf32, #tpu.memory_space<vmem>> -> memref<128x64xf32, #tpu.memory_space<vmem>>
      %dma_start3A_207 = arith.constant 0 : i32
      %dma_start3A_208 = tpu.memref_slice %arg8[%add3A_201, %dma_start3A_207] : memref<80x128xi32, #tpu.memory_space<vmem>> -> memref<1x128xi32, #tpu.memory_space<vmem>>
      %dma_start3A_209 = tpu.memref_squeeze %dma_start3A_208 : memref<1x128xi32, #tpu.memory_space<vmem>> -> memref<128xi32, #tpu.memory_space<vmem>>
      %dma_start3A_210 = arith.constant 0 : i32
      %dma_start3A_211 = arith.constant 0 : i32
      %dma_start3A_212 = tpu.memref_slice %arg10[%dma_start3A_210, %dma_start3A_211] : memref<10112x64xf32, #tpu.memory_space<vmem_shared>> -> memref<10112x64xf32, #tpu.memory_space<vmem_shared>>
      tpu.enqueue_indirect_dma source(%dma_start3A_206 : memref<128x64xf32, #tpu.memory_space<vmem>>) target(%dma_start3A_212 : memref<10112x64xf32, #tpu.memory_space<vmem_shared>>) offsets(%dma_start3A_209 : memref<128xi32, #tpu.memory_space<vmem>>) semaphore(%arg18 : memref<!tpu.dma_semaphore, #tpu.memory_space<semaphore_mem>>) {add = true}
      %add3A_213 = arith.constant 0 : i32
      %add3A_214 = arith.addi %mul3A_108, %add3A_213 : i32
      %dma_wait3A_215 = arith.constant 0 : i32
      %dma_wait3A_216 = arith.constant 0 : i32
      %dma_wait3A_217 = arith.constant 0 : i32
      %dma_wait3A_218 = tpu.memref_slice %arg9[%dma_wait3A_215, %dma_wait3A_216, %dma_wait3A_217] : memref<4x128x64xf32, #tpu.memory_space<vmem>> -> memref<1x128x64xf32, #tpu.memory_space<vmem>>
      %dma_wait3A_219 = tpu.memref_squeeze %dma_wait3A_218 : memref<1x128x64xf32, #tpu.memory_space<vmem>> -> memref<128x64xf32, #tpu.memory_space<vmem>>
      %dma_wait3A_220 = arith.constant 0 : i32
      %dma_wait3A_221 = tpu.memref_slice %arg8[%add3A_214, %dma_wait3A_220] : memref<80x128xi32, #tpu.memory_space<vmem>> -> memref<1x128xi32, #tpu.memory_space<vmem>>
      %dma_wait3A_222 = tpu.memref_squeeze %dma_wait3A_221 : memref<1x128xi32, #tpu.memory_space<vmem>> -> memref<128xi32, #tpu.memory_space<vmem>>
      %dma_wait3A_223 = arith.constant 0 : i32
      %dma_wait3A_224 = arith.constant 0 : i32
      %dma_wait3A_225 = tpu.memref_slice %arg10[%dma_wait3A_223, %dma_wait3A_224] : memref<10112x64xf32, #tpu.memory_space<vmem_shared>> -> memref<10112x64xf32, #tpu.memory_space<vmem_shared>>
      tpu.wait_indirect_dma semaphore(%arg15 : memref<!tpu.dma_semaphore, #tpu.memory_space<semaphore_mem>>) src(%dma_wait3A_219 : memref<128x64xf32, #tpu.memory_space<vmem>>) dst(%dma_wait3A_225 : memref<10112x64xf32, #tpu.memory_space<vmem_shared>>)
      %add3A_226 = arith.constant 4 : i32
      %add3A_227 = arith.addi %mul3A_108, %add3A_226 : i32
      %add3A_228 = arith.constant 0 : i32
      %add3A_229 = arith.addi %add3A_227, %add3A_228 : i32
      %dma_start3A_230 = arith.constant 0 : i32
      %dma_start3A_231 = arith.constant 0 : i32
      %dma_start3A_232 = arith.constant 0 : i32
      %dma_start3A_233 = tpu.memref_slice %arg9[%dma_start3A_230, %dma_start3A_231, %dma_start3A_232] : memref<4x128x64xf32, #tpu.memory_space<vmem>> -> memref<1x128x64xf32, #tpu.memory_space<vmem>>
      %dma_start3A_234 = tpu.memref_squeeze %dma_start3A_233 : memref<1x128x64xf32, #tpu.memory_space<vmem>> -> memref<128x64xf32, #tpu.memory_space<vmem>>
      %dma_start3A_235 = arith.constant 0 : i32
      %dma_start3A_236 = tpu.memref_slice %arg7[%add3A_229, %dma_start3A_235] : memref<84x128xi32, #tpu.memory_space<vmem>> -> memref<1x128xi32, #tpu.memory_space<vmem>>
      %dma_start3A_237 = tpu.memref_squeeze %dma_start3A_236 : memref<1x128xi32, #tpu.memory_space<vmem>> -> memref<128xi32, #tpu.memory_space<vmem>>
      %dma_start3A_238 = arith.constant 0 : i32
      %dma_start3A_239 = arith.constant 0 : i32
      %dma_start3A_240 = tpu.memref_slice %arg4[%dma_start3A_238, %dma_start3A_239] : memref<10000x64xf32, #tpu.memory_space<hbm>> -> memref<10000x64xf32, #tpu.memory_space<hbm>>
      tpu.enqueue_indirect_dma source(%dma_start3A_240 : memref<10000x64xf32, #tpu.memory_space<hbm>>) target(%dma_start3A_234 : memref<128x64xf32, #tpu.memory_space<vmem>>) offsets(%dma_start3A_237 : memref<128xi32, #tpu.memory_space<vmem>>) semaphore(%arg11 : memref<!tpu.dma_semaphore, #tpu.memory_space<semaphore_mem>>)
      %add3A_241 = arith.constant 1 : i32
      %add3A_242 = arith.addi %mul3A_108, %add3A_241 : i32
      %dma_wait3A_243 = arith.constant 1 : i32
      %dma_wait3A_244 = arith.constant 0 : i32
      %dma_wait3A_245 = arith.constant 0 : i32
      %dma_wait3A_246 = tpu.memref_slice %arg9[%dma_wait3A_243, %dma_wait3A_244, %dma_wait3A_245] : memref<4x128x64xf32, #tpu.memory_space<vmem>> -> memref<1x128x64xf32, #tpu.memory_space<vmem>>
      %dma_wait3A_247 = tpu.memref_squeeze %dma_wait3A_246 : memref<1x128x64xf32, #tpu.memory_space<vmem>> -> memref<128x64xf32, #tpu.memory_space<vmem>>
      %dma_wait3A_248 = arith.constant 0 : i32
      %dma_wait3A_249 = tpu.memref_slice %arg8[%add3A_242, %dma_wait3A_248] : memref<80x128xi32, #tpu.memory_space<vmem>> -> memref<1x128xi32, #tpu.memory_space<vmem>>
      %dma_wait3A_250 = tpu.memref_squeeze %dma_wait3A_249 : memref<1x128xi32, #tpu.memory_space<vmem>> -> memref<128xi32, #tpu.memory_space<vmem>>
      %dma_wait3A_251 = arith.constant 0 : i32
      %dma_wait3A_252 = arith.constant 0 : i32
      %dma_wait3A_253 = tpu.memref_slice %arg10[%dma_wait3A_251, %dma_wait3A_252] : memref<10112x64xf32, #tpu.memory_space<vmem_shared>> -> memref<10112x64xf32, #tpu.memory_space<vmem_shared>>
      tpu.wait_indirect_dma semaphore(%arg16 : memref<!tpu.dma_semaphore, #tpu.memory_space<semaphore_mem>>) src(%dma_wait3A_247 : memref<128x64xf32, #tpu.memory_space<vmem>>) dst(%dma_wait3A_253 : memref<10112x64xf32, #tpu.memory_space<vmem_shared>>)
      %add3A_254 = arith.constant 4 : i32
      %add3A_255 = arith.addi %mul3A_108, %add3A_254 : i32
      %add3A_256 = arith.constant 1 : i32
      %add3A_257 = arith.addi %add3A_255, %add3A_256 : i32
      %dma_start3A_258 = arith.constant 1 : i32
      %dma_start3A_259 = arith.constant 0 : i32
      %dma_start3A_260 = arith.constant 0 : i32
      %dma_start3A_261 = tpu.memref_slice %arg9[%dma_start3A_258, %dma_start3A_259, %dma_start3A_260] : memref<4x128x64xf32, #tpu.memory_space<vmem>> -> memref<1x128x64xf32, #tpu.memory_space<vmem>>
      %dma_start3A_262 = tpu.memref_squeeze %dma_start3A_261 : memref<1x128x64xf32, #tpu.memory_space<vmem>> -> memref<128x64xf32, #tpu.memory_space<vmem>>
      %dma_start3A_263 = arith.constant 0 : i32
      %dma_start3A_264 = tpu.memref_slice %arg7[%add3A_257, %dma_start3A_263] : memref<84x128xi32, #tpu.memory_space<vmem>> -> memref<1x128xi32, #tpu.memory_space<vmem>>
      %dma_start3A_265 = tpu.memref_squeeze %dma_start3A_264 : memref<1x128xi32, #tpu.memory_space<vmem>> -> memref<128xi32, #tpu.memory_space<vmem>>
      %dma_start3A_266 = arith.constant 0 : i32
      %dma_start3A_267 = arith.constant 0 : i32
      %dma_start3A_268 = tpu.memref_slice %arg4[%dma_start3A_266, %dma_start3A_267] : memref<10000x64xf32, #tpu.memory_space<hbm>> -> memref<10000x64xf32, #tpu.memory_space<hbm>>
      tpu.enqueue_indirect_dma source(%dma_start3A_268 : memref<10000x64xf32, #tpu.memory_space<hbm>>) target(%dma_start3A_262 : memref<128x64xf32, #tpu.memory_space<vmem>>) offsets(%dma_start3A_265 : memref<128xi32, #tpu.memory_space<vmem>>) semaphore(%arg12 : memref<!tpu.dma_semaphore, #tpu.memory_space<semaphore_mem>>)
      %add3A_269 = arith.constant 2 : i32
      %add3A_270 = arith.addi %mul3A_108, %add3A_269 : i32
      %dma_wait3A_271 = arith.constant 2 : i32
      %dma_wait3A_272 = arith.constant 0 : i32
      %dma_wait3A_273 = arith.constant 0 : i32
      %dma_wait3A_274 = tpu.memref_slice %arg9[%dma_wait3A_271, %dma_wait3A_272, %dma_wait3A_273] : memref<4x128x64xf32, #tpu.memory_space<vmem>> -> memref<1x128x64xf32, #tpu.memory_space<vmem>>
      %dma_wait3A_275 = tpu.memref_squeeze %dma_wait3A_274 : memref<1x128x64xf32, #tpu.memory_space<vmem>> -> memref<128x64xf32, #tpu.memory_space<vmem>>
      %dma_wait3A_276 = arith.constant 0 : i32
      %dma_wait3A_277 = tpu.memref_slice %arg8[%add3A_270, %dma_wait3A_276] : memref<80x128xi32, #tpu.memory_space<vmem>> -> memref<1x128xi32, #tpu.memory_space<vmem>>
      %dma_wait3A_278 = tpu.memref_squeeze %dma_wait3A_277 : memref<1x128xi32, #tpu.memory_space<vmem>> -> memref<128xi32, #tpu.memory_space<vmem>>
      %dma_wait3A_279 = arith.constant 0 : i32
      %dma_wait3A_280 = arith.constant 0 : i32
      %dma_wait3A_281 = tpu.memref_slice %arg10[%dma_wait3A_279, %dma_wait3A_280] : memref<10112x64xf32, #tpu.memory_space<vmem_shared>> -> memref<10112x64xf32, #tpu.memory_space<vmem_shared>>
      tpu.wait_indirect_dma semaphore(%arg17 : memref<!tpu.dma_semaphore, #tpu.memory_space<semaphore_mem>>) src(%dma_wait3A_275 : memref<128x64xf32, #tpu.memory_space<vmem>>) dst(%dma_wait3A_281 : memref<10112x64xf32, #tpu.memory_space<vmem_shared>>)
      %add3A_282 = arith.constant 4 : i32
      %add3A_283 = arith.addi %mul3A_108, %add3A_282 : i32
      %add3A_284 = arith.constant 2 : i32
      %add3A_285 = arith.addi %add3A_283, %add3A_284 : i32
      %dma_start3A_286 = arith.constant 2 : i32
      %dma_start3A_287 = arith.constant 0 : i32
      %dma_start3A_288 = arith.constant 0 : i32
      %dma_start3A_289 = tpu.memref_slice %arg9[%dma_start3A_286, %dma_start3A_287, %dma_start3A_288] : memref<4x128x64xf32, #tpu.memory_space<vmem>> -> memref<1x128x64xf32, #tpu.memory_space<vmem>>
      %dma_start3A_290 = tpu.memref_squeeze %dma_start3A_289 : memref<1x128x64xf32, #tpu.memory_space<vmem>> -> memref<128x64xf32, #tpu.memory_space<vmem>>
      %dma_start3A_291 = arith.constant 0 : i32
      %dma_start3A_292 = tpu.memref_slice %arg7[%add3A_285, %dma_start3A_291] : memref<84x128xi32, #tpu.memory_space<vmem>> -> memref<1x128xi32, #tpu.memory_space<vmem>>
      %dma_start3A_293 = tpu.memref_squeeze %dma_start3A_292 : memref<1x128xi32, #tpu.memory_space<vmem>> -> memref<128xi32, #tpu.memory_space<vmem>>
      %dma_start3A_294 = arith.constant 0 : i32
      %dma_start3A_295 = arith.constant 0 : i32
      %dma_start3A_296 = tpu.memref_slice %arg4[%dma_start3A_294, %dma_start3A_295] : memref<10000x64xf32, #tpu.memory_space<hbm>> -> memref<10000x64xf32, #tpu.memory_space<hbm>>
      tpu.enqueue_indirect_dma source(%dma_start3A_296 : memref<10000x64xf32, #tpu.memory_space<hbm>>) target(%dma_start3A_290 : memref<128x64xf32, #tpu.memory_space<vmem>>) offsets(%dma_start3A_293 : memref<128xi32, #tpu.memory_space<vmem>>) semaphore(%arg13 : memref<!tpu.dma_semaphore, #tpu.memory_space<semaphore_mem>>)
      %add3A_297 = arith.constant 3 : i32
      %add3A_298 = arith.addi %mul3A_108, %add3A_297 : i32
      %dma_wait3A_299 = arith.constant 3 : i32
      %dma_wait3A_300 = arith.constant 0 : i32
      %dma_wait3A_301 = arith.constant 0 : i32
      %dma_wait3A_302 = tpu.memref_slice %arg9[%dma_wait3A_299, %dma_wait3A_300, %dma_wait3A_301] : memref<4x128x64xf32, #tpu.memory_space<vmem>> -> memref<1x128x64xf32, #tpu.memory_space<vmem>>
      %dma_wait3A_303 = tpu.memref_squeeze %dma_wait3A_302 : memref<1x128x64xf32, #tpu.memory_space<vmem>> -> memref<128x64xf32, #tpu.memory_space<vmem>>
      %dma_wait3A_304 = arith.constant 0 : i32
      %dma_wait3A_305 = tpu.memref_slice %arg8[%add3A_298, %dma_wait3A_304] : memref<80x128xi32, #tpu.memory_space<vmem>> -> memref<1x128xi32, #tpu.memory_space<vmem>>
      %dma_wait3A_306 = tpu.memref_squeeze %dma_wait3A_305 : memref<1x128xi32, #tpu.memory_space<vmem>> -> memref<128xi32, #tpu.memory_space<vmem>>
      %dma_wait3A_307 = arith.constant 0 : i32
      %dma_wait3A_308 = arith.constant 0 : i32
      %dma_wait3A_309 = tpu.memref_slice %arg10[%dma_wait3A_307, %dma_wait3A_308] : memref<10112x64xf32, #tpu.memory_space<vmem_shared>> -> memref<10112x64xf32, #tpu.memory_space<vmem_shared>>
      tpu.wait_indirect_dma semaphore(%arg18 : memref<!tpu.dma_semaphore, #tpu.memory_space<semaphore_mem>>) src(%dma_wait3A_303 : memref<128x64xf32, #tpu.memory_space<vmem>>) dst(%dma_wait3A_309 : memref<10112x64xf32, #tpu.memory_space<vmem_shared>>)
      %add3A_310 = arith.constant 4 : i32
      %add3A_311 = arith.addi %mul3A_108, %add3A_310 : i32
      %add3A_312 = arith.constant 3 : i32
      %add3A_313 = arith.addi %add3A_311, %add3A_312 : i32
      %dma_start3A_314 = arith.constant 3 : i32
      %dma_start3A_315 = arith.constant 0 : i32
      %dma_start3A_316 = arith.constant 0 : i32
      %dma_start3A_317 = tpu.memref_slice %arg9[%dma_start3A_314, %dma_start3A_315, %dma_start3A_316] : memref<4x128x64xf32, #tpu.memory_space<vmem>> -> memref<1x128x64xf32, #tpu.memory_space<vmem>>
      %dma_start3A_318 = tpu.memref_squeeze %dma_start3A_317 : memref<1x128x64xf32, #tpu.memory_space<vmem>> -> memref<128x64xf32, #tpu.memory_space<vmem>>
      %dma_start3A_319 = arith.constant 0 : i32
      %dma_start3A_320 = tpu.memref_slice %arg7[%add3A_313, %dma_start3A_319] : memref<84x128xi32, #tpu.memory_space<vmem>> -> memref<1x128xi32, #tpu.memory_space<vmem>>
      %dma_start3A_321 = tpu.memref_squeeze %dma_start3A_320 : memref<1x128xi32, #tpu.memory_space<vmem>> -> memref<128xi32, #tpu.memory_space<vmem>>
      %dma_start3A_322 = arith.constant 0 : i32
      %dma_start3A_323 = arith.constant 0 : i32
      %dma_start3A_324 = tpu.memref_slice %arg4[%dma_start3A_322, %dma_start3A_323] : memref<10000x64xf32, #tpu.memory_space<hbm>> -> memref<10000x64xf32, #tpu.memory_space<hbm>>
      tpu.enqueue_indirect_dma source(%dma_start3A_324 : memref<10000x64xf32, #tpu.memory_space<hbm>>) target(%dma_start3A_318 : memref<128x64xf32, #tpu.memory_space<vmem>>) offsets(%dma_start3A_321 : memref<128xi32, #tpu.memory_space<vmem>>) semaphore(%arg14 : memref<!tpu.dma_semaphore, #tpu.memory_space<semaphore_mem>>)
    }
    %scan3A_54 = arith.constant 20 : i32
    %dma_wait3A = arith.constant 80 : i32
    %dma_wait3A_55 = arith.constant 0 : i32
    %dma_wait3A_56 = arith.constant 0 : i32
    %dma_wait3A_57 = arith.constant 0 : i32
    %dma_wait3A_58 = tpu.memref_slice %arg9[%dma_wait3A_55, %dma_wait3A_56, %dma_wait3A_57] : memref<4x128x64xf32, #tpu.memory_space<vmem>> -> memref<1x128x64xf32, #tpu.memory_space<vmem>>
    %dma_wait3A_59 = tpu.memref_squeeze %dma_wait3A_58 : memref<1x128x64xf32, #tpu.memory_space<vmem>> -> memref<128x64xf32, #tpu.memory_space<vmem>>
    %dma_wait3A_60 = arith.constant 0 : i32
    %dma_wait3A_61 = tpu.memref_slice %arg7[%dma_wait3A, %dma_wait3A_60] : memref<84x128xi32, #tpu.memory_space<vmem>> -> memref<1x128xi32, #tpu.memory_space<vmem>>
    %dma_wait3A_62 = tpu.memref_squeeze %dma_wait3A_61 : memref<1x128xi32, #tpu.memory_space<vmem>> -> memref<128xi32, #tpu.memory_space<vmem>>
    %dma_wait3A_63 = arith.constant 0 : i32
    %dma_wait3A_64 = arith.constant 0 : i32
    %dma_wait3A_65 = tpu.memref_slice %arg4[%dma_wait3A_63, %dma_wait3A_64] : memref<10000x64xf32, #tpu.memory_space<hbm>> -> memref<10000x64xf32, #tpu.memory_space<hbm>>
    tpu.wait_indirect_dma semaphore(%arg11 : memref<!tpu.dma_semaphore, #tpu.memory_space<semaphore_mem>>) src(%dma_wait3A_65 : memref<10000x64xf32, #tpu.memory_space<hbm>>) dst(%dma_wait3A_59 : memref<128x64xf32, #tpu.memory_space<vmem>>)
    %dma_wait3A_66 = arith.constant 81 : i32
    %dma_wait3A_67 = arith.constant 1 : i32
    %dma_wait3A_68 = arith.constant 0 : i32
    %dma_wait3A_69 = arith.constant 0 : i32
    %dma_wait3A_70 = tpu.memref_slice %arg9[%dma_wait3A_67, %dma_wait3A_68, %dma_wait3A_69] : memref<4x128x64xf32, #tpu.memory_space<vmem>> -> memref<1x128x64xf32, #tpu.memory_space<vmem>>
    %dma_wait3A_71 = tpu.memref_squeeze %dma_wait3A_70 : memref<1x128x64xf32, #tpu.memory_space<vmem>> -> memref<128x64xf32, #tpu.memory_space<vmem>>
    %dma_wait3A_72 = arith.constant 0 : i32
    %dma_wait3A_73 = tpu.memref_slice %arg7[%dma_wait3A_66, %dma_wait3A_72] : memref<84x128xi32, #tpu.memory_space<vmem>> -> memref<1x128xi32, #tpu.memory_space<vmem>>
    %dma_wait3A_74 = tpu.memref_squeeze %dma_wait3A_73 : memref<1x128xi32, #tpu.memory_space<vmem>> -> memref<128xi32, #tpu.memory_space<vmem>>
    %dma_wait3A_75 = arith.constant 0 : i32
    %dma_wait3A_76 = arith.constant 0 : i32
    %dma_wait3A_77 = tpu.memref_slice %arg4[%dma_wait3A_75, %dma_wait3A_76] : memref<10000x64xf32, #tpu.memory_space<hbm>> -> memref<10000x64xf32, #tpu.memory_space<hbm>>
    tpu.wait_indirect_dma semaphore(%arg12 : memref<!tpu.dma_semaphore, #tpu.memory_space<semaphore_mem>>) src(%dma_wait3A_77 : memref<10000x64xf32, #tpu.memory_space<hbm>>) dst(%dma_wait3A_71 : memref<128x64xf32, #tpu.memory_space<vmem>>)
    %dma_wait3A_78 = arith.constant 82 : i32
    %dma_wait3A_79 = arith.constant 2 : i32
    %dma_wait3A_80 = arith.constant 0 : i32
    %dma_wait3A_81 = arith.constant 0 : i32
    %dma_wait3A_82 = tpu.memref_slice %arg9[%dma_wait3A_79, %dma_wait3A_80, %dma_wait3A_81] : memref<4x128x64xf32, #tpu.memory_space<vmem>> -> memref<1x128x64xf32, #tpu.memory_space<vmem>>
    %dma_wait3A_83 = tpu.memref_squeeze %dma_wait3A_82 : memref<1x128x64xf32, #tpu.memory_space<vmem>> -> memref<128x64xf32, #tpu.memory_space<vmem>>
    %dma_wait3A_84 = arith.constant 0 : i32
    %dma_wait3A_85 = tpu.memref_slice %arg7[%dma_wait3A_78, %dma_wait3A_84] : memref<84x128xi32, #tpu.memory_space<vmem>> -> memref<1x128xi32, #tpu.memory_space<vmem>>
    %dma_wait3A_86 = tpu.memref_squeeze %dma_wait3A_85 : memref<1x128xi32, #tpu.memory_space<vmem>> -> memref<128xi32, #tpu.memory_space<vmem>>
    %dma_wait3A_87 = arith.constant 0 : i32
    %dma_wait3A_88 = arith.constant 0 : i32
    %dma_wait3A_89 = tpu.memref_slice %arg4[%dma_wait3A_87, %dma_wait3A_88] : memref<10000x64xf32, #tpu.memory_space<hbm>> -> memref<10000x64xf32, #tpu.memory_space<hbm>>
    tpu.wait_indirect_dma semaphore(%arg13 : memref<!tpu.dma_semaphore, #tpu.memory_space<semaphore_mem>>) src(%dma_wait3A_89 : memref<10000x64xf32, #tpu.memory_space<hbm>>) dst(%dma_wait3A_83 : memref<128x64xf32, #tpu.memory_space<vmem>>)
    %dma_wait3A_90 = arith.constant 83 : i32
    %dma_wait3A_91 = arith.constant 3 : i32
    %dma_wait3A_92 = arith.constant 0 : i32
    %dma_wait3A_93 = arith.constant 0 : i32
    %dma_wait3A_94 = tpu.memref_slice %arg9[%dma_wait3A_91, %dma_wait3A_92, %dma_wait3A_93] : memref<4x128x64xf32, #tpu.memory_space<vmem>> -> memref<1x128x64xf32, #tpu.memory_space<vmem>>
    %dma_wait3A_95 = tpu.memref_squeeze %dma_wait3A_94 : memref<1x128x64xf32, #tpu.memory_space<vmem>> -> memref<128x64xf32, #tpu.memory_space<vmem>>
    %dma_wait3A_96 = arith.constant 0 : i32
    %dma_wait3A_97 = tpu.memref_slice %arg7[%dma_wait3A_90, %dma_wait3A_96] : memref<84x128xi32, #tpu.memory_space<vmem>> -> memref<1x128xi32, #tpu.memory_space<vmem>>
    %dma_wait3A_98 = tpu.memref_squeeze %dma_wait3A_97 : memref<1x128xi32, #tpu.memory_space<vmem>> -> memref<128xi32, #tpu.memory_space<vmem>>
    %dma_wait3A_99 = arith.constant 0 : i32
    %dma_wait3A_100 = arith.constant 0 : i32
    %dma_wait3A_101 = tpu.memref_slice %arg4[%dma_wait3A_99, %dma_wait3A_100] : memref<10000x64xf32, #tpu.memory_space<hbm>> -> memref<10000x64xf32, #tpu.memory_space<hbm>>
    tpu.wait_indirect_dma semaphore(%arg14 : memref<!tpu.dma_semaphore, #tpu.memory_space<semaphore_mem>>) src(%dma_wait3A_101 : memref<10000x64xf32, #tpu.memory_space<hbm>>) dst(%dma_wait3A_95 : memref<128x64xf32, #tpu.memory_space<vmem>>)
    %barrier3A_102 = arith.constant 0 : index
    tpu.barrier barrier_id(%barrier3A_102)
    %mul3A_103 = arith.constant 10112 : i32
    %mul3A_104 = arith.muli %arg0, %mul3A_103 : i32
    %add3A_105 = arith.addi %mul3A_104, %mul3A_2 : i32
    "tpu.region"() ({
      %run_scoped3A = tpu.sem_alloc : memref<!tpu.dma_semaphore, #tpu.memory_space<semaphore_mem>>
      %dma_start3A_106 = arith.constant 0 : i32
      %dma_start3A_107 = tpu.memref_slice %arg6[%add3A_105, %dma_start3A_106] : memref<20224x64xf32, #tpu.memory_space<hbm>> -> memref<632x64xf32, #tpu.memory_space<hbm>>
      %dma_start3A_108 = arith.constant 0 : i32
      %dma_start3A_109 = tpu.memref_slice %arg10[%mul3A_2, %dma_start3A_108] : memref<10112x64xf32, #tpu.memory_space<vmem_shared>> -> memref<632x64xf32, #tpu.memory_space<vmem_shared>>
      tpu.enqueue_dma source(%dma_start3A_109 : memref<632x64xf32, #tpu.memory_space<vmem_shared>>) target(%dma_start3A_107 : memref<632x64xf32, #tpu.memory_space<hbm>>) target_semaphore(%run_scoped3A : memref<!tpu.dma_semaphore, #tpu.memory_space<semaphore_mem>>)
      %dma_wait3A_110 = arith.constant 0 : i32
      %dma_wait3A_111 = tpu.memref_slice %arg6[%add3A_105, %dma_wait3A_110] : memref<20224x64xf32, #tpu.memory_space<hbm>> -> memref<632x64xf32, #tpu.memory_space<hbm>>
      %dma_wait3A_112 = arith.constant 0 : i32
      %dma_wait3A_113 = tpu.memref_slice %arg10[%mul3A_2, %dma_wait3A_112] : memref<10112x64xf32, #tpu.memory_space<vmem_shared>> -> memref<632x64xf32, #tpu.memory_space<vmem_shared>>
      tpu.wait_dma2 semaphore(%run_scoped3A : memref<!tpu.dma_semaphore, #tpu.memory_space<semaphore_mem>>) src(%dma_wait3A_113 : memref<632x64xf32, #tpu.memory_space<vmem_shared>>) dst(%dma_wait3A_111 : memref<632x64xf32, #tpu.memory_space<hbm>>)
      tpu.yield
    }) : () -> ()
    return
  }
}

module attributes {stable_mosaic.version = 14 : i64} {
  func.func @body(%arg0: i32, %arg1: memref<2x400x16xf32, #tpu.memory_space<vmem>>, %arg2: memref<400x128xf32, #tpu.memory_space<vmem>>, %arg3: memref<128x64xf32, #tpu.memory_space<vmem>>, %arg4: memref<400x64xf32, #tpu.memory_space<vmem>>) attributes {dimension_semantics = [#tpu.dimension_semantics<arbitrary>], iteration_bounds = array<i64: 25>, scalar_prefetch = 0 : i64, scratch_operands = 0 : i64, tpu.core_type = #tpu.core_type<tc>, window_params = [{transform_indices = @transform_0, window_bounds = array<i64: 2, 400, 16>}, {transform_indices = @transform_1, window_bounds = array<i64: 400, 128>}, {pipeline_mode = #tpu.pipeline_mode<synchronous>, transform_indices = @transform_2, window_bounds = array<i64: 128, 64>}, {transform_indices = @transform_3, window_bounds = array<i64: 400, 64>}]} {
    %get3A = arith.constant 0 : index
    %get3A_0 = arith.constant 0 : index
    %get3A_1 = arith.constant 0 : index
    %get3A_2 = vector.load %arg1[%get3A, %get3A_0, %get3A_1] : memref<2x400x16xf32, #tpu.memory_space<vmem>>, vector<1x400x16xf32>
    %get3A_3 = vector.shape_cast %get3A_2 : vector<1x400x16xf32> to vector<400x16xf32>
    %get3A_4 = arith.constant 1 : index
    %get3A_5 = arith.constant 0 : index
    %get3A_6 = arith.constant 0 : index
    %get3A_7 = vector.load %arg1[%get3A_4, %get3A_5, %get3A_6] : memref<2x400x16xf32, #tpu.memory_space<vmem>>, vector<1x400x16xf32>
    %get3A_8 = vector.shape_cast %get3A_7 : vector<1x400x16xf32> to vector<400x16xf32>
    %add3A = arith.addf %get3A_3, %get3A_8 : vector<400x16xf32>
    %add3A_9 = arith.constant 1.000000e+00 : f32
    %add3A_10 = vector.broadcast %add3A_9 : f32 to vector<400x16xf32>
    %add3A_11 = arith.addf %add3A, %add3A_10 : vector<400x16xf32>
    %slice3A = vector.extract_strided_slice %add3A_11 {offsets = [0, 0], sizes = [400, 1], strides = [1, 1]} : vector<400x16xf32> to vector<400x1xf32>
    %rsqrt3A = math.rsqrt %slice3A : vector<400x1xf32>
    %get3A_12 = arith.constant 0 : index
    %get3A_13 = arith.constant 0 : index
    %get3A_14 = vector.load %arg2[%get3A_12, %get3A_13] : memref<400x128xf32, #tpu.memory_space<vmem>>, vector<400x128xf32>
    %get3A_15 = arith.constant 0 : index
    %get3A_16 = arith.constant 0 : index
    %get3A_17 = vector.load %arg3[%get3A_15, %get3A_16] : memref<128x64xf32, #tpu.memory_space<vmem>>, vector<128x64xf32>
    %dot_general3A = arith.constant dense<0.000000e+00> : vector<400x64xf32>
    %dot_general3A_18 = tpu.matmul %get3A_14, %get3A_17, %dot_general3A {dimension_numbers = #tpu.dot_dimension_numbers<[1], [0], [0], [1], [0, 0, 1, 1], [], []>, precision = #tpu.contract_precision<fp32>, transpose_lhs_hint = false} : vector<400x128xf32>, vector<128x64xf32>, vector<400x64xf32> -> vector<400x64xf32>
    %mul3A = vector.broadcast %rsqrt3A : vector<400x1xf32> to vector<400x64xf32>
    %mul3A_19 = arith.mulf %dot_general3A_18, %mul3A : vector<400x64xf32>
    %swap3A = arith.constant 0 : index
    %swap3A_20 = arith.constant 0 : index
    %swap3A_21 = vector.load %arg4[%swap3A, %swap3A_20] : memref<400x64xf32, #tpu.memory_space<vmem>>, vector<400x64xf32>
    tpu.vector_store %arg4[%swap3A, %swap3A_20], %mul3A_19 {strides = array<i32>} : memref<400x64xf32, #tpu.memory_space<vmem>>, vector<400x64xf32>,
    return
  }
  func.func @transform_0(%arg0: i32) -> (i32, i32, i32) {
    %c0_i32 = arith.constant 0 : i32
    %c0_i32_0 = arith.constant 0 : i32
    %c0_i32_1 = arith.constant 0 : i32
    return %c0_i32, %arg0, %c0_i32_0 : i32, i32, i32
  }
  func.func @transform_1(%arg0: i32) -> (i32, i32) {
    %c0_i32 = arith.constant 0 : i32
    %c0_i32_0 = arith.constant 0 : i32
    return %arg0, %c0_i32 : i32, i32
  }
  func.func @transform_2(%arg0: i32) -> (i32, i32) {
    %c0_i32 = arith.constant 0 : i32
    %c0_i32_0 = arith.constant 0 : i32
    %c0_i32_1 = arith.constant 0 : i32
    return %c0_i32, %c0_i32_0 : i32, i32
  }
  func.func @transform_3(%arg0: i32) -> (i32, i32) {
    %c0_i32 = arith.constant 0 : i32
    %c0_i32_0 = arith.constant 0 : i32
    return %arg0, %c0_i32 : i32, i32
  }
}

module attributes {stable_mosaic.version = 14 : i64} {
  func.func @body(%arg0: i32, %arg1: memref<2x400x64xf32, #tpu.memory_space<vmem>>, %arg2: memref<400x64xf32, #tpu.memory_space<vmem>>, %arg3: memref<2x400x16xf32, #tpu.memory_space<vmem>>, %arg4: memref<1x64xf32, #tpu.memory_space<vmem>>, %arg5: memref<400x64xf32, #tpu.memory_space<vmem>>) attributes {dimension_semantics = [#tpu.dimension_semantics<arbitrary>], iteration_bounds = array<i64: 25>, scalar_prefetch = 0 : i64, scratch_operands = 0 : i64, tpu.core_type = #tpu.core_type<tc>, window_params = [{transform_indices = @transform_0, window_bounds = array<i64: 2, 400, 64>}, {transform_indices = @transform_1, window_bounds = array<i64: 400, 64>}, {transform_indices = @transform_2, window_bounds = array<i64: 2, 400, 16>}, {pipeline_mode = #tpu.pipeline_mode<synchronous>, transform_indices = @transform_3, window_bounds = array<i64: 1, 64>}, {transform_indices = @transform_4, window_bounds = array<i64: 400, 64>}]} {
    %get3A = arith.constant 0 : index
    %get3A_0 = arith.constant 0 : index
    %get3A_1 = arith.constant 0 : index
    %get3A_2 = vector.load %arg3[%get3A, %get3A_0, %get3A_1] : memref<2x400x16xf32, #tpu.memory_space<vmem>>, vector<1x400x16xf32>
    %get3A_3 = vector.shape_cast %get3A_2 : vector<1x400x16xf32> to vector<400x16xf32>
    %get3A_4 = arith.constant 1 : index
    %get3A_5 = arith.constant 0 : index
    %get3A_6 = arith.constant 0 : index
    %get3A_7 = vector.load %arg3[%get3A_4, %get3A_5, %get3A_6] : memref<2x400x16xf32, #tpu.memory_space<vmem>>, vector<1x400x16xf32>
    %get3A_8 = vector.shape_cast %get3A_7 : vector<1x400x16xf32> to vector<400x16xf32>
    %add3A = arith.addf %get3A_3, %get3A_8 : vector<400x16xf32>
    %add3A_9 = arith.constant 1.000000e+00 : f32
    %add3A_10 = vector.broadcast %add3A_9 : f32 to vector<400x16xf32>
    %add3A_11 = arith.addf %add3A, %add3A_10 : vector<400x16xf32>
    %slice3A = vector.extract_strided_slice %add3A_11 {offsets = [0, 0], sizes = [400, 1], strides = [1, 1]} : vector<400x16xf32> to vector<400x1xf32>
    %rsqrt3A = math.rsqrt %slice3A : vector<400x1xf32>
    %get3A_12 = arith.constant 0 : index
    %get3A_13 = arith.constant 0 : index
    %get3A_14 = arith.constant 0 : index
    %get3A_15 = vector.load %arg1[%get3A_12, %get3A_13, %get3A_14] : memref<2x400x64xf32, #tpu.memory_space<vmem>>, vector<1x400x64xf32>
    %get3A_16 = vector.shape_cast %get3A_15 : vector<1x400x64xf32> to vector<400x64xf32>
    %get3A_17 = arith.constant 1 : index
    %get3A_18 = arith.constant 0 : index
    %get3A_19 = arith.constant 0 : index
    %get3A_20 = vector.load %arg1[%get3A_17, %get3A_18, %get3A_19] : memref<2x400x64xf32, #tpu.memory_space<vmem>>, vector<1x400x64xf32>
    %get3A_21 = vector.shape_cast %get3A_20 : vector<1x400x64xf32> to vector<400x64xf32>
    %add3A_22 = arith.addf %get3A_16, %get3A_21 : vector<400x64xf32>
    %get3A_23 = arith.constant 0 : index
    %get3A_24 = arith.constant 0 : index
    %get3A_25 = vector.load %arg2[%get3A_23, %get3A_24] : memref<400x64xf32, #tpu.memory_space<vmem>>, vector<400x64xf32>
    %add3A_26 = arith.addf %add3A_22, %get3A_25 : vector<400x64xf32>
    %mul3A = vector.broadcast %rsqrt3A : vector<400x1xf32> to vector<400x64xf32>
    %mul3A_27 = arith.mulf %mul3A, %add3A_26 : vector<400x64xf32>
    %get3A_28 = arith.constant 0 : index
    %get3A_29 = arith.constant 0 : index
    %get3A_30 = vector.load %arg4[%get3A_28, %get3A_29] : memref<1x64xf32, #tpu.memory_space<vmem>>, vector<1x64xf32>
    %add3A_31 = vector.broadcast %get3A_30 : vector<1x64xf32> to vector<400x64xf32>
    %add3A_32 = arith.addf %mul3A_27, %add3A_31 : vector<400x64xf32>
    %max3A = arith.constant 0.000000e+00 : f32
    %max3A_33 = vector.broadcast %max3A : f32 to vector<400x64xf32>
    %max3A_34 = arith.maximumf %add3A_32, %max3A_33 : vector<400x64xf32>
    %mul3A_35 = vector.broadcast %rsqrt3A : vector<400x1xf32> to vector<400x64xf32>
    %mul3A_36 = arith.mulf %mul3A_35, %max3A_34 : vector<400x64xf32>
    %swap3A = arith.constant 0 : index
    %swap3A_37 = arith.constant 0 : index
    %swap3A_38 = vector.load %arg5[%swap3A, %swap3A_37] : memref<400x64xf32, #tpu.memory_space<vmem>>, vector<400x64xf32>
    tpu.vector_store %arg5[%swap3A, %swap3A_37], %mul3A_36 {strides = array<i32>} : memref<400x64xf32, #tpu.memory_space<vmem>>, vector<400x64xf32>,
    return
  }
  func.func @transform_0(%arg0: i32) -> (i32, i32, i32) {
    %c0_i32 = arith.constant 0 : i32
    %c0_i32_0 = arith.constant 0 : i32
    %c0_i32_1 = arith.constant 0 : i32
    return %c0_i32, %arg0, %c0_i32_0 : i32, i32, i32
  }
  func.func @transform_1(%arg0: i32) -> (i32, i32) {
    %c0_i32 = arith.constant 0 : i32
    %c0_i32_0 = arith.constant 0 : i32
    return %arg0, %c0_i32 : i32, i32
  }
  func.func @transform_2(%arg0: i32) -> (i32, i32, i32) {
    %c0_i32 = arith.constant 0 : i32
    %c0_i32_0 = arith.constant 0 : i32
    %c0_i32_1 = arith.constant 0 : i32
    return %c0_i32, %arg0, %c0_i32_0 : i32, i32, i32
  }
  func.func @transform_3(%arg0: i32) -> (i32, i32) {
    %c0_i32 = arith.constant 0 : i32
    %c0_i32_0 = arith.constant 0 : i32
    %c0_i32_1 = arith.constant 0 : i32
    return %c0_i32, %c0_i32_0 : i32, i32
  }
  func.func @transform_4(%arg0: i32) -> (i32, i32) {
    %c0_i32 = arith.constant 0 : i32
    %c0_i32_0 = arith.constant 0 : i32
    return %arg0, %c0_i32 : i32, i32
  }
}

module attributes {stable_mosaic.version = 14 : i64} {
  func.func @body(%arg0: i32, %arg1: memref<2x400x64xf32, #tpu.memory_space<vmem>>, %arg2: memref<400x64xf32, #tpu.memory_space<vmem>>, %arg3: memref<2x400x16xf32, #tpu.memory_space<vmem>>, %arg4: memref<64x64xf32, #tpu.memory_space<vmem>>, %arg5: memref<1x64xf32, #tpu.memory_space<vmem>>, %arg6: memref<64x64xf32, #tpu.memory_space<vmem>>, %arg7: memref<1x64xf32, #tpu.memory_space<vmem>>, %arg8: memref<64x128xf32, #tpu.memory_space<vmem>>, %arg9: memref<1x128xf32, #tpu.memory_space<vmem>>, %arg10: memref<400x128xf32, #tpu.memory_space<vmem>>, %arg11: memref<400x64xf32, #tpu.memory_space<vmem>>, %arg12: memref<400x64xf32, #tpu.memory_space<vmem>>) attributes {dimension_semantics = [#tpu.dimension_semantics<arbitrary>], iteration_bounds = array<i64: 25>, scalar_prefetch = 0 : i64, scratch_operands = 0 : i64, tpu.core_type = #tpu.core_type<tc>, window_params = [{transform_indices = @transform_0, window_bounds = array<i64: 2, 400, 64>}, {transform_indices = @transform_1, window_bounds = array<i64: 400, 64>}, {transform_indices = @transform_2, window_bounds = array<i64: 2, 400, 16>}, {pipeline_mode = #tpu.pipeline_mode<synchronous>, transform_indices = @transform_3, window_bounds = array<i64: 64, 64>}, {pipeline_mode = #tpu.pipeline_mode<synchronous>, transform_indices = @transform_4, window_bounds = array<i64: 1, 64>}, {pipeline_mode = #tpu.pipeline_mode<synchronous>, transform_indices = @transform_5, window_bounds = array<i64: 64, 64>}, {pipeline_mode = #tpu.pipeline_mode<synchronous>, transform_indices = @transform_6, window_bounds = array<i64: 1, 64>}, {pipeline_mode = #tpu.pipeline_mode<synchronous>, transform_indices = @transform_7, window_bounds = array<i64: 64, 128>}, {pipeline_mode = #tpu.pipeline_mode<synchronous>, transform_indices = @transform_8, window_bounds = array<i64: 1, 128>}, {transform_indices = @transform_9, window_bounds = array<i64: 400, 128>}, {transform_indices = @transform_10, window_bounds = array<i64: 400, 64>}, {transform_indices = @transform_11, window_bounds = array<i64: 400, 64>}]} {
    %get3A = arith.constant 0 : index
    %get3A_0 = arith.constant 0 : index
    %get3A_1 = arith.constant 0 : index
    %get3A_2 = vector.load %arg3[%get3A, %get3A_0, %get3A_1] : memref<2x400x16xf32, #tpu.memory_space<vmem>>, vector<1x400x16xf32>
    %get3A_3 = vector.shape_cast %get3A_2 : vector<1x400x16xf32> to vector<400x16xf32>
    %get3A_4 = arith.constant 1 : index
    %get3A_5 = arith.constant 0 : index
    %get3A_6 = arith.constant 0 : index
    %get3A_7 = vector.load %arg3[%get3A_4, %get3A_5, %get3A_6] : memref<2x400x16xf32, #tpu.memory_space<vmem>>, vector<1x400x16xf32>
    %get3A_8 = vector.shape_cast %get3A_7 : vector<1x400x16xf32> to vector<400x16xf32>
    %add3A = arith.addf %get3A_3, %get3A_8 : vector<400x16xf32>
    %add3A_9 = arith.constant 1.000000e+00 : f32
    %add3A_10 = vector.broadcast %add3A_9 : f32 to vector<400x16xf32>
    %add3A_11 = arith.addf %add3A, %add3A_10 : vector<400x16xf32>
    %slice3A = vector.extract_strided_slice %add3A_11 {offsets = [0, 0], sizes = [400, 1], strides = [1, 1]} : vector<400x16xf32> to vector<400x1xf32>
    %rsqrt3A = math.rsqrt %slice3A : vector<400x1xf32>
    %get3A_12 = arith.constant 0 : index
    %get3A_13 = arith.constant 0 : index
    %get3A_14 = arith.constant 0 : index
    %get3A_15 = vector.load %arg1[%get3A_12, %get3A_13, %get3A_14] : memref<2x400x64xf32, #tpu.memory_space<vmem>>, vector<1x400x64xf32>
    %get3A_16 = vector.shape_cast %get3A_15 : vector<1x400x64xf32> to vector<400x64xf32>
    %get3A_17 = arith.constant 1 : index
    %get3A_18 = arith.constant 0 : index
    %get3A_19 = arith.constant 0 : index
    %get3A_20 = vector.load %arg1[%get3A_17, %get3A_18, %get3A_19] : memref<2x400x64xf32, #tpu.memory_space<vmem>>, vector<1x400x64xf32>
    %get3A_21 = vector.shape_cast %get3A_20 : vector<1x400x64xf32> to vector<400x64xf32>
    %add3A_22 = arith.addf %get3A_16, %get3A_21 : vector<400x64xf32>
    %get3A_23 = arith.constant 0 : index
    %get3A_24 = arith.constant 0 : index
    %get3A_25 = vector.load %arg2[%get3A_23, %get3A_24] : memref<400x64xf32, #tpu.memory_space<vmem>>, vector<400x64xf32>
    %add3A_26 = arith.addf %add3A_22, %get3A_25 : vector<400x64xf32>
    %mul3A = vector.broadcast %rsqrt3A : vector<400x1xf32> to vector<400x64xf32>
    %mul3A_27 = arith.mulf %mul3A, %add3A_26 : vector<400x64xf32>
    %get3A_28 = arith.constant 0 : index
    %get3A_29 = arith.constant 0 : index
    %get3A_30 = vector.load %arg4[%get3A_28, %get3A_29] : memref<64x64xf32, #tpu.memory_space<vmem>>, vector<64x64xf32>
    %dot_general3A = arith.constant dense<0.000000e+00> : vector<400x64xf32>
    %dot_general3A_31 = tpu.matmul %mul3A_27, %get3A_30, %dot_general3A {dimension_numbers = #tpu.dot_dimension_numbers<[1], [0], [0], [1], [0, 0, 1, 1], [], []>, precision = #tpu.contract_precision<fp32>, transpose_lhs_hint = false} : vector<400x64xf32>, vector<64x64xf32>, vector<400x64xf32> -> vector<400x64xf32>
    %get3A_32 = arith.constant 0 : index
    %get3A_33 = arith.constant 0 : index
    %get3A_34 = vector.load %arg5[%get3A_32, %get3A_33] : memref<1x64xf32, #tpu.memory_space<vmem>>, vector<1x64xf32>
    %add3A_35 = vector.broadcast %get3A_34 : vector<1x64xf32> to vector<400x64xf32>
    %add3A_36 = arith.addf %dot_general3A_31, %add3A_35 : vector<400x64xf32>
    %get3A_37 = arith.constant 0 : index
    %get3A_38 = arith.constant 0 : index
    %get3A_39 = vector.load %arg6[%get3A_37, %get3A_38] : memref<64x64xf32, #tpu.memory_space<vmem>>, vector<64x64xf32>
    %dot_general3A_40 = arith.constant dense<0.000000e+00> : vector<400x64xf32>
    %dot_general3A_41 = tpu.matmul %mul3A_27, %get3A_39, %dot_general3A_40 {dimension_numbers = #tpu.dot_dimension_numbers<[1], [0], [0], [1], [0, 0, 1, 1], [], []>, precision = #tpu.contract_precision<fp32>, transpose_lhs_hint = false} : vector<400x64xf32>, vector<64x64xf32>, vector<400x64xf32> -> vector<400x64xf32>
    %get3A_42 = arith.constant 0 : index
    %get3A_43 = arith.constant 0 : index
    %get3A_44 = vector.load %arg7[%get3A_42, %get3A_43] : memref<1x64xf32, #tpu.memory_space<vmem>>, vector<1x64xf32>
    %add3A_45 = vector.broadcast %get3A_44 : vector<1x64xf32> to vector<400x64xf32>
    %add3A_46 = arith.addf %dot_general3A_41, %add3A_45 : vector<400x64xf32>
    %get3A_47 = arith.constant 0 : index
    %get3A_48 = arith.constant 0 : index
    %get3A_49 = vector.load %arg8[%get3A_47, %get3A_48] : memref<64x128xf32, #tpu.memory_space<vmem>>, vector<64x128xf32>
    %dot_general3A_50 = arith.constant dense<0.000000e+00> : vector<400x128xf32>
    %dot_general3A_51 = tpu.matmul %add3A_36, %get3A_49, %dot_general3A_50 {dimension_numbers = #tpu.dot_dimension_numbers<[1], [0], [0], [1], [0, 0, 1, 1], [], []>, precision = #tpu.contract_precision<fp32>, transpose_lhs_hint = false} : vector<400x64xf32>, vector<64x128xf32>, vector<400x128xf32> -> vector<400x128xf32>
    %get3A_52 = arith.constant 0 : index
    %get3A_53 = arith.constant 0 : index
    %get3A_54 = vector.load %arg9[%get3A_52, %get3A_53] : memref<1x128xf32, #tpu.memory_space<vmem>>, vector<1x128xf32>
    %add3A_55 = vector.broadcast %get3A_54 : vector<1x128xf32> to vector<400x128xf32>
    %add3A_56 = arith.addf %dot_general3A_51, %add3A_55 : vector<400x128xf32>
    %neg3A = arith.constant 0.000000e+00 : f32
    %neg3A_57 = vector.broadcast %neg3A : f32 to vector<400x128xf32>
    %neg3A_58 = arith.subf %neg3A_57, %add3A_56 : vector<400x128xf32>
    %exp3A = math.exp %neg3A_58 : vector<400x128xf32>
    %add3A_59 = arith.constant 1.000000e+00 : f32
    %add3A_60 = vector.broadcast %add3A_59 : f32 to vector<400x128xf32>
    %add3A_61 = arith.addf %add3A_60, %exp3A : vector<400x128xf32>
    %div3A = arith.constant 1.000000e+00 : f32
    %div3A_62 = vector.broadcast %div3A : f32 to vector<400x128xf32>
    %div3A_63 = arith.divf %div3A_62, %add3A_61 : vector<400x128xf32>
    %swap3A = arith.constant 0 : index
    %swap3A_64 = arith.constant 0 : index
    %swap3A_65 = vector.load %arg10[%swap3A, %swap3A_64] : memref<400x128xf32, #tpu.memory_space<vmem>>, vector<400x128xf32>
    tpu.vector_store %arg10[%swap3A, %swap3A_64], %div3A_63 {strides = array<i32>} : memref<400x128xf32, #tpu.memory_space<vmem>>, vector<400x128xf32>,
    %swap3A_66 = arith.constant 0 : index
    %swap3A_67 = arith.constant 0 : index
    %swap3A_68 = vector.load %arg11[%swap3A_66, %swap3A_67] : memref<400x64xf32, #tpu.memory_space<vmem>>, vector<400x64xf32>
    tpu.vector_store %arg11[%swap3A_66, %swap3A_67], %add3A_36 {strides = array<i32>} : memref<400x64xf32, #tpu.memory_space<vmem>>, vector<400x64xf32>,
    %swap3A_69 = arith.constant 0 : index
    %swap3A_70 = arith.constant 0 : index
    %swap3A_71 = vector.load %arg12[%swap3A_69, %swap3A_70] : memref<400x64xf32, #tpu.memory_space<vmem>>, vector<400x64xf32>
    tpu.vector_store %arg12[%swap3A_69, %swap3A_70], %add3A_46 {strides = array<i32>} : memref<400x64xf32, #tpu.memory_space<vmem>>, vector<400x64xf32>,
    return
  }
  func.func @transform_0(%arg0: i32) -> (i32, i32, i32) {
    %c0_i32 = arith.constant 0 : i32
    %c0_i32_0 = arith.constant 0 : i32
    %c0_i32_1 = arith.constant 0 : i32
    return %c0_i32, %arg0, %c0_i32_0 : i32, i32, i32
  }
  func.func @transform_1(%arg0: i32) -> (i32, i32) {
    %c0_i32 = arith.constant 0 : i32
    %c0_i32_0 = arith.constant 0 : i32
    return %arg0, %c0_i32 : i32, i32
  }
  func.func @transform_2(%arg0: i32) -> (i32, i32, i32) {
    %c0_i32 = arith.constant 0 : i32
    %c0_i32_0 = arith.constant 0 : i32
    %c0_i32_1 = arith.constant 0 : i32
    return %c0_i32, %arg0, %c0_i32_0 : i32, i32, i32
  }
  func.func @transform_3(%arg0: i32) -> (i32, i32) {
    %c0_i32 = arith.constant 0 : i32
    %c0_i32_0 = arith.constant 0 : i32
    %c0_i32_1 = arith.constant 0 : i32
    return %c0_i32, %c0_i32_0 : i32, i32
  }
  func.func @transform_4(%arg0: i32) -> (i32, i32) {
    %c0_i32 = arith.constant 0 : i32
    %c0_i32_0 = arith.constant 0 : i32
    %c0_i32_1 = arith.constant 0 : i32
    return %c0_i32, %c0_i32_0 : i32, i32
  }
  func.func @transform_5(%arg0: i32) -> (i32, i32) {
    %c0_i32 = arith.constant 0 : i32
    %c0_i32_0 = arith.constant 0 : i32
    %c0_i32_1 = arith.constant 0 : i32
    return %c0_i32, %c0_i32_0 : i32, i32
  }
  func.func @transform_6(%arg0: i32) -> (i32, i32) {
    %c0_i32 = arith.constant 0 : i32
    %c0_i32_0 = arith.constant 0 : i32
    %c0_i32_1 = arith.constant 0 : i32
    return %c0_i32, %c0_i32_0 : i32, i32
  }
  func.func @transform_7(%arg0: i32) -> (i32, i32) {
    %c0_i32 = arith.constant 0 : i32
    %c0_i32_0 = arith.constant 0 : i32
    %c0_i32_1 = arith.constant 0 : i32
    return %c0_i32, %c0_i32_0 : i32, i32
  }
  func.func @transform_8(%arg0: i32) -> (i32, i32) {
    %c0_i32 = arith.constant 0 : i32
    %c0_i32_0 = arith.constant 0 : i32
    %c0_i32_1 = arith.constant 0 : i32
    return %c0_i32, %c0_i32_0 : i32, i32
  }
  func.func @transform_9(%arg0: i32) -> (i32, i32) {
    %c0_i32 = arith.constant 0 : i32
    %c0_i32_0 = arith.constant 0 : i32
    return %arg0, %c0_i32 : i32, i32
  }
  func.func @transform_10(%arg0: i32) -> (i32, i32) {
    %c0_i32 = arith.constant 0 : i32
    %c0_i32_0 = arith.constant 0 : i32
    return %arg0, %c0_i32 : i32, i32
  }
  func.func @transform_11(%arg0: i32) -> (i32, i32) {
    %c0_i32 = arith.constant 0 : i32
    %c0_i32_0 = arith.constant 0 : i32
    return %arg0, %c0_i32 : i32, i32
  }
}

</mosaic_0001>

<sc_bundles>
// kernel: kernel.11.cloned.1.call-start
scs
__scs_entry_jumppad:
0x0: {  	(pc) =	sbr.rel $0x88, $3  }
0x1: {  	(tag) =	ssettag $0x0;
	lr =	simm.s32 $0x1  }
0x2: {  	[smem:$0x3F97] =	sst lr;
	_ =	strace $0xD0000000  }
0x3: {  	_ = 	snop  }
0x4: {  	_ = 	snop  }
0x5: {  	_ = 	snop  }
0x6: {  	_ = 	snop  }
0x7: {  	_ = 	snop  }
__scs_overlays_trampoline_lowered:
0x8: {  	[smem:$0x3FA6] =	sst s0  }
0x9: {  	[smem:$0x3FA7] =	sst s1  }
0xa: {  	[smem:$0x3FA8] =	sst s2  }
0xb: {  	[smem:$0x3FA9] =	sst s3  }
0xc: {  	[smem:$0x3FAA] =	sst s4  }
0xd: {  	[smem:$0x3FAB] =	sst s5  }
0xe: {  	[smem:$0x3FAC] =	sst s6  }
0xf: {  	[smem:$0x3FAD] =	sst s7  }
0x10: {  	[smem:$0x3FAE] =	sst s8  }
0x11: {  	[smem:$0x3FAF] =	sst s9;
	s0 =	simm.s32 @!p0 $0x0  }
0x12: {  	s1 =	sld [smem:$0x3F95];
	s0 =	simm.s32 @p0 $0x1  }
0x13: {  	[smem:$0x3FB0] =	sst s0;
	s0 =	simm.s32 @!p1 $0x0  }
0x14: {  	s2 =	sld [smem:$0x3F94];
	s0 =	simm.s32 @p1 $0x1  }
0x15: {  	[smem:$0x3FB1] =	sst s0;
	s0 =	simm.s32 @!p2 $0x0  }
0x16: {  	s3 =	sld [smem:$0x3FDB];
	s0 =	simm.s32 @p2 $0x1  }
0x17: {  	s4 =	simm.s32 $0x1BF5;
	[smem:$0x3FB3] =	sst s0  }
0x18: {  	s0 =	sld [smem:$0x3F96];
	_ =	swait.ge [sflag:s4], $0x0  }
0x19: {  	s7 =	sld [smem:$0x3F97]  }
0x1a: {  	s8 =	sadd.s32 $0xFFFFE003, lr  }
0x1b: {  	s9 =	sadd.s32 $0xFFFFFEF7, lr;
	s5 =	simm.s32 $0xFFFFFFFF;
	p2 =	slt.u32 s8, $0xFFFFF086  }
0x1c: {  	p1 =	slt.u32 s9, $0xF7A;
	s5 =	simm.s32 @!p2 $0x0  }
0x1d: {  	s5 =	simm.s32 @p1 $0x1;
	p0 =	seq.s32 s7, s2  }
0x1e: {  	s7 =	smul.u32 @!p0 $0xF7A, s2;
	p2 =	seq.s32 @!p0 s5, $0x0  }
0x1f: {  	s9 =	smul.u32 $0xF7A, s1;
	s8 =	simm.s32 @!p0 $0x1BF5;
	p2 =	por !p2, p0  }
0x20: {  	[sflag:s8] =	ssyncset.s32 @!p0 $0xFFFFF086;
	s6 =	sadd.s32 @!p0 s3, s7;
	s7 =	simm.s32 @!p0 $0x108  }
0x21: {  	s3 =	sadd.s32 s3, s9;
	s6 =	sadd.s32 @!p0 $0x88, s6;
	s7 =	simm.s32 @p2 $0x1082  }
0x22: {  	[simem:s7], [sflag:s8] =	dma.local @!p0 [hbm:s6], $0xF7A  }
0x23: {  	s9 =	sor.u32 $0xD0000000, s2;
	s6 =	simm.s32 $0x108;
	_ =	swait.ge @!p0 [sflag:s8], $0x0  }
0x24: {  	s3 =	sadd.s32 $0x88, s3;
	s6 =	simm.s32 @!p1 $0x1082;
	[sflag:s4] =	ssyncset.s32 $0xFFFFF086  }
0x25: {  	[simem:s6], [sflag:s4] =	dma.local [hbm:s3], $0xF7A  }
0x26: {  	[smem:$0x3F97] =	sst s1;
	(tag) =	ssettag s2;
	_ =	strace s9  }
0x27: {  	s1 =	sld [smem:$0x3FA7]  }
0x28: {  	s2 =	sld [smem:$0x3FA8]  }
0x29: {  	s4 =	sld [smem:$0x3FAA]  }
0x2a: {  	p0 =	seq.s32 s5, $0x0;
	s5 =	sld [smem:$0x3FAB]  }
0x2b: {  	s6 =	sld [smem:$0x3FAC]  }
0x2c: {  	s7 =	sld [smem:$0x3FAD]  }
0x2d: {  	s3 =	simm.s32 $0x108;
	s8 =	sld [smem:$0x3FAE]  }
0x2e: {  	s3 =	simm.s32 @!p0 $0x1082;
	s9 =	sld [smem:$0x3FAF]  }
0x2f: {  	lr =	sadd.s32 s0, s3;
	s0 =	sld [smem:$0x3FA6]  }
0x30: {  	s3 =	sld [smem:$0x3FA9]  }
0x31: {  	[smem:$0x3FB2] =	sst s10  }
0x32: {  	s10 =	sld [smem:$0x3FB0];
	_ =	sdelay $0x3  }
0x33: {  	p0 =	seq.s32 s10, $0x1;
	s10 =	sld [smem:$0x3FB2];
	_ =	sdelay $0x3  }
0x34: {  	[smem:$0x3FB2] =	sst s10  }
0x35: {  	s10 =	sld [smem:$0x3FB1];
	_ =	sdelay $0x3  }
0x36: {  	p1 =	seq.s32 s10, $0x1;
	s10 =	sld [smem:$0x3FB2];
	_ =	sdelay $0x3  }
0x37: {  	[smem:$0x3FB2] =	sst s10  }
0x38: {  	s10 =	sld [smem:$0x3FB3]  }
0x39: {  	_ = 	snop;
	(pc) =	sbr.ind lr, $3  }
0x3a: {  	_ = 	snop  }
0x3b: {  	_ = 	snop  }
0x3c: {  	p2 =	seq.s32 s10, $0x1;
	s10 =	sld [smem:$0x3FB2]  }
0x3d: {  	_ =	shalt  }
0x3e: {  	_ =	shalt  }
0x3f: {  	_ =	shalt  }
0x40: {  	_ =	shalt  }
0x41: {  	_ =	shalt  }
0x42: {  	_ =	shalt  }
0x43: {  	_ =	shalt  }
0x44: {  	_ =	shalt  }
0x45: {  	_ =	shalt  }
0x46: {  	_ =	shalt  }
0x47: {  	_ =	shalt  }
0x48: {  	_ =	shalt  }
0x49: {  	_ =	shalt  }
0x4a: {  	_ =	shalt  }
0x4b: {  	_ =	shalt  }
0x4c: {  	_ =	shalt  }
0x4d: {  	_ =	shalt  }
0x4e: {  	_ =	shalt  }
0x4f: {  	_ =	shalt  }
0x50: {  	_ =	shalt  }
0x51: {  	_ =	shalt  }
0x52: {  	_ =	shalt  }
0x53: {  	_ =	shalt  }
0x54: {  	_ =	shalt  }
0x55: {  	_ =	shalt  }
0x56: {  	_ =	shalt  }
0x57: {  	_ =	shalt  }
0x58: {  	_ =	shalt  }
0x59: {  	_ =	shalt  }
0x5a: {  	_ =	shalt  }
0x5b: {  	_ =	shalt  }
0x5c: {  	_ =	shalt  }
0x5d: {  	_ =	shalt  }
0x5e: {  	_ =	shalt  }
0x5f: {  	_ =	shalt  }
0x60: {  	_ =	shalt  }
0x61: {  	_ =	shalt  }
0x62: {  	_ =	shalt  }
0x63: {  	_ =	shalt  }
0x64: {  	_ =	shalt  }
0x65: {  	_ =	shalt  }
0x66: {  	_ =	shalt  }
0x67: {  	_ =	shalt  }
0x68: {  	_ =	shalt  }
0x69: {  	_ =	shalt  }
0x6a: {  	_ =	shalt  }
0x6b: {  	_ =	shalt  }
0x6c: {  	_ =	shalt  }
0x6d: {  	_ =	shalt  }
0x6e: {  	_ =	shalt  }
0x6f: {  	_ =	shalt  }
0x70: {  	_ =	shalt  }
0x71: {  	_ =	shalt  }
0x72: {  	_ =	shalt  }
0x73: {  	_ =	shalt  }
0x74: {  	_ =	shalt  }
0x75: {  	_ =	shalt  }
0x76: {  	_ =	shalt  }
0x77: {  	_ =	shalt  }
0x78: {  	_ =	shalt  }
0x79: {  	_ =	shalt  }
0x7a: {  	_ =	shalt  }
0x7b: {  	_ =	shalt  }
0x7c: {  	_ =	shalt  }
0x7d: {  	_ =	shalt  }
0x7e: {  	_ =	shalt  }
0x7f: {  	_ =	shalt  }
0x80: {  	_ =	shalt  }
0x81: {  	_ =	shalt  }
0x82: {  	_ =	shalt  }
0x83: {  	_ =	shalt  }
0x84: {  	_ =	shalt  }
0x85: {  	_ =	shalt  }
0x86: {  	_ =	shalt  }
0x87: {  	_ =	shalt  }
.Lfunc_end0:
.L_simem_size_0:
called_computation.1_lowered:
.L_overlay_start_0:
0x88: {  	s2 =	sld [smem:$0x3FD9]  }
0x89: {  	s3 =	sld [smem:$0x3FFE];
	_ =	sdelay $0x1  }
0x8a: {  	s1 =	srdreg.scid  }
0x8b: {  	s0 =	sand.u32 $0x1, s1  }
0x8c: {  	s14 =	sshll.u32 s0, $0xA;
	s2 =	sadd.s32 s3, s2  }
0x8d: {  	s2 =	sadd.s32 s2, s14  }
0x8e: {  	[smem:$0x3FBE] =	sst s2  }
0x8f: {  	_ = 	snop  }
0x90: {  	s2 =	sld [smem:$0x3FD0];
	_ =	sdelay $0x2  }
0x91: {  	s15 =	simm.s32 $0xA;
	s4 =	simm.s32 $0x10  }
0x92: {  	[smem:s4], [sflag:s15] =	dma.local [hbm:s2], $0x1  }
0x93: {  	_ =	swait.eq [sflag:s15], $0x1  }
0x94: {  	[sflag:s15] =	ssyncset.done $0x0  }
0x95: {  	s16 =	sld [smem:$0x11];
	[sflag:s15] =	ssyncadd.s32 $0xFFFFFFFF  }
0x96: {  	s17 =	sld [smem:$0x12];
	(tm) =	ssettm $0x1  }
0x97: {  	s18 =	sld [smem:$0x3FFB];
	_ =	sdelay $0x3  }
0x98: {  	_ =	strace s18  }
0x99: {  	s4 =	sld [smem:$0x3FFC];
	_ =	sdelay $0x3  }
0x9a: {  	_ =	strace s4  }
0x9b: {  	s4 =	sld [smem:$0x3FFD];
	_ =	sdelay $0x3  }
0x9c: {  	_ =	strace s4  }
0x9d: {  	_ =	strace $0x8FFFFFFF  }
0x9e: {  	s19 =	sld [smem:$0x3FDB];
	_ =	sdelay $0x1  }
0x9f: {  	s5 =	simm.s32 $_scs_section_size  }
0xa0: {  	s6 =	simm.s32 $_size__tile_overlayer_lowered;
	s7 =	simm.s32 $_tile_overlayer_lowered  }
0xa1: {  	s22 =	simm.s32 $0x1BFF;
	s21 =	sshll.u32 s7, $0x1;
	s4 =	sadd.s32 s5, s19  }
0xa2: {  	s8 =	simm.s32 $0x0;
	s20 =	sshll.u32 s6, $0x1;
	s6 =	sadd.s32 s21, s4  }
0xa3: {  	[timem:s8], [sflag:s22] =	dma.local [hbm:s6], s20  }
0xa4: {  	_ =	swait.ge [sflag:s22], s20  }
0xa5: {  	s5 =	ssub.s32 $0x0, s20;
	[sflag:s22] =	ssyncset.done $0x0  }
0xa6: {  	[sflag:s22] =	ssyncadd.s32 s5;
	_ =	sdelay $0x1  }
0xa7: {  	s23 =	simm.s32 $0x1B8B  }
0xa8: {  	_ =	swait.ge [sflag:s23], $0x1  }
0xa9: {  	[sflag:s23] =	ssyncset.done $0x0  }
0xaa: {  	s25 =	simm.s32 $0x1B8E;
	s24 =	sld [smem:$0x3FFE];
	[sflag:s23] =	ssyncadd.s32 $0xFFFFFFFF  }
0xab: {  	s26 =	simm.s32 $execute0_lowered;
	[smem:$0x3FD2] =	sst s25  }
0xac: {  	s6 =	sshll.u32 s26, $0x1;
	_ =	strace $0x80000049;
	[dreg:$0x1] =	wrdreg $0xFFFFFFFF  }
0xad: {  	s28 =	simm.s32 $_size_execute0_lowered;
	s4 =	sadd.s32 s4, s6;
	[dreg:$0x0] =	wrdreg $0x0  }
0xae: {  	s6 =	sshll.u32 s28, $0x1;
	[dreg:$0x2] =	wrdreg s4  }
0xaf: {  	[dreg:$0x3] =	wrdreg s6  }
0xb0: {  	[dreg:$0x4] =	wrdreg $0xC0  }
0xb1: {  	_ =	task [dreg:s8], $0x5FFFF  }
0xb2: {  	[dreg:$0x1] =	wrdreg $0xFFFFFFFF  }
0xb3: {  	[dreg:$0x0] =	wrdreg $0x60  }
0xb4: {  	[dreg:$0x2] =	wrdreg s24  }
0xb5: {  	[dreg:$0x3] =	wrdreg s16  }
0xb6: {  	[dreg:$0x4] =	wrdreg s17  }
0xb7: {  	[dreg:$0x5] =	wrdreg $0xD2000  }
0xb8: {  	[dreg:$0x6] =	wrdreg $0x9  }
0xb9: {  	_ =	task.clear_ibuf [dreg:s8], $0x7FFFF;
	_ =	strace $0x90000049  }
0xba: {  	s29 =	simm.s32 $0x9;
	_ =	strace $0x8000004B  }
0xbb: {  	_ =	swait.ge [sflag:s29], $0x1  }
0xbc: {  	[sflag:s29] =	ssyncadd.s32 $0xFFFFFFFF  }
0xbd: {  	_ =	strace $0x9000004B  }
0xbe: {  	_ =	sfence  }
0xbf: {  	s30 =	sld [smem:$0x0];
	_ =	sdelay $0x2  }
0xc0: {  	s31 =	sshll.u32 s1, $0xD;
	s1 =	sshrl.u32 s1, $0x2  }
0xc1: {  	s3 =	sand.u32 $0x4000, s31;
	s1 =	sadd.s32 s1, s30  }
0xc2: {  	s0 =	sor.u32 s3, s0;
	s1 =	sshll.u32 s1, $0x11  }
0xc3: {  	s0 =	sor.u32 s1, s0  }
0xc4: {  	s0 =	sadd.s32 $0x8F2B, s0  }
0xc5: {  	[sflag:s0] =	ssyncadd.remote.s32 $0x1  }
0xc6: {  	_ =	sfence.sel $0xFFFF  }
0xc7: {  	[dreg:$0x0] =	wrdreg $0xFFFFFFFF;
	(pc) =	sbr.abs _section_cstart, $3  }
0xc8: {  	[dreg:$0x1] =	wrdreg $0xFFFFFFFF  }
0xc9: {  	_ =	task.clear_ibuf [dreg:s8], $0x2FFFF;
	_ =	strace $0x9FFFFFFF  }
0xca: {  	(tm) =	ssettm $0x7FFFFFFF  }
0xcb: {  	_ =	shalt  }
tec
execute0_lowered:
.L_overlay_start_1:
0x0: {  	(tag) =	ssettag $0x1  }
0x1: {  	s2 =	rddreg [dreg:$0x0];
	s3 =	srdreg.scid  }
0x2: {  	s0 =	stileid.u32;
	s1 =	rddreg [dreg:$0x1]  }
0x3: {  	s6 =	rddreg [dreg:$0x2];
	s4 =	simm.s32 $0x0;
	s13 =	simm.s32 $0x2A00  }
0x4: {  	s14 =	simm.s32 $0x80;
	s15 =	simm.s32 $0x5200;
	s16 =	simm.s32 $0x7200  }
0x5: {  	s17 =	simm.s32 $0x100;
	s18 =	simm.s32 $0x9200;
	s19 =	simm.s32 $0x180  }
0x6: {  	s20 =	simm.s32 $0xB200;
	s21 =	simm.s32 $0x1;
	s28 =	simm.s32 $0x7  }
0x7: {  	s29 =	simm.s32 $0x8;
	s30 =	simm.s32 $0x0;
	s5 =	sand.u32 $0x1, s3  }
0x8: {  	s22 =	sshll.u32 s0, $0x1;
	s3 =	rddreg [dreg:$0x3];
	s9 =	smul.u32 $0x13C0, s0  }
0x9: {  	[smem:$0x7FF] =	sst s4;
	s11 =	smul.u32 $0x9E00, s0;
	s31 =	sshll.u32 s0, $0x6  }
0xa: {  	s7 =	sor.u32 s5, s22;
	_ =	strace $0x8000004A;
	s10 =	smul.u32 $0x13C00, s5  }
0xb: {  	s5 =	ssub.s32 $0x2, s5;
	s22 =	simm.s32 $0x2;
	s8 =	smul.u32 $0x540, s7  }
0xc: {  	s7 =	smul.u32 $0x500, s7;
	s24 =	sshrl.u32 s5, $0x1;
	s26 =	sshrl.u32 s11, $0x3  }
0xd: {  	s11 =	sadd.s32 s11, s3;
	s23 =	sadd.s32 s9, s10;
	s25 =	ssub.s32 s5, s24  }
0xe: {  	s5 =	sadd.s32 s6, s26;
	s6 =	sor.u32 $0x1C09, s31;
	s11 =	sshrl.u32 s11, $0x3  }
0xf: {  	s24 =	simm.s32 $0x4;
	s26 =	simm.s32 $0x6;
	s8 =	sadd.s32 s8, s2  }
0x10: {  	s12 =	sadd.s32 s7, s2;
	s2 =	sadd.s32 s23, s2;
	s10 =	smax.u32 s25, $0x1  }
0x11: {  	s23 =	simm.s32 $0x3;
	s25 =	simm.s32 $0x5;
	s7 =	sadd.s32 $0xCA00, s8  }
0x12: {  	s8 =	sadd.s32 $0x2A00, s12;
	s9 =	sadd.s32 $0x65400, s2;
	s12 =	simm.s32 $0x9  }
.LBB2_1:
0x13: {  	[spmem:s11], [sflag:s6] =	dma.local [hbm:s5], $0x13C0  }
0x14: {  	_ =	swait.ge [sflag:s12], $0x13C0  }
0x15: {  	[sflag:s12] =	ssyncset.done $0x0  }
0x16: {  	[sflag:s12] =	ssyncadd.s32 $0xFFFFEC40  }
0x17: {  	[tilespmem:s4], [sflag:$0x9] =	stream.linear.gather [hbm4b:s7+s4], $0x2A00, $0x38;
	[tilespmem:$0x17000] =	vst v63  }
0x18: {  	_ =	swait.ge [sflag:s12], $0x2A00  }
0x19: {  	[sflag:s12] =	ssyncset.done $0x0  }
0x1a: {  	[sflag:s12] =	ssyncadd.s32 $0xFFFFD600  }
0x1b: {  	[tilespmem:s13], [sflag:$0x9] =	stream.linear.gather [hbm4b:s8+s4], $0x2800, $0x38;
	[tilespmem:$0x17000] =	vst v63  }
0x1c: {  	_ =	swait.ge [sflag:s12], $0x2800  }
0x1d: {  	[sflag:s12] =	ssyncset.done $0x0  }
0x1e: {  	[sflag:s12] =	ssyncadd.s32 $0xFFFFD800  }
0x1f: {  	[bflag:$0x0] =	sbarrier.arrive $0xFFFF  }
0x20: {  	[tilespmem:s15], [sflag:$0x1] =	stream.indirect.gather [hbm4b:s1+s14], $0x40, s4, s14, $0xb8;
	[tilespmem:$0x17000] =	vst v63  }
0x21: {  	_ = 	snop  }
0x22: {  	[tilespmem:s16], [sflag:$0x2] =	stream.indirect.gather [hbm4b:s1+s14], $0x40, s14, s14, $0xb8;
	[tilespmem:$0x17000] =	vst v63  }
0x23: {  	_ = 	snop  }
0x24: {  	[tilespmem:s18], [sflag:$0x3] =	stream.indirect.gather [hbm4b:s1+s14], $0x40, s17, s14, $0xb8;
	[tilespmem:$0x17000] =	vst v63  }
0x25: {  	_ = 	snop  }
0x26: {  	[tilespmem:s20], [sflag:$0x4] =	stream.indirect.gather [hbm4b:s1+s14], $0x40, s19, s14, $0xb8;
	[tilespmem:$0x17000] =	vst v63  }
0x27: {  	_ =	swait.ge [sflag:s21], $0x2000  }
0x28: {  	[sflag:s21] =	ssyncset.done $0x0  }
0x29: {  	s2 =	simm.s32 $0x2A00;
	[sflag:s21] =	ssyncadd.s32 $0xFFFFE000  }
0x2a: {  	[spmem:s3] =	stream.indirect.scatter.add.f32 [tilespmem:s15], [sflag:$0x5], $0x40, s2, s14, $0xb8;
	[tilespmem:$0x17000] =	vst v63  }
0x2b: {  	_ =	swait.ge [sflag:s22], $0x2000  }
0x2c: {  	[sflag:s22] =	ssyncset.done $0x0  }
0x2d: {  	s0 =	simm.s32 $0x2A80;
	[sflag:s22] =	ssyncadd.s32 $0xFFFFE000  }
0x2e: {  	[spmem:s3] =	stream.indirect.scatter.add.f32 [tilespmem:s16], [sflag:$0x6], $0x40, s0, s14, $0xb8;
	[tilespmem:$0x17000] =	vst v63  }
0x2f: {  	_ =	swait.ge [sflag:s23], $0x2000  }
0x30: {  	[sflag:s23] =	ssyncset.done $0x0  }
0x31: {  	s0 =	simm.s32 $0x2B00;
	[sflag:s23] =	ssyncadd.s32 $0xFFFFE000  }
0x32: {  	[spmem:s3] =	stream.indirect.scatter.add.f32 [tilespmem:s18], [sflag:$0x7], $0x40, s0, s14, $0xb8;
	[tilespmem:$0x17000] =	vst v63  }
0x33: {  	_ =	swait.ge [sflag:s24], $0x2000  }
0x34: {  	[sflag:s24] =	ssyncset.done $0x0  }
0x35: {  	s0 =	simm.s32 $0x2B80;
	[sflag:s24] =	ssyncadd.s32 $0xFFFFE000  }
0x36: {  	[spmem:s3] =	stream.indirect.scatter.add.f32 [tilespmem:s20], [sflag:$0x8], $0x40, s0, s14, $0xb8;
	[tilespmem:$0x17000] =	vst v63  }
0x37: {  	_ =	swait.ge [sflag:s25], $0x2000  }
0x38: {  	[sflag:s25] =	ssyncset.done $0x0  }
0x39: {  	s0 =	simm.s32 $0x200;
	[sflag:s25] =	ssyncadd.s32 $0xFFFFE000  }
0x3a: {  	[tilespmem:s15], [sflag:$0x1] =	stream.indirect.gather [hbm4b:s1+s14], $0x40, s0, s14, $0xb8;
	[tilespmem:$0x17000] =	vst v63  }
0x3b: {  	_ =	swait.ge [sflag:s26], $0x2000  }
0x3c: {  	[sflag:s26] =	ssyncset.done $0x0  }
0x3d: {  	s0 =	simm.s32 $0x280;
	[sflag:s26] =	ssyncadd.s32 $0xFFFFE000  }
0x3e: {  	[tilespmem:s16], [sflag:$0x2] =	stream.indirect.gather [hbm4b:s1+s14], $0x40, s0, s14, $0xb8;
	[tilespmem:$0x17000] =	vst v63  }
0x3f: {  	_ =	swait.ge [sflag:s28], $0x2000  }
0x40: {  	[sflag:s28] =	ssyncset.done $0x0  }
0x41: {  	s0 =	simm.s32 $0x300;
	[sflag:s28] =	ssyncadd.s32 $0xFFFFE000  }
0x42: {  	[tilespmem:s18], [sflag:$0x3] =	stream.indirect.gather [hbm4b:s1+s14], $0x40, s0, s14, $0xb8;
	[tilespmem:$0x17000] =	vst v63  }
0x43: {  	_ =	swait.ge [sflag:s29], $0x2000  }
0x44: {  	[sflag:s29] =	ssyncset.done $0x0  }
0x45: {  	s31 =	simm.s32 $0x800;
	s2 =	simm.s32 $0x380;
	[sflag:s29] =	ssyncadd.s32 $0xFFFFE000  }
.LBB2_2:
0x46: {  	[tilespmem:s20], [sflag:$0x4] =	stream.indirect.gather [hbm4b:s1+s14], $0x40, s2, s14, $0xb8;
	[tilespmem:$0x17000] =	vst v63  }
0x47: {  	s2 =	smov.u32 s31  }
0x48: {  	p0 =	sne.s32 s31, $0x9800;
	s31 =	sadd.s32 $0x800, s31;
	_ =	swait.ge [sflag:s21], $0x2000  }
0x49: {  	s2 =	sshra.s32 s2, $0x2;
	[sflag:s21] =	ssyncset.done $0x0  }
0x4a: {  	s0 =	sadd.s32 $0x2A00, s2;
	[sflag:s21] =	ssyncadd.s32 $0xFFFFE000  }
0x4b: {  	[spmem:s3] =	stream.indirect.scatter.add.f32 [tilespmem:s15], [sflag:$0x5], $0x40, s0, s14, $0xb8;
	[tilespmem:$0x17000] =	vst v63  }
0x4c: {  	_ =	swait.ge [sflag:s22], $0x2000  }
0x4d: {  	[sflag:s22] =	ssyncset.done $0x0  }
0x4e: {  	s0 =	sadd.s32 $0x2A80, s2;
	[sflag:s22] =	ssyncadd.s32 $0xFFFFE000  }
0x4f: {  	[spmem:s3] =	stream.indirect.scatter.add.f32 [tilespmem:s16], [sflag:$0x6], $0x40, s0, s14, $0xb8;
	[tilespmem:$0x17000] =	vst v63  }
0x50: {  	_ =	swait.ge [sflag:s23], $0x2000  }
0x51: {  	[sflag:s23] =	ssyncset.done $0x0  }
0x52: {  	s0 =	sadd.s32 $0x2B00, s2;
	[sflag:s23] =	ssyncadd.s32 $0xFFFFE000  }
0x53: {  	[spmem:s3] =	stream.indirect.scatter.add.f32 [tilespmem:s18], [sflag:$0x7], $0x40, s0, s14, $0xb8;
	[tilespmem:$0x17000] =	vst v63  }
0x54: {  	_ =	swait.ge [sflag:s24], $0x2000  }
0x55: {  	[sflag:s24] =	ssyncset.done $0x0  }
0x56: {  	s0 =	sadd.s32 $0x2B80, s2;
	[sflag:s24] =	ssyncadd.s32 $0xFFFFE000  }
0x57: {  	[spmem:s3] =	stream.indirect.scatter.add.f32 [tilespmem:s20], [sflag:$0x8], $0x40, s0, s14, $0xb8;
	[tilespmem:$0x17000] =	vst v63  }
0x58: {  	_ =	swait.ge [sflag:s25], $0x2000  }
0x59: {  	[sflag:s25] =	ssyncset.done $0x0  }
0x5a: {  	s0 =	sadd.s32 $0x200, s2;
	[sflag:s25] =	ssyncadd.s32 $0xFFFFE000  }
0x5b: {  	[tilespmem:s15], [sflag:$0x1] =	stream.indirect.gather [hbm4b:s1+s14], $0x40, s0, s14, $0xb8;
	[tilespmem:$0x17000] =	vst v63  }
0x5c: {  	_ =	swait.ge [sflag:s26], $0x2000  }
0x5d: {  	[sflag:s26] =	ssyncset.done $0x0  }
0x5e: {  	s0 =	sadd.s32 $0x280, s2;
	[sflag:s26] =	ssyncadd.s32 $0xFFFFE000  }
0x5f: {  	[tilespmem:s16], [sflag:$0x2] =	stream.indirect.gather [hbm4b:s1+s14], $0x40, s0, s14, $0xb8;
	[tilespmem:$0x17000] =	vst v63  }
0x60: {  	_ =	swait.ge [sflag:s28], $0x2000  }
0x61: {  	[sflag:s28] =	ssyncset.done $0x0  }
.Ltmp0:
0x62: {  	s0 =	sadd.s32 $0x300, s2;
	[sflag:s28] =	ssyncadd.s32 $0xFFFFE000;
	(pc) =	sbr.rel @p0 .LBB2_2-.Ltmp0, $4  }
0x63: {  	[tilespmem:s18], [sflag:$0x3] =	stream.indirect.gather [hbm4b:s1+s14], $0x40, s0, s14, $0xb8;
	[tilespmem:$0x17000] =	vst v63  }
0x64: {  	_ =	swait.ge [sflag:s29], $0x2000  }
0x65: {  	[sflag:s29] =	ssyncset.done $0x0  }
0x66: {  	s2 =	sadd.s32 $0x380, s2;
	[sflag:s29] =	ssyncadd.s32 $0xFFFFE000  }
0x67: {  	[tilespmem:s20], [sflag:$0x4] =	stream.indirect.gather [hbm4b:s1+s14], $0x40, s2, s14, $0xb8;
	[tilespmem:$0x17000] =	vst v63  }
0x68: {  	_ =	swait.ge [sflag:s21], $0x2000  }
0x69: {  	[sflag:s21] =	ssyncset.done $0x0  }
0x6a: {  	[sflag:s21] =	ssyncadd.s32 $0xFFFFE000  }
0x6b: {  	_ =	swait.ge [sflag:s22], $0x2000  }
0x6c: {  	[sflag:s22] =	ssyncset.done $0x0  }
0x6d: {  	[sflag:s22] =	ssyncadd.s32 $0xFFFFE000  }
0x6e: {  	_ =	swait.ge [sflag:s23], $0x2000  }
0x6f: {  	[sflag:s23] =	ssyncset.done $0x0  }
0x70: {  	[sflag:s23] =	ssyncadd.s32 $0xFFFFE000  }
0x71: {  	_ =	swait.ge [sflag:s24], $0x2000  }
0x72: {  	s30 =	sadd.s32 $0x1, s30;
	[sflag:s24] =	ssyncset.done $0x0  }
0x73: {  	p0 =	sne.s32 s30, s10;
	[sflag:s24] =	ssyncadd.s32 $0xFFFFE000  }
.Ltmp1:
0x74: {  	[bflag:$0x0] =	sbarrier.arrive $0xFFFF;
	(pc) =	sbr.rel @p0 .LBB2_1-.Ltmp1, $4  }
0x75: {  	[hbm:s9], [sflag:s6] =	dma.local [spmem:s11], $0x13C0  }
0x76: {  	_ =	swait.ge [sflag:s12], $0x13C0  }
0x77: {  	[sflag:s12] =	ssyncset.done $0x0  }
0x78: {  	[sflag:s12] =	ssyncadd.s32 $0xFFFFEC40  }
0x79: {  	_ =	sfence.sel $0x180000  }
0x7a: {  	[bflag:$0x0] =	sbarrier.arrive $0xFFFF  }
0x7b: {  	_ =	strace $0x9000004A  }
0x7c: {  	s0 =	stileid.u32;
	[bflag:$0x2] =	sbarrier.arrive $0xFFFF  }
0x7d: {  	p0 =	sne.s32 s0, $0x0;
	s0 =	rddreg [dreg:$0x4]  }
0x7e: {  	s0 =	sadd.s32 @!p0 $0x100000, s0  }
0x7f: {  	[sflag:s0] =	ssyncadd.tile.s32 @!p0 $0x1;
	_ =	shalt  }
.Lfunc_end2:
_tile_overlayer_lowered:
.L_overlay_start_2:
0x80: {  	(tag) =	ssettag $0x2  }
0x81: {  	s0 =	rddreg [dreg:$0x0];
	s2 =	stileid.u32  }
0x82: {  	s1 =	rddreg [dreg:$0x1];
	p0 =	sne.s32 s2, $0x0  }
0x83: {  	s3 =	rddreg [dreg:$0x2];
	[bflag:$0x3] =	sbarrier.arrive $0xFFFF;
	s2 =	simm.s32 @!p0 $0x1C09  }
0x84: {  	[timem:s3], [sflag:s2] =	dma.local @!p0 [hbm:s0], s1  }
0x85: {  	s0 =	simm.s32 @!p0 $0x9  }
0x86: {  	_ =	swait.ge @!p0 [sflag:s0], s1  }
0x87: {  	s1 =	ssub.s32 @!p0 $0x0, s1;
	[sflag:s0] =	ssyncset.done @!p0 $0x0  }
0x88: {  	[sflag:s0] =	ssyncadd.s32 @!p0 s1  }
0x89: {  	[bflag:$0x3] =	sbarrier.arrive $0xFFFF  }
0x8a: {  	_ =	shalt  }

// kernel: kernel.14.cloned.1.call-start
scs
__scs_entry_jumppad:
0x0: {  	(pc) =	sbr.rel $0x88, $3  }
0x1: {  	(tag) =	ssettag $0x0;
	lr =	simm.s32 $0x1  }
0x2: {  	[smem:$0x3F97] =	sst lr;
	_ =	strace $0xD0000000  }
0x3: {  	_ = 	snop  }
0x4: {  	_ = 	snop  }
0x5: {  	_ = 	snop  }
0x6: {  	_ = 	snop  }
0x7: {  	_ = 	snop  }
__scs_overlays_trampoline_lowered:
0x8: {  	[smem:$0x3FA6] =	sst s0  }
0x9: {  	[smem:$0x3FA7] =	sst s1  }
0xa: {  	[smem:$0x3FA8] =	sst s2  }
0xb: {  	[smem:$0x3FA9] =	sst s3  }
0xc: {  	[smem:$0x3FAA] =	sst s4  }
0xd: {  	[smem:$0x3FAB] =	sst s5  }
0xe: {  	[smem:$0x3FAC] =	sst s6  }
0xf: {  	[smem:$0x3FAD] =	sst s7  }
0x10: {  	[smem:$0x3FAE] =	sst s8  }
0x11: {  	[smem:$0x3FAF] =	sst s9;
	s0 =	simm.s32 @!p0 $0x0  }
0x12: {  	s1 =	sld [smem:$0x3F95];
	s0 =	simm.s32 @p0 $0x1  }
0x13: {  	[smem:$0x3FB0] =	sst s0;
	s0 =	simm.s32 @!p1 $0x0  }
0x14: {  	s2 =	sld [smem:$0x3F94];
	s0 =	simm.s32 @p1 $0x1  }
0x15: {  	[smem:$0x3FB1] =	sst s0;
	s0 =	simm.s32 @!p2 $0x0  }
0x16: {  	s3 =	sld [smem:$0x3FDB];
	s0 =	simm.s32 @p2 $0x1  }
0x17: {  	s4 =	simm.s32 $0x1BF5;
	[smem:$0x3FB3] =	sst s0  }
0x18: {  	s0 =	sld [smem:$0x3F96];
	_ =	swait.ge [sflag:s4], $0x0  }
0x19: {  	s7 =	sld [smem:$0x3F97]  }
0x1a: {  	s8 =	sadd.s32 $0xFFFFE003, lr  }
0x1b: {  	s9 =	sadd.s32 $0xFFFFFEF7, lr;
	s5 =	simm.s32 $0xFFFFFFFF;
	p2 =	slt.u32 s8, $0xFFFFF086  }
0x1c: {  	p1 =	slt.u32 s9, $0xF7A;
	s5 =	simm.s32 @!p2 $0x0  }
0x1d: {  	s5 =	simm.s32 @p1 $0x1;
	p0 =	seq.s32 s7, s2  }
0x1e: {  	s7 =	smul.u32 @!p0 $0xF7A, s2;
	p2 =	seq.s32 @!p0 s5, $0x0  }
0x1f: {  	s9 =	smul.u32 $0xF7A, s1;
	s8 =	simm.s32 @!p0 $0x1BF5;
	p2 =	por !p2, p0  }
0x20: {  	[sflag:s8] =	ssyncset.s32 @!p0 $0xFFFFF086;
	s6 =	sadd.s32 @!p0 s3, s7;
	s7 =	simm.s32 @!p0 $0x108  }
0x21: {  	s3 =	sadd.s32 s3, s9;
	s6 =	sadd.s32 @!p0 $0x88, s6;
	s7 =	simm.s32 @p2 $0x1082  }
0x22: {  	[simem:s7], [sflag:s8] =	dma.local @!p0 [hbm:s6], $0xF7A  }
0x23: {  	s9 =	sor.u32 $0xD0000000, s2;
	s6 =	simm.s32 $0x108;
	_ =	swait.ge @!p0 [sflag:s8], $0x0  }
0x24: {  	s3 =	sadd.s32 $0x88, s3;
	s6 =	simm.s32 @!p1 $0x1082;
	[sflag:s4] =	ssyncset.s32 $0xFFFFF086  }
0x25: {  	[simem:s6], [sflag:s4] =	dma.local [hbm:s3], $0xF7A  }
0x26: {  	[smem:$0x3F97] =	sst s1;
	(tag) =	ssettag s2;
	_ =	strace s9  }
0x27: {  	s1 =	sld [smem:$0x3FA7]  }
0x28: {  	s2 =	sld [smem:$0x3FA8]  }
0x29: {  	s4 =	sld [smem:$0x3FAA]  }
0x2a: {  	p0 =	seq.s32 s5, $0x0;
	s5 =	sld [smem:$0x3FAB]  }
0x2b: {  	s6 =	sld [smem:$0x3FAC]  }
0x2c: {  	s7 =	sld [smem:$0x3FAD]  }
0x2d: {  	s3 =	simm.s32 $0x108;
	s8 =	sld [smem:$0x3FAE]  }
0x2e: {  	s3 =	simm.s32 @!p0 $0x1082;
	s9 =	sld [smem:$0x3FAF]  }
0x2f: {  	lr =	sadd.s32 s0, s3;
	s0 =	sld [smem:$0x3FA6]  }
0x30: {  	s3 =	sld [smem:$0x3FA9]  }
0x31: {  	[smem:$0x3FB2] =	sst s10  }
0x32: {  	s10 =	sld [smem:$0x3FB0];
	_ =	sdelay $0x3  }
0x33: {  	p0 =	seq.s32 s10, $0x1;
	s10 =	sld [smem:$0x3FB2];
	_ =	sdelay $0x3  }
0x34: {  	[smem:$0x3FB2] =	sst s10  }
0x35: {  	s10 =	sld [smem:$0x3FB1];
	_ =	sdelay $0x3  }
0x36: {  	p1 =	seq.s32 s10, $0x1;
	s10 =	sld [smem:$0x3FB2];
	_ =	sdelay $0x3  }
0x37: {  	[smem:$0x3FB2] =	sst s10  }
0x38: {  	s10 =	sld [smem:$0x3FB3]  }
0x39: {  	_ = 	snop;
	(pc) =	sbr.ind lr, $3  }
0x3a: {  	_ = 	snop  }
0x3b: {  	_ = 	snop  }
0x3c: {  	p2 =	seq.s32 s10, $0x1;
	s10 =	sld [smem:$0x3FB2]  }
0x3d: {  	_ =	shalt  }
0x3e: {  	_ =	shalt  }
0x3f: {  	_ =	shalt  }
0x40: {  	_ =	shalt  }
0x41: {  	_ =	shalt  }
0x42: {  	_ =	shalt  }
0x43: {  	_ =	shalt  }
0x44: {  	_ =	shalt  }
0x45: {  	_ =	shalt  }
0x46: {  	_ =	shalt  }
0x47: {  	_ =	shalt  }
0x48: {  	_ =	shalt  }
0x49: {  	_ =	shalt  }
0x4a: {  	_ =	shalt  }
0x4b: {  	_ =	shalt  }
0x4c: {  	_ =	shalt  }
0x4d: {  	_ =	shalt  }
0x4e: {  	_ =	shalt  }
0x4f: {  	_ =	shalt  }
0x50: {  	_ =	shalt  }
0x51: {  	_ =	shalt  }
0x52: {  	_ =	shalt  }
0x53: {  	_ =	shalt  }
0x54: {  	_ =	shalt  }
0x55: {  	_ =	shalt  }
0x56: {  	_ =	shalt  }
0x57: {  	_ =	shalt  }
0x58: {  	_ =	shalt  }
0x59: {  	_ =	shalt  }
0x5a: {  	_ =	shalt  }
0x5b: {  	_ =	shalt  }
0x5c: {  	_ =	shalt  }
0x5d: {  	_ =	shalt  }
0x5e: {  	_ =	shalt  }
0x5f: {  	_ =	shalt  }
0x60: {  	_ =	shalt  }
0x61: {  	_ =	shalt  }
0x62: {  	_ =	shalt  }
0x63: {  	_ =	shalt  }
0x64: {  	_ =	shalt  }
0x65: {  	_ =	shalt  }
0x66: {  	_ =	shalt  }
0x67: {  	_ =	shalt  }
0x68: {  	_ =	shalt  }
0x69: {  	_ =	shalt  }
0x6a: {  	_ =	shalt  }
0x6b: {  	_ =	shalt  }
0x6c: {  	_ =	shalt  }
0x6d: {  	_ =	shalt  }
0x6e: {  	_ =	shalt  }
0x6f: {  	_ =	shalt  }
0x70: {  	_ =	shalt  }
0x71: {  	_ =	shalt  }
0x72: {  	_ =	shalt  }
0x73: {  	_ =	shalt  }
0x74: {  	_ =	shalt  }
0x75: {  	_ =	shalt  }
0x76: {  	_ =	shalt  }
0x77: {  	_ =	shalt  }
0x78: {  	_ =	shalt  }
0x79: {  	_ =	shalt  }
0x7a: {  	_ =	shalt  }
0x7b: {  	_ =	shalt  }
0x7c: {  	_ =	shalt  }
0x7d: {  	_ =	shalt  }
0x7e: {  	_ =	shalt  }
0x7f: {  	_ =	shalt  }
0x80: {  	_ =	shalt  }
0x81: {  	_ =	shalt  }
0x82: {  	_ =	shalt  }
0x83: {  	_ =	shalt  }
0x84: {  	_ =	shalt  }
0x85: {  	_ =	shalt  }
0x86: {  	_ =	shalt  }
0x87: {  	_ =	shalt  }
.Lfunc_end0:
.L_simem_size_0:
called_computation.2_lowered:
.L_overlay_start_0:
0x88: {  	s2 =	sld [smem:$0x3FD9]  }
0x89: {  	s3 =	sld [smem:$0x3FFE];
	_ =	sdelay $0x1  }
0x8a: {  	s1 =	srdreg.scid  }
0x8b: {  	s0 =	sand.u32 $0x1, s1  }
0x8c: {  	s14 =	sshll.u32 s0, $0xA;
	s2 =	sadd.s32 s3, s2  }
0x8d: {  	s2 =	sadd.s32 s2, s14  }
0x8e: {  	[smem:$0x3FBE] =	sst s2  }
0x8f: {  	_ = 	snop  }
0x90: {  	s2 =	sld [smem:$0x3FD0];
	_ =	sdelay $0x2  }
0x91: {  	s15 =	simm.s32 $0xA;
	s4 =	simm.s32 $0x10  }
0x92: {  	[smem:s4], [sflag:s15] =	dma.local [hbm:s2], $0x1  }
0x93: {  	_ =	swait.eq [sflag:s15], $0x1  }
0x94: {  	[sflag:s15] =	ssyncset.done $0x0  }
0x95: {  	s16 =	sld [smem:$0x11];
	[sflag:s15] =	ssyncadd.s32 $0xFFFFFFFF  }
0x96: {  	s17 =	sld [smem:$0x12];
	(tm) =	ssettm $0x1  }
0x97: {  	s18 =	sld [smem:$0x3FFB];
	_ =	sdelay $0x3  }
0x98: {  	_ =	strace s18  }
0x99: {  	s4 =	sld [smem:$0x3FFC];
	_ =	sdelay $0x3  }
0x9a: {  	_ =	strace s4  }
0x9b: {  	s4 =	sld [smem:$0x3FFD];
	_ =	sdelay $0x3  }
0x9c: {  	_ =	strace s4  }
0x9d: {  	_ =	strace $0x8FFFFFFF  }
0x9e: {  	s19 =	sld [smem:$0x3FDB];
	_ =	sdelay $0x1  }
0x9f: {  	s5 =	simm.s32 $_scs_section_size  }
0xa0: {  	s6 =	simm.s32 $_size__tile_overlayer_lowered;
	s7 =	simm.s32 $_tile_overlayer_lowered  }
0xa1: {  	s22 =	simm.s32 $0x1BFF;
	s21 =	sshll.u32 s7, $0x1;
	s4 =	sadd.s32 s5, s19  }
0xa2: {  	s8 =	simm.s32 $0x0;
	s20 =	sshll.u32 s6, $0x1;
	s6 =	sadd.s32 s21, s4  }
0xa3: {  	[timem:s8], [sflag:s22] =	dma.local [hbm:s6], s20  }
0xa4: {  	_ =	swait.ge [sflag:s22], s20  }
0xa5: {  	s5 =	ssub.s32 $0x0, s20;
	[sflag:s22] =	ssyncset.done $0x0  }
0xa6: {  	[sflag:s22] =	ssyncadd.s32 s5;
	_ =	sdelay $0x1  }
0xa7: {  	s23 =	simm.s32 $0x1B8B  }
0xa8: {  	_ =	swait.ge [sflag:s23], $0x1  }
0xa9: {  	[sflag:s23] =	ssyncset.done $0x0  }
0xaa: {  	s25 =	simm.s32 $0x1B8E;
	s24 =	sld [smem:$0x3FFE];
	[sflag:s23] =	ssyncadd.s32 $0xFFFFFFFF  }
0xab: {  	s26 =	simm.s32 $execute0_lowered;
	[smem:$0x3FD2] =	sst s25  }
0xac: {  	s6 =	sshll.u32 s26, $0x1;
	_ =	strace $0x8000004C;
	[dreg:$0x1] =	wrdreg $0xFFFFFFFF  }
0xad: {  	s28 =	simm.s32 $_size_execute0_lowered;
	s4 =	sadd.s32 s4, s6;
	[dreg:$0x0] =	wrdreg $0x0  }
0xae: {  	s6 =	sshll.u32 s28, $0x1;
	[dreg:$0x2] =	wrdreg s4  }
0xaf: {  	[dreg:$0x3] =	wrdreg s6  }
0xb0: {  	[dreg:$0x4] =	wrdreg $0xC0  }
0xb1: {  	_ =	task [dreg:s8], $0x5FFFF  }
0xb2: {  	[dreg:$0x1] =	wrdreg $0xFFFFFFFF  }
0xb3: {  	[dreg:$0x0] =	wrdreg $0x60  }
0xb4: {  	[dreg:$0x2] =	wrdreg s24  }
0xb5: {  	[dreg:$0x3] =	wrdreg s16  }
0xb6: {  	[dreg:$0x4] =	wrdreg s17  }
0xb7: {  	[dreg:$0x5] =	wrdreg $0xD2000  }
0xb8: {  	[dreg:$0x6] =	wrdreg $0x9  }
0xb9: {  	_ =	task.clear_ibuf [dreg:s8], $0x7FFFF;
	_ =	strace $0x9000004C  }
0xba: {  	s29 =	simm.s32 $0x9;
	_ =	strace $0x8000004E  }
0xbb: {  	_ =	swait.ge [sflag:s29], $0x1  }
0xbc: {  	[sflag:s29] =	ssyncadd.s32 $0xFFFFFFFF  }
0xbd: {  	_ =	strace $0x9000004E  }
0xbe: {  	_ =	sfence  }
0xbf: {  	s30 =	sld [smem:$0x0];
	_ =	sdelay $0x2  }
0xc0: {  	s31 =	sshll.u32 s1, $0xD;
	s1 =	sshrl.u32 s1, $0x2  }
0xc1: {  	s3 =	sand.u32 $0x4000, s31;
	s1 =	sadd.s32 s1, s30  }
0xc2: {  	s0 =	sor.u32 s3, s0;
	s1 =	sshll.u32 s1, $0x11  }
0xc3: {  	s0 =	sor.u32 s1, s0  }
0xc4: {  	s0 =	sadd.s32 $0x8F2B, s0  }
0xc5: {  	[sflag:s0] =	ssyncadd.remote.s32 $0x1  }
0xc6: {  	_ =	sfence.sel $0xFFFF  }
0xc7: {  	[dreg:$0x0] =	wrdreg $0xFFFFFFFF;
	(pc) =	sbr.abs _section_cstart, $3  }
0xc8: {  	[dreg:$0x1] =	wrdreg $0xFFFFFFFF  }
0xc9: {  	_ =	task.clear_ibuf [dreg:s8], $0x2FFFF;
	_ =	strace $0x9FFFFFFF  }
0xca: {  	(tm) =	ssettm $0x7FFFFFFF  }
0xcb: {  	_ =	shalt  }
tec
execute0_lowered:
.L_overlay_start_1:
0x0: {  	(tag) =	ssettag $0x1  }
0x1: {  	s2 =	rddreg [dreg:$0x0];
	s3 =	srdreg.scid  }
0x2: {  	s0 =	stileid.u32;
	s1 =	rddreg [dreg:$0x1]  }
0x3: {  	s6 =	rddreg [dreg:$0x2];
	s4 =	simm.s32 $0x0;
	s13 =	simm.s32 $0x2A00  }
0x4: {  	s14 =	simm.s32 $0x80;
	s15 =	simm.s32 $0x5200;
	s16 =	simm.s32 $0x7200  }
0x5: {  	s17 =	simm.s32 $0x100;
	s18 =	simm.s32 $0x9200;
	s19 =	simm.s32 $0x180  }
0x6: {  	s20 =	simm.s32 $0xB200;
	s21 =	simm.s32 $0x1;
	s28 =	simm.s32 $0x7  }
0x7: {  	s29 =	simm.s32 $0x8;
	s30 =	simm.s32 $0x0;
	s5 =	sand.u32 $0x1, s3  }
0x8: {  	s22 =	sshll.u32 s0, $0x1;
	s3 =	rddreg [dreg:$0x3];
	s9 =	smul.u32 $0x13C0, s0  }
0x9: {  	[smem:$0x7FF] =	sst s4;
	s11 =	smul.u32 $0x9E00, s0;
	s31 =	sshll.u32 s0, $0x6  }
0xa: {  	s7 =	sor.u32 s5, s22;
	_ =	strace $0x8000004D;
	s10 =	smul.u32 $0x13C00, s5  }
0xb: {  	s5 =	ssub.s32 $0x2, s5;
	s22 =	simm.s32 $0x2;
	s8 =	smul.u32 $0x540, s7  }
0xc: {  	s7 =	smul.u32 $0x500, s7;
	s24 =	sshrl.u32 s5, $0x1;
	s26 =	sshrl.u32 s11, $0x3  }
0xd: {  	s11 =	sadd.s32 s11, s3;
	s23 =	sadd.s32 s9, s10;
	s25 =	ssub.s32 s5, s24  }
0xe: {  	s5 =	sadd.s32 s6, s26;
	s6 =	sor.u32 $0x1C09, s31;
	s11 =	sshrl.u32 s11, $0x3  }
0xf: {  	s24 =	simm.s32 $0x4;
	s26 =	simm.s32 $0x6;
	s8 =	sadd.s32 s8, s2  }
0x10: {  	s12 =	sadd.s32 s7, s2;
	s2 =	sadd.s32 s23, s2;
	s10 =	smax.u32 s25, $0x1  }
0x11: {  	s23 =	simm.s32 $0x3;
	s25 =	simm.s32 $0x5;
	s7 =	sadd.s32 $0xCA00, s8  }
0x12: {  	s8 =	sadd.s32 $0x2A00, s12;
	s9 =	sadd.s32 $0x65400, s2;
	s12 =	simm.s32 $0x9  }
.LBB2_1:
0x13: {  	[spmem:s11], [sflag:s6] =	dma.local [hbm:s5], $0x13C0  }
0x14: {  	_ =	swait.ge [sflag:s12], $0x13C0  }
0x15: {  	[sflag:s12] =	ssyncset.done $0x0  }
0x16: {  	[sflag:s12] =	ssyncadd.s32 $0xFFFFEC40  }
0x17: {  	[tilespmem:s4], [sflag:$0x9] =	stream.linear.gather [hbm4b:s7+s4], $0x2A00, $0x38;
	[tilespmem:$0x17000] =	vst v63  }
0x18: {  	_ =	swait.ge [sflag:s12], $0x2A00  }
0x19: {  	[sflag:s12] =	ssyncset.done $0x0  }
0x1a: {  	[sflag:s12] =	ssyncadd.s32 $0xFFFFD600  }
0x1b: {  	[tilespmem:s13], [sflag:$0x9] =	stream.linear.gather [hbm4b:s8+s4], $0x2800, $0x38;
	[tilespmem:$0x17000] =	vst v63  }
0x1c: {  	_ =	swait.ge [sflag:s12], $0x2800  }
0x1d: {  	[sflag:s12] =	ssyncset.done $0x0  }
0x1e: {  	[sflag:s12] =	ssyncadd.s32 $0xFFFFD800  }
0x1f: {  	[bflag:$0x0] =	sbarrier.arrive $0xFFFF  }
0x20: {  	[tilespmem:s15], [sflag:$0x1] =	stream.indirect.gather [hbm4b:s1+s14], $0x40, s4, s14, $0xb8;
	[tilespmem:$0x17000] =	vst v63  }
0x21: {  	_ = 	snop  }
0x22: {  	[tilespmem:s16], [sflag:$0x2] =	stream.indirect.gather [hbm4b:s1+s14], $0x40, s14, s14, $0xb8;
	[tilespmem:$0x17000] =	vst v63  }
0x23: {  	_ = 	snop  }
0x24: {  	[tilespmem:s18], [sflag:$0x3] =	stream.indirect.gather [hbm4b:s1+s14], $0x40, s17, s14, $0xb8;
	[tilespmem:$0x17000] =	vst v63  }
0x25: {  	_ = 	snop  }
0x26: {  	[tilespmem:s20], [sflag:$0x4] =	stream.indirect.gather [hbm4b:s1+s14], $0x40, s19, s14, $0xb8;
	[tilespmem:$0x17000] =	vst v63  }
0x27: {  	_ =	swait.ge [sflag:s21], $0x2000  }
0x28: {  	[sflag:s21] =	ssyncset.done $0x0  }
0x29: {  	s2 =	simm.s32 $0x2A00;
	[sflag:s21] =	ssyncadd.s32 $0xFFFFE000  }
0x2a: {  	[spmem:s3] =	stream.indirect.scatter.add.f32 [tilespmem:s15], [sflag:$0x5], $0x40, s2, s14, $0xb8;
	[tilespmem:$0x17000] =	vst v63  }
0x2b: {  	_ =	swait.ge [sflag:s22], $0x2000  }
0x2c: {  	[sflag:s22] =	ssyncset.done $0x0  }
0x2d: {  	s0 =	simm.s32 $0x2A80;
	[sflag:s22] =	ssyncadd.s32 $0xFFFFE000  }
0x2e: {  	[spmem:s3] =	stream.indirect.scatter.add.f32 [tilespmem:s16], [sflag:$0x6], $0x40, s0, s14, $0xb8;
	[tilespmem:$0x17000] =	vst v63  }
0x2f: {  	_ =	swait.ge [sflag:s23], $0x2000  }
0x30: {  	[sflag:s23] =	ssyncset.done $0x0  }
0x31: {  	s0 =	simm.s32 $0x2B00;
	[sflag:s23] =	ssyncadd.s32 $0xFFFFE000  }
0x32: {  	[spmem:s3] =	stream.indirect.scatter.add.f32 [tilespmem:s18], [sflag:$0x7], $0x40, s0, s14, $0xb8;
	[tilespmem:$0x17000] =	vst v63  }
0x33: {  	_ =	swait.ge [sflag:s24], $0x2000  }
0x34: {  	[sflag:s24] =	ssyncset.done $0x0  }
0x35: {  	s0 =	simm.s32 $0x2B80;
	[sflag:s24] =	ssyncadd.s32 $0xFFFFE000  }
0x36: {  	[spmem:s3] =	stream.indirect.scatter.add.f32 [tilespmem:s20], [sflag:$0x8], $0x40, s0, s14, $0xb8;
	[tilespmem:$0x17000] =	vst v63  }
0x37: {  	_ =	swait.ge [sflag:s25], $0x2000  }
0x38: {  	[sflag:s25] =	ssyncset.done $0x0  }
0x39: {  	s0 =	simm.s32 $0x200;
	[sflag:s25] =	ssyncadd.s32 $0xFFFFE000  }
0x3a: {  	[tilespmem:s15], [sflag:$0x1] =	stream.indirect.gather [hbm4b:s1+s14], $0x40, s0, s14, $0xb8;
	[tilespmem:$0x17000] =	vst v63  }
0x3b: {  	_ =	swait.ge [sflag:s26], $0x2000  }
0x3c: {  	[sflag:s26] =	ssyncset.done $0x0  }
0x3d: {  	s0 =	simm.s32 $0x280;
	[sflag:s26] =	ssyncadd.s32 $0xFFFFE000  }
0x3e: {  	[tilespmem:s16], [sflag:$0x2] =	stream.indirect.gather [hbm4b:s1+s14], $0x40, s0, s14, $0xb8;
	[tilespmem:$0x17000] =	vst v63  }
0x3f: {  	_ =	swait.ge [sflag:s28], $0x2000  }
0x40: {  	[sflag:s28] =	ssyncset.done $0x0  }
0x41: {  	s0 =	simm.s32 $0x300;
	[sflag:s28] =	ssyncadd.s32 $0xFFFFE000  }
0x42: {  	[tilespmem:s18], [sflag:$0x3] =	stream.indirect.gather [hbm4b:s1+s14], $0x40, s0, s14, $0xb8;
	[tilespmem:$0x17000] =	vst v63  }
0x43: {  	_ =	swait.ge [sflag:s29], $0x2000  }
0x44: {  	[sflag:s29] =	ssyncset.done $0x0  }
0x45: {  	s31 =	simm.s32 $0x800;
	s2 =	simm.s32 $0x380;
	[sflag:s29] =	ssyncadd.s32 $0xFFFFE000  }
.LBB2_2:
0x46: {  	[tilespmem:s20], [sflag:$0x4] =	stream.indirect.gather [hbm4b:s1+s14], $0x40, s2, s14, $0xb8;
	[tilespmem:$0x17000] =	vst v63  }
0x47: {  	s2 =	smov.u32 s31  }
0x48: {  	p0 =	sne.s32 s31, $0x9800;
	s31 =	sadd.s32 $0x800, s31;
	_ =	swait.ge [sflag:s21], $0x2000  }
0x49: {  	s2 =	sshra.s32 s2, $0x2;
	[sflag:s21] =	ssyncset.done $0x0  }
0x4a: {  	s0 =	sadd.s32 $0x2A00, s2;
	[sflag:s21] =	ssyncadd.s32 $0xFFFFE000  }
0x4b: {  	[spmem:s3] =	stream.indirect.scatter.add.f32 [tilespmem:s15], [sflag:$0x5], $0x40, s0, s14, $0xb8;
	[tilespmem:$0x17000] =	vst v63  }
0x4c: {  	_ =	swait.ge [sflag:s22], $0x2000  }
0x4d: {  	[sflag:s22] =	ssyncset.done $0x0  }
0x4e: {  	s0 =	sadd.s32 $0x2A80, s2;
	[sflag:s22] =	ssyncadd.s32 $0xFFFFE000  }
0x4f: {  	[spmem:s3] =	stream.indirect.scatter.add.f32 [tilespmem:s16], [sflag:$0x6], $0x40, s0, s14, $0xb8;
	[tilespmem:$0x17000] =	vst v63  }
0x50: {  	_ =	swait.ge [sflag:s23], $0x2000  }
0x51: {  	[sflag:s23] =	ssyncset.done $0x0  }
0x52: {  	s0 =	sadd.s32 $0x2B00, s2;
	[sflag:s23] =	ssyncadd.s32 $0xFFFFE000  }
0x53: {  	[spmem:s3] =	stream.indirect.scatter.add.f32 [tilespmem:s18], [sflag:$0x7], $0x40, s0, s14, $0xb8;
	[tilespmem:$0x17000] =	vst v63  }
0x54: {  	_ =	swait.ge [sflag:s24], $0x2000  }
0x55: {  	[sflag:s24] =	ssyncset.done $0x0  }
0x56: {  	s0 =	sadd.s32 $0x2B80, s2;
	[sflag:s24] =	ssyncadd.s32 $0xFFFFE000  }
0x57: {  	[spmem:s3] =	stream.indirect.scatter.add.f32 [tilespmem:s20], [sflag:$0x8], $0x40, s0, s14, $0xb8;
	[tilespmem:$0x17000] =	vst v63  }
0x58: {  	_ =	swait.ge [sflag:s25], $0x2000  }
0x59: {  	[sflag:s25] =	ssyncset.done $0x0  }
0x5a: {  	s0 =	sadd.s32 $0x200, s2;
	[sflag:s25] =	ssyncadd.s32 $0xFFFFE000  }
0x5b: {  	[tilespmem:s15], [sflag:$0x1] =	stream.indirect.gather [hbm4b:s1+s14], $0x40, s0, s14, $0xb8;
	[tilespmem:$0x17000] =	vst v63  }
0x5c: {  	_ =	swait.ge [sflag:s26], $0x2000  }
0x5d: {  	[sflag:s26] =	ssyncset.done $0x0  }
0x5e: {  	s0 =	sadd.s32 $0x280, s2;
	[sflag:s26] =	ssyncadd.s32 $0xFFFFE000  }
0x5f: {  	[tilespmem:s16], [sflag:$0x2] =	stream.indirect.gather [hbm4b:s1+s14], $0x40, s0, s14, $0xb8;
	[tilespmem:$0x17000] =	vst v63  }
0x60: {  	_ =	swait.ge [sflag:s28], $0x2000  }
0x61: {  	[sflag:s28] =	ssyncset.done $0x0  }
.Ltmp0:
0x62: {  	s0 =	sadd.s32 $0x300, s2;
	[sflag:s28] =	ssyncadd.s32 $0xFFFFE000;
	(pc) =	sbr.rel @p0 .LBB2_2-.Ltmp0, $4  }
0x63: {  	[tilespmem:s18], [sflag:$0x3] =	stream.indirect.gather [hbm4b:s1+s14], $0x40, s0, s14, $0xb8;
	[tilespmem:$0x17000] =	vst v63  }
0x64: {  	_ =	swait.ge [sflag:s29], $0x2000  }
0x65: {  	[sflag:s29] =	ssyncset.done $0x0  }
0x66: {  	s2 =	sadd.s32 $0x380, s2;
	[sflag:s29] =	ssyncadd.s32 $0xFFFFE000  }
0x67: {  	[tilespmem:s20], [sflag:$0x4] =	stream.indirect.gather [hbm4b:s1+s14], $0x40, s2, s14, $0xb8;
	[tilespmem:$0x17000] =	vst v63  }
0x68: {  	_ =	swait.ge [sflag:s21], $0x2000  }
0x69: {  	[sflag:s21] =	ssyncset.done $0x0  }
0x6a: {  	[sflag:s21] =	ssyncadd.s32 $0xFFFFE000  }
0x6b: {  	_ =	swait.ge [sflag:s22], $0x2000  }
0x6c: {  	[sflag:s22] =	ssyncset.done $0x0  }
0x6d: {  	[sflag:s22] =	ssyncadd.s32 $0xFFFFE000  }
0x6e: {  	_ =	swait.ge [sflag:s23], $0x2000  }
0x6f: {  	[sflag:s23] =	ssyncset.done $0x0  }
0x70: {  	[sflag:s23] =	ssyncadd.s32 $0xFFFFE000  }
0x71: {  	_ =	swait.ge [sflag:s24], $0x2000  }
0x72: {  	s30 =	sadd.s32 $0x1, s30;
	[sflag:s24] =	ssyncset.done $0x0  }
0x73: {  	p0 =	sne.s32 s30, s10;
	[sflag:s24] =	ssyncadd.s32 $0xFFFFE000  }
.Ltmp1:
0x74: {  	[bflag:$0x0] =	sbarrier.arrive $0xFFFF;
	(pc) =	sbr.rel @p0 .LBB2_1-.Ltmp1, $4  }
0x75: {  	[hbm:s9], [sflag:s6] =	dma.local [spmem:s11], $0x13C0  }
0x76: {  	_ =	swait.ge [sflag:s12], $0x13C0  }
0x77: {  	[sflag:s12] =	ssyncset.done $0x0  }
0x78: {  	[sflag:s12] =	ssyncadd.s32 $0xFFFFEC40  }
0x79: {  	_ =	sfence.sel $0x180000  }
0x7a: {  	[bflag:$0x0] =	sbarrier.arrive $0xFFFF  }
0x7b: {  	_ =	strace $0x9000004D  }
0x7c: {  	s0 =	stileid.u32;
	[bflag:$0x2] =	sbarrier.arrive $0xFFFF  }
0x7d: {  	p0 =	sne.s32 s0, $0x0;
	s0 =	rddreg [dreg:$0x4]  }
0x7e: {  	s0 =	sadd.s32 @!p0 $0x100000, s0  }
0x7f: {  	[sflag:s0] =	ssyncadd.tile.s32 @!p0 $0x1;
	_ =	shalt  }
.Lfunc_end2:
_tile_overlayer_lowered:
.L_overlay_start_2:
0x80: {  	(tag) =	ssettag $0x2  }
0x81: {  	s0 =	rddreg [dreg:$0x0];
	s2 =	stileid.u32  }
0x82: {  	s1 =	rddreg [dreg:$0x1];
	p0 =	sne.s32 s2, $0x0  }
0x83: {  	s3 =	rddreg [dreg:$0x2];
	[bflag:$0x3] =	sbarrier.arrive $0xFFFF;
	s2 =	simm.s32 @!p0 $0x1C09  }
0x84: {  	[timem:s3], [sflag:s2] =	dma.local @!p0 [hbm:s0], s1  }
0x85: {  	s0 =	simm.s32 @!p0 $0x9  }
0x86: {  	_ =	swait.ge @!p0 [sflag:s0], s1  }
0x87: {  	s1 =	ssub.s32 @!p0 $0x0, s1;
	[sflag:s0] =	ssyncset.done @!p0 $0x0  }
0x88: {  	[sflag:s0] =	ssyncadd.s32 @!p0 s1  }
0x89: {  	[bflag:$0x3] =	sbarrier.arrive $0xFFFF  }
0x8a: {  	_ =	shalt  }

// kernel: kernel.8.cloned.1.call-start
scs
__scs_entry_jumppad:
0x0: {  	(pc) =	sbr.rel $0x88, $3  }
0x1: {  	(tag) =	ssettag $0x0;
	lr =	simm.s32 $0x1  }
0x2: {  	[smem:$0x3F97] =	sst lr;
	_ =	strace $0xD0000000  }
0x3: {  	_ = 	snop  }
0x4: {  	_ = 	snop  }
0x5: {  	_ = 	snop  }
0x6: {  	_ = 	snop  }
0x7: {  	_ = 	snop  }
__scs_overlays_trampoline_lowered:
0x8: {  	[smem:$0x3FA6] =	sst s0  }
0x9: {  	[smem:$0x3FA7] =	sst s1  }
0xa: {  	[smem:$0x3FA8] =	sst s2  }
0xb: {  	[smem:$0x3FA9] =	sst s3  }
0xc: {  	[smem:$0x3FAA] =	sst s4  }
0xd: {  	[smem:$0x3FAB] =	sst s5  }
0xe: {  	[smem:$0x3FAC] =	sst s6  }
0xf: {  	[smem:$0x3FAD] =	sst s7  }
0x10: {  	[smem:$0x3FAE] =	sst s8  }
0x11: {  	[smem:$0x3FAF] =	sst s9;
	s0 =	simm.s32 @!p0 $0x0  }
0x12: {  	s1 =	sld [smem:$0x3F95];
	s0 =	simm.s32 @p0 $0x1  }
0x13: {  	[smem:$0x3FB0] =	sst s0;
	s0 =	simm.s32 @!p1 $0x0  }
0x14: {  	s2 =	sld [smem:$0x3F94];
	s0 =	simm.s32 @p1 $0x1  }
0x15: {  	[smem:$0x3FB1] =	sst s0;
	s0 =	simm.s32 @!p2 $0x0  }
0x16: {  	s3 =	sld [smem:$0x3FDB];
	s0 =	simm.s32 @p2 $0x1  }
0x17: {  	s4 =	simm.s32 $0x1BF5;
	[smem:$0x3FB3] =	sst s0  }
0x18: {  	s0 =	sld [smem:$0x3F96];
	_ =	swait.ge [sflag:s4], $0x0  }
0x19: {  	s7 =	sld [smem:$0x3F97]  }
0x1a: {  	s8 =	sadd.s32 $0xFFFFE003, lr  }
0x1b: {  	s9 =	sadd.s32 $0xFFFFFEF7, lr;
	s5 =	simm.s32 $0xFFFFFFFF;
	p2 =	slt.u32 s8, $0xFFFFF086  }
0x1c: {  	p1 =	slt.u32 s9, $0xF7A;
	s5 =	simm.s32 @!p2 $0x0  }
0x1d: {  	s5 =	simm.s32 @p1 $0x1;
	p0 =	seq.s32 s7, s2  }
0x1e: {  	s7 =	smul.u32 @!p0 $0xF7A, s2;
	p2 =	seq.s32 @!p0 s5, $0x0  }
0x1f: {  	s9 =	smul.u32 $0xF7A, s1;
	s8 =	simm.s32 @!p0 $0x1BF5;
	p2 =	por !p2, p0  }
0x20: {  	[sflag:s8] =	ssyncset.s32 @!p0 $0xFFFFF086;
	s6 =	sadd.s32 @!p0 s3, s7;
	s7 =	simm.s32 @!p0 $0x108  }
0x21: {  	s3 =	sadd.s32 s3, s9;
	s6 =	sadd.s32 @!p0 $0x88, s6;
	s7 =	simm.s32 @p2 $0x1082  }
0x22: {  	[simem:s7], [sflag:s8] =	dma.local @!p0 [hbm:s6], $0xF7A  }
0x23: {  	s9 =	sor.u32 $0xD0000000, s2;
	s6 =	simm.s32 $0x108;
	_ =	swait.ge @!p0 [sflag:s8], $0x0  }
0x24: {  	s3 =	sadd.s32 $0x88, s3;
	s6 =	simm.s32 @!p1 $0x1082;
	[sflag:s4] =	ssyncset.s32 $0xFFFFF086  }
0x25: {  	[simem:s6], [sflag:s4] =	dma.local [hbm:s3], $0xF7A  }
0x26: {  	[smem:$0x3F97] =	sst s1;
	(tag) =	ssettag s2;
	_ =	strace s9  }
0x27: {  	s1 =	sld [smem:$0x3FA7]  }
0x28: {  	s2 =	sld [smem:$0x3FA8]  }
0x29: {  	s4 =	sld [smem:$0x3FAA]  }
0x2a: {  	p0 =	seq.s32 s5, $0x0;
	s5 =	sld [smem:$0x3FAB]  }
0x2b: {  	s6 =	sld [smem:$0x3FAC]  }
0x2c: {  	s7 =	sld [smem:$0x3FAD]  }
0x2d: {  	s3 =	simm.s32 $0x108;
	s8 =	sld [smem:$0x3FAE]  }
0x2e: {  	s3 =	simm.s32 @!p0 $0x1082;
	s9 =	sld [smem:$0x3FAF]  }
0x2f: {  	lr =	sadd.s32 s0, s3;
	s0 =	sld [smem:$0x3FA6]  }
0x30: {  	s3 =	sld [smem:$0x3FA9]  }
0x31: {  	[smem:$0x3FB2] =	sst s10  }
0x32: {  	s10 =	sld [smem:$0x3FB0];
	_ =	sdelay $0x3  }
0x33: {  	p0 =	seq.s32 s10, $0x1;
	s10 =	sld [smem:$0x3FB2];
	_ =	sdelay $0x3  }
0x34: {  	[smem:$0x3FB2] =	sst s10  }
0x35: {  	s10 =	sld [smem:$0x3FB1];
	_ =	sdelay $0x3  }
0x36: {  	p1 =	seq.s32 s10, $0x1;
	s10 =	sld [smem:$0x3FB2];
	_ =	sdelay $0x3  }
0x37: {  	[smem:$0x3FB2] =	sst s10  }
0x38: {  	s10 =	sld [smem:$0x3FB3]  }
0x39: {  	_ = 	snop;
	(pc) =	sbr.ind lr, $3  }
0x3a: {  	_ = 	snop  }
0x3b: {  	_ = 	snop  }
0x3c: {  	p2 =	seq.s32 s10, $0x1;
	s10 =	sld [smem:$0x3FB2]  }
0x3d: {  	_ =	shalt  }
0x3e: {  	_ =	shalt  }
0x3f: {  	_ =	shalt  }
0x40: {  	_ =	shalt  }
0x41: {  	_ =	shalt  }
0x42: {  	_ =	shalt  }
0x43: {  	_ =	shalt  }
0x44: {  	_ =	shalt  }
0x45: {  	_ =	shalt  }
0x46: {  	_ =	shalt  }
0x47: {  	_ =	shalt  }
0x48: {  	_ =	shalt  }
0x49: {  	_ =	shalt  }
0x4a: {  	_ =	shalt  }
0x4b: {  	_ =	shalt  }
0x4c: {  	_ =	shalt  }
0x4d: {  	_ =	shalt  }
0x4e: {  	_ =	shalt  }
0x4f: {  	_ =	shalt  }
0x50: {  	_ =	shalt  }
0x51: {  	_ =	shalt  }
0x52: {  	_ =	shalt  }
0x53: {  	_ =	shalt  }
0x54: {  	_ =	shalt  }
0x55: {  	_ =	shalt  }
0x56: {  	_ =	shalt  }
0x57: {  	_ =	shalt  }
0x58: {  	_ =	shalt  }
0x59: {  	_ =	shalt  }
0x5a: {  	_ =	shalt  }
0x5b: {  	_ =	shalt  }
0x5c: {  	_ =	shalt  }
0x5d: {  	_ =	shalt  }
0x5e: {  	_ =	shalt  }
0x5f: {  	_ =	shalt  }
0x60: {  	_ =	shalt  }
0x61: {  	_ =	shalt  }
0x62: {  	_ =	shalt  }
0x63: {  	_ =	shalt  }
0x64: {  	_ =	shalt  }
0x65: {  	_ =	shalt  }
0x66: {  	_ =	shalt  }
0x67: {  	_ =	shalt  }
0x68: {  	_ =	shalt  }
0x69: {  	_ =	shalt  }
0x6a: {  	_ =	shalt  }
0x6b: {  	_ =	shalt  }
0x6c: {  	_ =	shalt  }
0x6d: {  	_ =	shalt  }
0x6e: {  	_ =	shalt  }
0x6f: {  	_ =	shalt  }
0x70: {  	_ =	shalt  }
0x71: {  	_ =	shalt  }
0x72: {  	_ =	shalt  }
0x73: {  	_ =	shalt  }
0x74: {  	_ =	shalt  }
0x75: {  	_ =	shalt  }
0x76: {  	_ =	shalt  }
0x77: {  	_ =	shalt  }
0x78: {  	_ =	shalt  }
0x79: {  	_ =	shalt  }
0x7a: {  	_ =	shalt  }
0x7b: {  	_ =	shalt  }
0x7c: {  	_ =	shalt  }
0x7d: {  	_ =	shalt  }
0x7e: {  	_ =	shalt  }
0x7f: {  	_ =	shalt  }
0x80: {  	_ =	shalt  }
0x81: {  	_ =	shalt  }
0x82: {  	_ =	shalt  }
0x83: {  	_ =	shalt  }
0x84: {  	_ =	shalt  }
0x85: {  	_ =	shalt  }
0x86: {  	_ =	shalt  }
0x87: {  	_ =	shalt  }
.Lfunc_end0:
.L_simem_size_0:
called_computation_lowered:
.L_overlay_start_0:
0x88: {  	s2 =	sld [smem:$0x3FD9]  }
0x89: {  	s3 =	sld [smem:$0x3FFE];
	_ =	sdelay $0x1  }
0x8a: {  	s1 =	srdreg.scid  }
0x8b: {  	s0 =	sand.u32 $0x1, s1  }
0x8c: {  	s14 =	sshll.u32 s0, $0xA;
	s2 =	sadd.s32 s3, s2  }
0x8d: {  	s2 =	sadd.s32 s2, s14  }
0x8e: {  	[smem:$0x3FBE] =	sst s2  }
0x8f: {  	_ = 	snop  }
0x90: {  	s2 =	sld [smem:$0x3FD0];
	_ =	sdelay $0x2  }
0x91: {  	s15 =	simm.s32 $0xA;
	s4 =	simm.s32 $0x10  }
0x92: {  	[smem:s4], [sflag:s15] =	dma.local [hbm:s2], $0x1  }
0x93: {  	_ =	swait.eq [sflag:s15], $0x1  }
0x94: {  	s16 =	sld [smem:$0x10];
	[sflag:s15] =	ssyncset.done $0x0  }
0x95: {  	s17 =	sld [smem:$0x11];
	[sflag:s15] =	ssyncadd.s32 $0xFFFFFFFF  }
0x96: {  	s18 =	sld [smem:$0x12];
	(tm) =	ssettm $0x1  }
0x97: {  	s5 =	sld [smem:$0x3FFB];
	_ =	sdelay $0x3  }
0x98: {  	_ =	strace s5  }
0x99: {  	s5 =	sld [smem:$0x3FFC];
	_ =	sdelay $0x3  }
0x9a: {  	_ =	strace s5  }
0x9b: {  	s5 =	sld [smem:$0x3FFD];
	_ =	sdelay $0x3  }
0x9c: {  	_ =	strace s5  }
0x9d: {  	_ =	strace $0x8FFFFFFF  }
0x9e: {  	s19 =	sld [smem:$0x3FDB];
	_ =	sdelay $0x1  }
0x9f: {  	s6 =	simm.s32 $_scs_section_size  }
0xa0: {  	s7 =	simm.s32 $_size__tile_overlayer_lowered;
	s8 =	simm.s32 $_tile_overlayer_lowered  }
0xa1: {  	s22 =	simm.s32 $0x1BFF;
	s21 =	sshll.u32 s8, $0x1;
	s5 =	sadd.s32 s6, s19  }
0xa2: {  	s9 =	simm.s32 $0x0;
	s20 =	sshll.u32 s7, $0x1;
	s7 =	sadd.s32 s21, s5  }
0xa3: {  	[timem:s9], [sflag:s22] =	dma.local [hbm:s7], s20  }
0xa4: {  	_ =	swait.ge [sflag:s22], s20  }
0xa5: {  	s6 =	ssub.s32 $0x0, s20;
	[sflag:s22] =	ssyncset.done $0x0  }
0xa6: {  	[sflag:s22] =	ssyncadd.s32 s6;
	_ =	sdelay $0x1  }
0xa7: {  	s23 =	simm.s32 $0x1B8B  }
0xa8: {  	_ =	swait.ge [sflag:s23], $0x1  }
0xa9: {  	[sflag:s23] =	ssyncset.done $0x0  }
0xaa: {  	s25 =	simm.s32 $0x1B8E;
	s24 =	sld [smem:$0x3FFE];
	[sflag:s23] =	ssyncadd.s32 $0xFFFFFFFF  }
0xab: {  	s26 =	simm.s32 $execute0_lowered;
	[smem:$0x3FD2] =	sst s25  }
0xac: {  	s7 =	sshll.u32 s26, $0x1;
	_ =	strace $0x80000046;
	[dreg:$0x1] =	wrdreg $0xFFFFFFFF  }
0xad: {  	s28 =	simm.s32 $_size_execute0_lowered;
	s5 =	sadd.s32 s5, s7;
	[dreg:$0x0] =	wrdreg $0x0  }
0xae: {  	s7 =	sshll.u32 s28, $0x1;
	[dreg:$0x2] =	wrdreg s5  }
0xaf: {  	[dreg:$0x3] =	wrdreg s7  }
0xb0: {  	[dreg:$0x4] =	wrdreg $0xC0  }
0xb1: {  	_ =	task [dreg:s9], $0x5FFFF  }
0xb2: {  	[dreg:$0x1] =	wrdreg $0xFFFFFFFF  }
0xb3: {  	[dreg:$0x0] =	wrdreg $0x60  }
0xb4: {  	[dreg:$0x2] =	wrdreg s24  }
0xb5: {  	[dreg:$0x3] =	wrdreg s17  }
0xb6: {  	[dreg:$0x4] =	wrdreg s16  }
0xb7: {  	[dreg:$0x5] =	wrdreg s18  }
0xb8: {  	[dreg:$0x6] =	wrdreg $0x30000  }
0xb9: {  	[dreg:$0x7] =	wrdreg $0x9  }
0xba: {  	_ =	task.clear_ibuf [dreg:s9], $0x8FFFF;
	_ =	strace $0x90000046  }
0xbb: {  	s29 =	simm.s32 $0x9;
	_ =	strace $0x80000048  }
0xbc: {  	_ =	swait.ge [sflag:s29], $0x1  }
0xbd: {  	[sflag:s29] =	ssyncadd.s32 $0xFFFFFFFF  }
0xbe: {  	_ =	strace $0x90000048  }
0xbf: {  	_ =	sfence  }
0xc0: {  	s30 =	sld [smem:$0x0];
	_ =	sdelay $0x2  }
0xc1: {  	s31 =	sshll.u32 s1, $0xD;
	s1 =	sshrl.u32 s1, $0x2  }
0xc2: {  	s3 =	sand.u32 $0x4000, s31;
	s1 =	sadd.s32 s1, s30  }
0xc3: {  	s0 =	sor.u32 s3, s0;
	s1 =	sshll.u32 s1, $0x11  }
0xc4: {  	s0 =	sor.u32 s1, s0  }
0xc5: {  	s0 =	sadd.s32 $0x8F2B, s0  }
0xc6: {  	[sflag:s0] =	ssyncadd.remote.s32 $0x1  }
0xc7: {  	_ =	sfence.sel $0xFFFF  }
0xc8: {  	[dreg:$0x0] =	wrdreg $0xFFFFFFFF;
	(pc) =	sbr.abs _section_cstart, $3  }
0xc9: {  	[dreg:$0x1] =	wrdreg $0xFFFFFFFF  }
0xca: {  	_ =	task.clear_ibuf [dreg:s9], $0x2FFFF;
	_ =	strace $0x9FFFFFFF  }
0xcb: {  	(tm) =	ssettm $0x7FFFFFFF  }
tec
execute0_lowered:
.L_overlay_start_1:
0x0: {  	(tag) =	ssettag $0x1  }
0x1: {  	s5 =	rddreg [dreg:$0x0]  }
0x2: {  	s6 =	rddreg [dreg:$0x1]  }
0x3: {  	s1 =	rddreg [dreg:$0x2]  }
0x4: {  	s2 =	srdreg.scid;
	s8 =	rddreg [dreg:$0x3]  }
0x5: {  	s0 =	stileid.u32;
	s3 =	rddreg [dreg:$0x4]  }
0x6: {  	s4 =	simm.s32 $0x0;
	s14 =	simm.s32 $0x1;
	s15 =	simm.s32 $0x0  }
0x7: {  	s7 =	sand.u32 $0x1, s2;
	s2 =	rddreg [dreg:$0x5];
	s11 =	smul.u32 $0x4F0, s0  }
0x8: {  	s28 =	sshll.u32 s0, $0x1;
	[smem:$0x7FF] =	sst s4;
	s13 =	smul.u32 $0x2780, s0  }
0x9: {  	s9 =	sor.u32 s7, s28;
	s10 =	ssub.s32 $0x2, s7;
	s7 =	smul.u32 $0x4F00, s7  }
0xa: {  	s31 =	sshll.u32 s0, $0x6;
	_ =	strace $0x80000047;
	s9 =	smul.u32 $0x500, s9  }
0xb: {  	s12 =	sshrl.u32 s10, $0x1;
	s29 =	sadd.s32 s13, s3;
	s30 =	sshrl.u32 s13, $0x3  }
0xc: {  	s13 =	simm.s32 $0x80;
	s10 =	ssub.s32 s10, s12;
	s11 =	sadd.s32 s11, s7  }
0xd: {  	s12 =	simm.s32 $0x2800;
	s9 =	sadd.s32 s9, s5;
	s5 =	sadd.s32 s6, s30  }
0xe: {  	s6 =	sor.u32 $0x1C02, s31;
	s8 =	sadd.s32 s8, s11;
	s11 =	simm.s32 $0x2  }
0xf: {  	s7 =	sadd.s32 $0x2A00, s9;
	s9 =	smax.u32 s10, $0x1;
	s10 =	sshrl.u32 s29, $0x3  }
.LBB2_1:
0x10: {  	[spmem:s10], [sflag:s6] =	dma.local [hbm:s5], $0x4F0  }
0x11: {  	_ =	swait.ge [sflag:s11], $0x4F0  }
0x12: {  	[sflag:s11] =	ssyncset.done $0x0  }
0x13: {  	[sflag:s11] =	ssyncadd.s32 $0xFFFFFB10  }
0x14: {  	[tilespmem:s12], [sflag:$0x2] =	stream.linear.gather [hbm4b:s1+s4], $0x800, $0x38;
	[tilespmem:$0x5780] =	vst v63  }
0x15: {  	_ =	swait.ge [sflag:s11], $0x800  }
0x16: {  	[sflag:s11] =	ssyncset.done $0x0  }
0x17: {  	[sflag:s11] =	ssyncadd.s32 $0xFFFFF800  }
0x18: {  	[tilespmem:s4], [sflag:$0x2] =	stream.linear.gather [hbm4b:s7+s4], $0x2800, $0x38;
	[tilespmem:$0x5780] =	vst v63  }
0x19: {  	_ =	swait.ge [sflag:s11], $0x2800  }
0x1a: {  	[sflag:s11] =	ssyncset.done $0x0  }
0x1b: {  	[sflag:s11] =	ssyncadd.s32 $0xFFFFD800  }
0x1c: {  	s16 =	simm.s32 $0x0;
	[bflag:$0x0] =	sbarrier.arrive $0xFFFF  }
0x1d: {  	[spmem:s3] =	stream.indirect.scatter.add.f32 [tilespmem:s12], [sflag:$0x1], $0x10, s16, s13, $0xb8;
	[tilespmem:$0x5780] =	vst v63  }
0x1e: {  	s26 =	simm.s32 $0x80  }
0x1f: {  	[spmem:s3] =	stream.indirect.scatter.add.f32 [tilespmem:s12], [sflag:$0x1], $0x10, s26, s13, $0xb8;
	[tilespmem:$0x5780] =	vst v63  }
0x20: {  	s28 =	simm.s32 $0x100  }
0x21: {  	[spmem:s3] =	stream.indirect.scatter.add.f32 [tilespmem:s12], [sflag:$0x1], $0x10, s28, s13, $0xb8;
	[tilespmem:$0x5780] =	vst v63  }
0x22: {  	s29 =	simm.s32 $0x180  }
0x23: {  	[spmem:s3] =	stream.indirect.scatter.add.f32 [tilespmem:s12], [sflag:$0x1], $0x10, s29, s13, $0xb8;
	[tilespmem:$0x5780] =	vst v63  }
0x24: {  	s30 =	simm.s32 $0x200  }
0x25: {  	[spmem:s3] =	stream.indirect.scatter.add.f32 [tilespmem:s12], [sflag:$0x1], $0x10, s30, s13, $0xb8;
	[tilespmem:$0x5780] =	vst v63  }
0x26: {  	s31 =	simm.s32 $0x280  }
0x27: {  	[spmem:s3] =	stream.indirect.scatter.add.f32 [tilespmem:s12], [sflag:$0x1], $0x10, s31, s13, $0xb8;
	[tilespmem:$0x5780] =	vst v63  }
0x28: {  	s17 =	simm.s32 $0x300  }
0x29: {  	[spmem:s3] =	stream.indirect.scatter.add.f32 [tilespmem:s12], [sflag:$0x1], $0x10, s17, s13, $0xb8;
	[tilespmem:$0x5780] =	vst v63  }
0x2a: {  	s18 =	simm.s32 $0x380  }
0x2b: {  	[spmem:s3] =	stream.indirect.scatter.add.f32 [tilespmem:s12], [sflag:$0x1], $0x10, s18, s13, $0xb8;
	[tilespmem:$0x5780] =	vst v63  }
0x2c: {  	s19 =	simm.s32 $0x400  }
0x2d: {  	[spmem:s3] =	stream.indirect.scatter.add.f32 [tilespmem:s12], [sflag:$0x1], $0x10, s19, s13, $0xb8;
	[tilespmem:$0x5780] =	vst v63  }
0x2e: {  	s20 =	simm.s32 $0x480  }
0x2f: {  	[spmem:s3] =	stream.indirect.scatter.add.f32 [tilespmem:s12], [sflag:$0x1], $0x10, s20, s13, $0xb8;
	[tilespmem:$0x5780] =	vst v63  }
0x30: {  	s21 =	simm.s32 $0x500  }
0x31: {  	[spmem:s3] =	stream.indirect.scatter.add.f32 [tilespmem:s12], [sflag:$0x1], $0x10, s21, s13, $0xb8;
	[tilespmem:$0x5780] =	vst v63  }
0x32: {  	s22 =	simm.s32 $0x580  }
0x33: {  	[spmem:s3] =	stream.indirect.scatter.add.f32 [tilespmem:s12], [sflag:$0x1], $0x10, s22, s13, $0xb8;
	[tilespmem:$0x5780] =	vst v63  }
0x34: {  	s23 =	simm.s32 $0x600  }
0x35: {  	[spmem:s3] =	stream.indirect.scatter.add.f32 [tilespmem:s12], [sflag:$0x1], $0x10, s23, s13, $0xb8;
	[tilespmem:$0x5780] =	vst v63  }
0x36: {  	s24 =	simm.s32 $0x680  }
0x37: {  	[spmem:s3] =	stream.indirect.scatter.add.f32 [tilespmem:s12], [sflag:$0x1], $0x10, s24, s13, $0xb8;
	[tilespmem:$0x5780] =	vst v63  }
0x38: {  	s25 =	simm.s32 $0x700  }
0x39: {  	[spmem:s3] =	stream.indirect.scatter.add.f32 [tilespmem:s12], [sflag:$0x1], $0x10, s25, s13, $0xb8;
	[tilespmem:$0x5780] =	vst v63  }
0x3a: {  	s26 =	simm.s32 $0x780  }
0x3b: {  	[spmem:s3] =	stream.indirect.scatter.add.f32 [tilespmem:s12], [sflag:$0x1], $0x10, s26, s13, $0xb8;
	[tilespmem:$0x5780] =	vst v63  }
0x3c: {  	s28 =	simm.s32 $0x800  }
0x3d: {  	[spmem:s3] =	stream.indirect.scatter.add.f32 [tilespmem:s12], [sflag:$0x1], $0x10, s28, s13, $0xb8;
	[tilespmem:$0x5780] =	vst v63  }
0x3e: {  	s29 =	simm.s32 $0x880  }
0x3f: {  	[spmem:s3] =	stream.indirect.scatter.add.f32 [tilespmem:s12], [sflag:$0x1], $0x10, s29, s13, $0xb8;
	[tilespmem:$0x5780] =	vst v63  }
0x40: {  	s30 =	simm.s32 $0x900  }
0x41: {  	[spmem:s3] =	stream.indirect.scatter.add.f32 [tilespmem:s12], [sflag:$0x1], $0x10, s30, s13, $0xb8;
	[tilespmem:$0x5780] =	vst v63  }
0x42: {  	s31 =	simm.s32 $0x980  }
0x43: {  	[spmem:s3] =	stream.indirect.scatter.add.f32 [tilespmem:s12], [sflag:$0x1], $0x10, s31, s13, $0xb8;
	[tilespmem:$0x5780] =	vst v63  }
0x44: {  	_ =	swait.ge [sflag:s14], $0x800  }
0x45: {  	[sflag:s14] =	ssyncset.done $0x0  }
0x46: {  	[sflag:s14] =	ssyncadd.s32 $0xFFFFF800  }
0x47: {  	_ =	swait.ge [sflag:s14], $0x800  }
0x48: {  	[sflag:s14] =	ssyncset.done $0x0  }
0x49: {  	[sflag:s14] =	ssyncadd.s32 $0xFFFFF800  }
0x4a: {  	_ =	swait.ge [sflag:s14], $0x800  }
0x4b: {  	[sflag:s14] =	ssyncset.done $0x0  }
0x4c: {  	[sflag:s14] =	ssyncadd.s32 $0xFFFFF800  }
0x4d: {  	_ =	swait.ge [sflag:s14], $0x800  }
0x4e: {  	[sflag:s14] =	ssyncset.done $0x0  }
0x4f: {  	[sflag:s14] =	ssyncadd.s32 $0xFFFFF800  }
0x50: {  	_ =	swait.ge [sflag:s14], $0x800  }
0x51: {  	[sflag:s14] =	ssyncset.done $0x0  }
0x52: {  	[sflag:s14] =	ssyncadd.s32 $0xFFFFF800  }
0x53: {  	_ =	swait.ge [sflag:s14], $0x800  }
0x54: {  	[sflag:s14] =	ssyncset.done $0x0  }
0x55: {  	[sflag:s14] =	ssyncadd.s32 $0xFFFFF800  }
0x56: {  	_ =	swait.ge [sflag:s14], $0x800  }
0x57: {  	[sflag:s14] =	ssyncset.done $0x0  }
0x58: {  	[sflag:s14] =	ssyncadd.s32 $0xFFFFF800  }
0x59: {  	_ =	swait.ge [sflag:s14], $0x800  }
0x5a: {  	[sflag:s14] =	ssyncset.done $0x0  }
0x5b: {  	[sflag:s14] =	ssyncadd.s32 $0xFFFFF800  }
0x5c: {  	_ =	swait.ge [sflag:s14], $0x800  }
0x5d: {  	[sflag:s14] =	ssyncset.done $0x0  }
0x5e: {  	[sflag:s14] =	ssyncadd.s32 $0xFFFFF800  }
0x5f: {  	_ =	swait.ge [sflag:s14], $0x800  }
0x60: {  	[sflag:s14] =	ssyncset.done $0x0  }
0x61: {  	[sflag:s14] =	ssyncadd.s32 $0xFFFFF800  }
0x62: {  	_ =	swait.ge [sflag:s14], $0x800  }
0x63: {  	[sflag:s14] =	ssyncset.done $0x0  }
0x64: {  	[sflag:s14] =	ssyncadd.s32 $0xFFFFF800  }
0x65: {  	_ =	swait.ge [sflag:s14], $0x800  }
0x66: {  	[sflag:s14] =	ssyncset.done $0x0  }
0x67: {  	[sflag:s14] =	ssyncadd.s32 $0xFFFFF800  }
0x68: {  	_ =	swait.ge [sflag:s14], $0x800  }
0x69: {  	[sflag:s14] =	ssyncset.done $0x0  }
0x6a: {  	[sflag:s14] =	ssyncadd.s32 $0xFFFFF800  }
0x6b: {  	_ =	swait.ge [sflag:s14], $0x800  }
0x6c: {  	[sflag:s14] =	ssyncset.done $0x0  }
0x6d: {  	[sflag:s14] =	ssyncadd.s32 $0xFFFFF800  }
0x6e: {  	_ =	swait.ge [sflag:s14], $0x800  }
0x6f: {  	[sflag:s14] =	ssyncset.done $0x0  }
0x70: {  	[sflag:s14] =	ssyncadd.s32 $0xFFFFF800  }
0x71: {  	_ =	swait.ge [sflag:s14], $0x800  }
0x72: {  	[sflag:s14] =	ssyncset.done $0x0  }
0x73: {  	[sflag:s14] =	ssyncadd.s32 $0xFFFFF800  }
0x74: {  	_ =	swait.ge [sflag:s14], $0x800  }
0x75: {  	[sflag:s14] =	ssyncset.done $0x0  }
0x76: {  	[sflag:s14] =	ssyncadd.s32 $0xFFFFF800  }
0x77: {  	_ =	swait.ge [sflag:s14], $0x800  }
0x78: {  	[sflag:s14] =	ssyncset.done $0x0  }
0x79: {  	[sflag:s14] =	ssyncadd.s32 $0xFFFFF800  }
0x7a: {  	_ =	swait.ge [sflag:s14], $0x800  }
0x7b: {  	[sflag:s14] =	ssyncset.done $0x0  }
0x7c: {  	[sflag:s14] =	ssyncadd.s32 $0xFFFFF800  }
0x7d: {  	_ =	swait.ge [sflag:s14], $0x800  }
0x7e: {  	s16 =	simm.s32 $0x2800;
	s19 =	simm.s32 $0x5000;
	[sflag:s14] =	ssyncset.done $0x0  }
.LBB2_2:
0x7f: {  	s18 =	sshra.s32 s16, $0x2  }
0x80: {  	[sflag:s14] =	ssyncadd.s32 $0xFFFFF800;
	s16 =	smov.u32 s19;
	s17 =	sadd.s32 $0x2800, s19  }
0x81: {  	[spmem:s3] =	stream.indirect.scatter.add.f32 [tilespmem:s12], [sflag:$0x1], $0x10, s18, s13, $0xb8;
	[tilespmem:$0x5780] =	vst v63  }
0x82: {  	p0 =	sne.s32 s19, $0x7800;
	s19 =	sadd.s32 $0x80, s18  }
0x83: {  	[spmem:s3] =	stream.indirect.scatter.add.f32 [tilespmem:s12], [sflag:$0x1], $0x10, s19, s13, $0xb8;
	[tilespmem:$0x5780] =	vst v63  }
0x84: {  	s19 =	sadd.s32 $0x100, s18  }
0x85: {  	[spmem:s3] =	stream.indirect.scatter.add.f32 [tilespmem:s12], [sflag:$0x1], $0x10, s19, s13, $0xb8;
	[tilespmem:$0x5780] =	vst v63  }
0x86: {  	s19 =	sadd.s32 $0x180, s18  }
0x87: {  	[spmem:s3] =	stream.indirect.scatter.add.f32 [tilespmem:s12], [sflag:$0x1], $0x10, s19, s13, $0xb8;
	[tilespmem:$0x5780] =	vst v63  }
0x88: {  	s19 =	sadd.s32 $0x200, s18  }
0x89: {  	[spmem:s3] =	stream.indirect.scatter.add.f32 [tilespmem:s12], [sflag:$0x1], $0x10, s19, s13, $0xb8;
	[tilespmem:$0x5780] =	vst v63  }
0x8a: {  	s19 =	sadd.s32 $0x280, s18  }
0x8b: {  	[spmem:s3] =	stream.indirect.scatter.add.f32 [tilespmem:s12], [sflag:$0x1], $0x10, s19, s13, $0xb8;
	[tilespmem:$0x5780] =	vst v63  }
0x8c: {  	s19 =	sadd.s32 $0x300, s18  }
0x8d: {  	[spmem:s3] =	stream.indirect.scatter.add.f32 [tilespmem:s12], [sflag:$0x1], $0x10, s19, s13, $0xb8;
	[tilespmem:$0x5780] =	vst v63  }
0x8e: {  	s19 =	sadd.s32 $0x380, s18  }
0x8f: {  	[spmem:s3] =	stream.indirect.scatter.add.f32 [tilespmem:s12], [sflag:$0x1], $0x10, s19, s13, $0xb8;
	[tilespmem:$0x5780] =	vst v63  }
0x90: {  	s19 =	sadd.s32 $0x400, s18  }
0x91: {  	[spmem:s3] =	stream.indirect.scatter.add.f32 [tilespmem:s12], [sflag:$0x1], $0x10, s19, s13, $0xb8;
	[tilespmem:$0x5780] =	vst v63  }
0x92: {  	s19 =	sadd.s32 $0x480, s18  }
0x93: {  	[spmem:s3] =	stream.indirect.scatter.add.f32 [tilespmem:s12], [sflag:$0x1], $0x10, s19, s13, $0xb8;
	[tilespmem:$0x5780] =	vst v63  }
0x94: {  	s19 =	sadd.s32 $0x500, s18  }
0x95: {  	[spmem:s3] =	stream.indirect.scatter.add.f32 [tilespmem:s12], [sflag:$0x1], $0x10, s19, s13, $0xb8;
	[tilespmem:$0x5780] =	vst v63  }
0x96: {  	s19 =	sadd.s32 $0x580, s18  }
0x97: {  	[spmem:s3] =	stream.indirect.scatter.add.f32 [tilespmem:s12], [sflag:$0x1], $0x10, s19, s13, $0xb8;
	[tilespmem:$0x5780] =	vst v63  }
0x98: {  	s19 =	sadd.s32 $0x600, s18  }
0x99: {  	[spmem:s3] =	stream.indirect.scatter.add.f32 [tilespmem:s12], [sflag:$0x1], $0x10, s19, s13, $0xb8;
	[tilespmem:$0x5780] =	vst v63  }
0x9a: {  	s19 =	sadd.s32 $0x680, s18  }
0x9b: {  	[spmem:s3] =	stream.indirect.scatter.add.f32 [tilespmem:s12], [sflag:$0x1], $0x10, s19, s13, $0xb8;
	[tilespmem:$0x5780] =	vst v63  }
0x9c: {  	s19 =	sadd.s32 $0x700, s18  }
0x9d: {  	[spmem:s3] =	stream.indirect.scatter.add.f32 [tilespmem:s12], [sflag:$0x1], $0x10, s19, s13, $0xb8;
	[tilespmem:$0x5780] =	vst v63  }
0x9e: {  	s19 =	sadd.s32 $0x780, s18  }
0x9f: {  	[spmem:s3] =	stream.indirect.scatter.add.f32 [tilespmem:s12], [sflag:$0x1], $0x10, s19, s13, $0xb8;
	[tilespmem:$0x5780] =	vst v63  }
0xa0: {  	s19 =	sadd.s32 $0x800, s18  }
0xa1: {  	[spmem:s3] =	stream.indirect.scatter.add.f32 [tilespmem:s12], [sflag:$0x1], $0x10, s19, s13, $0xb8;
	[tilespmem:$0x5780] =	vst v63  }
0xa2: {  	s19 =	sadd.s32 $0x880, s18  }
0xa3: {  	[spmem:s3] =	stream.indirect.scatter.add.f32 [tilespmem:s12], [sflag:$0x1], $0x10, s19, s13, $0xb8;
	[tilespmem:$0x5780] =	vst v63  }
0xa4: {  	s19 =	sadd.s32 $0x900, s18  }
0xa5: {  	[spmem:s3] =	stream.indirect.scatter.add.f32 [tilespmem:s12], [sflag:$0x1], $0x10, s19, s13, $0xb8;
	[tilespmem:$0x5780] =	vst v63  }
0xa6: {  	s18 =	sadd.s32 $0x980, s18  }
0xa7: {  	[spmem:s3] =	stream.indirect.scatter.add.f32 [tilespmem:s12], [sflag:$0x1], $0x10, s18, s13, $0xb8;
	[tilespmem:$0x5780] =	vst v63  }
0xa8: {  	_ =	swait.ge [sflag:s14], $0x800  }
0xa9: {  	[sflag:s14] =	ssyncset.done $0x0  }
0xaa: {  	[sflag:s14] =	ssyncadd.s32 $0xFFFFF800  }
0xab: {  	_ =	swait.ge [sflag:s14], $0x800  }
0xac: {  	[sflag:s14] =	ssyncset.done $0x0  }
0xad: {  	[sflag:s14] =	ssyncadd.s32 $0xFFFFF800  }
0xae: {  	_ =	swait.ge [sflag:s14], $0x800  }
0xaf: {  	[sflag:s14] =	ssyncset.done $0x0  }
0xb0: {  	[sflag:s14] =	ssyncadd.s32 $0xFFFFF800  }
0xb1: {  	_ =	swait.ge [sflag:s14], $0x800  }
0xb2: {  	[sflag:s14] =	ssyncset.done $0x0  }
0xb3: {  	[sflag:s14] =	ssyncadd.s32 $0xFFFFF800  }
0xb4: {  	_ =	swait.ge [sflag:s14], $0x800  }
0xb5: {  	[sflag:s14] =	ssyncset.done $0x0  }
0xb6: {  	[sflag:s14] =	ssyncadd.s32 $0xFFFFF800  }
0xb7: {  	_ =	swait.ge [sflag:s14], $0x800  }
0xb8: {  	[sflag:s14] =	ssyncset.done $0x0  }
0xb9: {  	[sflag:s14] =	ssyncadd.s32 $0xFFFFF800  }
0xba: {  	_ =	swait.ge [sflag:s14], $0x800  }
0xbb: {  	[sflag:s14] =	ssyncset.done $0x0  }
0xbc: {  	[sflag:s14] =	ssyncadd.s32 $0xFFFFF800  }
0xbd: {  	_ =	swait.ge [sflag:s14], $0x800  }
0xbe: {  	[sflag:s14] =	ssyncset.done $0x0  }
0xbf: {  	[sflag:s14] =	ssyncadd.s32 $0xFFFFF800  }
0xc0: {  	_ =	swait.ge [sflag:s14], $0x800  }
0xc1: {  	[sflag:s14] =	ssyncset.done $0x0  }
0xc2: {  	[sflag:s14] =	ssyncadd.s32 $0xFFFFF800  }
0xc3: {  	_ =	swait.ge [sflag:s14], $0x800  }
0xc4: {  	[sflag:s14] =	ssyncset.done $0x0  }
0xc5: {  	[sflag:s14] =	ssyncadd.s32 $0xFFFFF800  }
0xc6: {  	_ =	swait.ge [sflag:s14], $0x800  }
0xc7: {  	[sflag:s14] =	ssyncset.done $0x0  }
0xc8: {  	[sflag:s14] =	ssyncadd.s32 $0xFFFFF800  }
0xc9: {  	_ =	swait.ge [sflag:s14], $0x800  }
0xca: {  	[sflag:s14] =	ssyncset.done $0x0  }
0xcb: {  	[sflag:s14] =	ssyncadd.s32 $0xFFFFF800  }
0xcc: {  	_ =	swait.ge [sflag:s14], $0x800  }
0xcd: {  	[sflag:s14] =	ssyncset.done $0x0  }
0xce: {  	[sflag:s14] =	ssyncadd.s32 $0xFFFFF800  }
0xcf: {  	_ =	swait.ge [sflag:s14], $0x800  }
0xd0: {  	[sflag:s14] =	ssyncset.done $0x0  }
0xd1: {  	[sflag:s14] =	ssyncadd.s32 $0xFFFFF800  }
0xd2: {  	_ =	swait.ge [sflag:s14], $0x800  }
0xd3: {  	[sflag:s14] =	ssyncset.done $0x0  }
0xd4: {  	[sflag:s14] =	ssyncadd.s32 $0xFFFFF800  }
0xd5: {  	_ =	swait.ge [sflag:s14], $0x800  }
0xd6: {  	[sflag:s14] =	ssyncset.done $0x0  }
0xd7: {  	[sflag:s14] =	ssyncadd.s32 $0xFFFFF800  }
0xd8: {  	_ =	swait.ge [sflag:s14], $0x800  }
0xd9: {  	[sflag:s14] =	ssyncset.done $0x0  }
0xda: {  	[sflag:s14] =	ssyncadd.s32 $0xFFFFF800  }
0xdb: {  	_ =	swait.ge [sflag:s14], $0x800  }
0xdc: {  	[sflag:s14] =	ssyncset.done $0x0  }
0xdd: {  	[sflag:s14] =	ssyncadd.s32 $0xFFFFF800  }
.Ltmp0:
0xde: {  	_ =	swait.ge [sflag:s14], $0x800;
	(pc) =	sbr.rel @p0 .LBB2_2-.Ltmp0, $4  }
0xdf: {  	[sflag:s14] =	ssyncset.done $0x0  }
0xe0: {  	[sflag:s14] =	ssyncadd.s32 $0xFFFFF800  }
0xe1: {  	_ =	swait.ge [sflag:s14], $0x800  }
0xe2: {  	s19 =	smov.u32 s17;
	[sflag:s14] =	ssyncset.done $0x0  }
0xe3: {  	s16 =	sshra.s32 s16, $0x2;
	[sflag:s14] =	ssyncadd.s32 $0xFFFFF800  }
0xe4: {  	[spmem:s3] =	stream.indirect.scatter.add.f32 [tilespmem:s12], [sflag:$0x1], $0x10, s16, s13, $0xb8;
	[tilespmem:$0x5780] =	vst v63  }
0xe5: {  	s17 =	sadd.s32 $0x80, s16  }
0xe6: {  	[spmem:s3] =	stream.indirect.scatter.add.f32 [tilespmem:s12], [sflag:$0x1], $0x10, s17, s13, $0xb8;
	[tilespmem:$0x5780] =	vst v63  }
0xe7: {  	s28 =	sadd.s32 $0x100, s16  }
0xe8: {  	[spmem:s3] =	stream.indirect.scatter.add.f32 [tilespmem:s12], [sflag:$0x1], $0x10, s28, s13, $0xb8;
	[tilespmem:$0x5780] =	vst v63  }
0xe9: {  	s29 =	sadd.s32 $0x180, s16  }
0xea: {  	[spmem:s3] =	stream.indirect.scatter.add.f32 [tilespmem:s12], [sflag:$0x1], $0x10, s29, s13, $0xb8;
	[tilespmem:$0x5780] =	vst v63  }
0xeb: {  	s30 =	sadd.s32 $0x200, s16  }
0xec: {  	[spmem:s3] =	stream.indirect.scatter.add.f32 [tilespmem:s12], [sflag:$0x1], $0x10, s30, s13, $0xb8;
	[tilespmem:$0x5780] =	vst v63  }
0xed: {  	s31 =	sadd.s32 $0x280, s16  }
0xee: {  	[spmem:s3] =	stream.indirect.scatter.add.f32 [tilespmem:s12], [sflag:$0x1], $0x10, s31, s13, $0xb8;
	[tilespmem:$0x5780] =	vst v63  }
0xef: {  	s18 =	sadd.s32 $0x300, s16  }
0xf0: {  	[spmem:s3] =	stream.indirect.scatter.add.f32 [tilespmem:s12], [sflag:$0x1], $0x10, s18, s13, $0xb8;
	[tilespmem:$0x5780] =	vst v63  }
0xf1: {  	s19 =	sadd.s32 $0x380, s16  }
0xf2: {  	[spmem:s3] =	stream.indirect.scatter.add.f32 [tilespmem:s12], [sflag:$0x1], $0x10, s19, s13, $0xb8;
	[tilespmem:$0x5780] =	vst v63  }
0xf3: {  	s20 =	sadd.s32 $0x400, s16  }
0xf4: {  	[spmem:s3] =	stream.indirect.scatter.add.f32 [tilespmem:s12], [sflag:$0x1], $0x10, s20, s13, $0xb8;
	[tilespmem:$0x5780] =	vst v63  }
0xf5: {  	s21 =	sadd.s32 $0x480, s16  }
0xf6: {  	[spmem:s3] =	stream.indirect.scatter.add.f32 [tilespmem:s12], [sflag:$0x1], $0x10, s21, s13, $0xb8;
	[tilespmem:$0x5780] =	vst v63  }
0xf7: {  	s22 =	sadd.s32 $0x500, s16  }
0xf8: {  	[spmem:s3] =	stream.indirect.scatter.add.f32 [tilespmem:s12], [sflag:$0x1], $0x10, s22, s13, $0xb8;
	[tilespmem:$0x5780] =	vst v63  }
0xf9: {  	s23 =	sadd.s32 $0x580, s16  }
0xfa: {  	[spmem:s3] =	stream.indirect.scatter.add.f32 [tilespmem:s12], [sflag:$0x1], $0x10, s23, s13, $0xb8;
	[tilespmem:$0x5780] =	vst v63  }
0xfb: {  	s24 =	sadd.s32 $0x600, s16  }
0xfc: {  	[spmem:s3] =	stream.indirect.scatter.add.f32 [tilespmem:s12], [sflag:$0x1], $0x10, s24, s13, $0xb8;
	[tilespmem:$0x5780] =	vst v63  }
0xfd: {  	s25 =	sadd.s32 $0x680, s16  }
0xfe: {  	[spmem:s3] =	stream.indirect.scatter.add.f32 [tilespmem:s12], [sflag:$0x1], $0x10, s25, s13, $0xb8;
	[tilespmem:$0x5780] =	vst v63  }
0xff: {  	s26 =	sadd.s32 $0x700, s16  }
0x100: {  	[spmem:s3] =	stream.indirect.scatter.add.f32 [tilespmem:s12], [sflag:$0x1], $0x10, s26, s13, $0xb8;
	[tilespmem:$0x5780] =	vst v63  }
0x101: {  	s28 =	sadd.s32 $0x780, s16  }
0x102: {  	[spmem:s3] =	stream.indirect.scatter.add.f32 [tilespmem:s12], [sflag:$0x1], $0x10, s28, s13, $0xb8;
	[tilespmem:$0x5780] =	vst v63  }
0x103: {  	s29 =	sadd.s32 $0x800, s16  }
0x104: {  	[spmem:s3] =	stream.indirect.scatter.add.f32 [tilespmem:s12], [sflag:$0x1], $0x10, s29, s13, $0xb8;
	[tilespmem:$0x5780] =	vst v63  }
0x105: {  	s30 =	sadd.s32 $0x880, s16  }
0x106: {  	[spmem:s3] =	stream.indirect.scatter.add.f32 [tilespmem:s12], [sflag:$0x1], $0x10, s30, s13, $0xb8;
	[tilespmem:$0x5780] =	vst v63  }
0x107: {  	s31 =	sadd.s32 $0x900, s16  }
0x108: {  	[spmem:s3] =	stream.indirect.scatter.add.f32 [tilespmem:s12], [sflag:$0x1], $0x10, s31, s13, $0xb8;
	[tilespmem:$0x5780] =	vst v63  }
0x109: {  	s16 =	sadd.s32 $0x980, s16  }
0x10a: {  	[spmem:s3] =	stream.indirect.scatter.add.f32 [tilespmem:s12], [sflag:$0x1], $0x10, s16, s13, $0xb8;
	[tilespmem:$0x5780] =	vst v63  }
0x10b: {  	_ =	swait.ge [sflag:s14], $0x800  }
0x10c: {  	[sflag:s14] =	ssyncset.done $0x0  }
0x10d: {  	[sflag:s14] =	ssyncadd.s32 $0xFFFFF800  }
0x10e: {  	_ =	swait.ge [sflag:s14], $0x800  }
0x10f: {  	[sflag:s14] =	ssyncset.done $0x0  }
0x110: {  	[sflag:s14] =	ssyncadd.s32 $0xFFFFF800  }
0x111: {  	_ =	swait.ge [sflag:s14], $0x800  }
0x112: {  	[sflag:s14] =	ssyncset.done $0x0  }
0x113: {  	[sflag:s14] =	ssyncadd.s32 $0xFFFFF800  }
0x114: {  	_ =	swait.ge [sflag:s14], $0x800  }
0x115: {  	[sflag:s14] =	ssyncset.done $0x0  }
0x116: {  	[sflag:s14] =	ssyncadd.s32 $0xFFFFF800  }
0x117: {  	_ =	swait.ge [sflag:s14], $0x800  }
0x118: {  	[sflag:s14] =	ssyncset.done $0x0  }
0x119: {  	[sflag:s14] =	ssyncadd.s32 $0xFFFFF800  }
0x11a: {  	_ =	swait.ge [sflag:s14], $0x800  }
0x11b: {  	[sflag:s14] =	ssyncset.done $0x0  }
0x11c: {  	[sflag:s14] =	ssyncadd.s32 $0xFFFFF800  }
0x11d: {  	_ =	swait.ge [sflag:s14], $0x800  }
0x11e: {  	[sflag:s14] =	ssyncset.done $0x0  }
0x11f: {  	[sflag:s14] =	ssyncadd.s32 $0xFFFFF800  }
0x120: {  	_ =	swait.ge [sflag:s14], $0x800  }
0x121: {  	[sflag:s14] =	ssyncset.done $0x0  }
0x122: {  	[sflag:s14] =	ssyncadd.s32 $0xFFFFF800  }
0x123: {  	_ =	swait.ge [sflag:s14], $0x800  }
0x124: {  	[sflag:s14] =	ssyncset.done $0x0  }
0x125: {  	[sflag:s14] =	ssyncadd.s32 $0xFFFFF800  }
0x126: {  	_ =	swait.ge [sflag:s14], $0x800  }
0x127: {  	[sflag:s14] =	ssyncset.done $0x0  }
0x128: {  	[sflag:s14] =	ssyncadd.s32 $0xFFFFF800  }
0x129: {  	_ =	swait.ge [sflag:s14], $0x800  }
0x12a: {  	[sflag:s14] =	ssyncset.done $0x0  }
0x12b: {  	[sflag:s14] =	ssyncadd.s32 $0xFFFFF800  }
0x12c: {  	_ =	swait.ge [sflag:s14], $0x800  }
0x12d: {  	[sflag:s14] =	ssyncset.done $0x0  }
0x12e: {  	[sflag:s14] =	ssyncadd.s32 $0xFFFFF800  }
0x12f: {  	_ =	swait.ge [sflag:s14], $0x800  }
0x130: {  	[sflag:s14] =	ssyncset.done $0x0  }
0x131: {  	[sflag:s14] =	ssyncadd.s32 $0xFFFFF800  }
0x132: {  	_ =	swait.ge [sflag:s14], $0x800  }
0x133: {  	[sflag:s14] =	ssyncset.done $0x0  }
0x134: {  	[sflag:s14] =	ssyncadd.s32 $0xFFFFF800  }
0x135: {  	_ =	swait.ge [sflag:s14], $0x800  }
0x136: {  	[sflag:s14] =	ssyncset.done $0x0  }
0x137: {  	[sflag:s14] =	ssyncadd.s32 $0xFFFFF800  }
0x138: {  	_ =	swait.ge [sflag:s14], $0x800  }
0x139: {  	[sflag:s14] =	ssyncset.done $0x0  }
0x13a: {  	[sflag:s14] =	ssyncadd.s32 $0xFFFFF800  }
0x13b: {  	_ =	swait.ge [sflag:s14], $0x800  }
0x13c: {  	[sflag:s14] =	ssyncset.done $0x0  }
0x13d: {  	[sflag:s14] =	ssyncadd.s32 $0xFFFFF800  }
0x13e: {  	_ =	swait.ge [sflag:s14], $0x800  }
0x13f: {  	[sflag:s14] =	ssyncset.done $0x0  }
0x140: {  	[sflag:s14] =	ssyncadd.s32 $0xFFFFF800  }
0x141: {  	_ =	swait.ge [sflag:s14], $0x800  }
0x142: {  	[sflag:s14] =	ssyncset.done $0x0  }
0x143: {  	[sflag:s14] =	ssyncadd.s32 $0xFFFFF800  }
0x144: {  	_ =	swait.ge [sflag:s14], $0x800  }
0x145: {  	s15 =	sadd.s32 $0x1, s15;
	[sflag:s14] =	ssyncset.done $0x0  }
0x146: {  	p0 =	sne.s32 s15, s9;
	[sflag:s14] =	ssyncadd.s32 $0xFFFFF800  }
.Ltmp1:
0x147: {  	[bflag:$0x0] =	sbarrier.arrive $0xFFFF;
	(pc) =	sbr.rel @p0 .LBB2_1-.Ltmp1, $4  }
0x148: {  	[hbm:s8], [sflag:s6] =	dma.local [spmem:s10], $0x4F0  }
0x149: {  	_ =	swait.ge [sflag:s11], $0x4F0  }
0x14a: {  	[sflag:s11] =	ssyncset.done $0x0  }
0x14b: {  	[sflag:s11] =	ssyncadd.s32 $0xFFFFFB10  }
0x14c: {  	_ =	sfence.sel $0x180000  }
0x14d: {  	[bflag:$0x0] =	sbarrier.arrive $0xFFFF  }
0x14e: {  	p0 =	sne.s32 s0, $0x0;
	_ =	strace $0x90000047  }
0x14f: {  	s0 =	sadd.s32 @!p0 $0x100000, s2;
	[bflag:$0x2] =	sbarrier.arrive $0xFFFF  }
0x150: {  	[sflag:s0] =	ssyncadd.tile.s32 @!p0 $0x1;
	_ =	shalt  }
.Lfunc_end2:
_tile_overlayer_lowered:
.L_overlay_start_2:
0x151: {  	(tag) =	ssettag $0x2  }
0x152: {  	s0 =	rddreg [dreg:$0x0];
	s2 =	stileid.u32  }
0x153: {  	s1 =	rddreg [dreg:$0x1];
	p0 =	sne.s32 s2, $0x0  }
0x154: {  	s3 =	rddreg [dreg:$0x2];
	[bflag:$0x3] =	sbarrier.arrive $0xFFFF;
	s2 =	simm.s32 @!p0 $0x1C02  }
0x155: {  	[timem:s3], [sflag:s2] =	dma.local @!p0 [hbm:s0], s1  }
0x156: {  	s0 =	simm.s32 @!p0 $0x2  }
0x157: {  	_ =	swait.ge @!p0 [sflag:s0], s1  }
0x158: {  	s1 =	ssub.s32 @!p0 $0x0, s1;
	[sflag:s0] =	ssyncset.done @!p0 $0x0  }
0x159: {  	[sflag:s0] =	ssyncadd.s32 @!p0 s1  }
0x15a: {  	[bflag:$0x3] =	sbarrier.arrive $0xFFFF  }
0x15b: {  	_ =	shalt  }

</sc_bundles>
